<compile_context>
chip_gen: v7x
topology: tpu7x:2x2x1
jax: 0.10.2.dev20260603
libtpu: 0.0.44.dev20260713+nightly
codegen_flags: <defaults>
</compile_context>

<pallas_src>
import functools

import jax
import jax.numpy as jnp
from jax import lax
from jax.experimental import pallas as pl
from jax.experimental.pallas import tpu as pltpu
from jax.experimental.pallas import tpu_sc as plsc

N = 10000
E = 320000
D = 128
NC = 2
NS = 16
NW = NC * NS
C = 96
K = (E + NW * C - 1) // (NW * C)
EPAD = NW * C * K
NPAD = 10112
RPS = NPAD // NS
NPADG = 10240
RPSG = NPADG // NS
BR = 2000



def _sc_mesh():
    return plsc.VectorSubcoreMesh(core_axis_name="c", subcore_axis_name="s",
                                  num_cores=NC, num_subcores=NS)


@functools.partial(
    pl.kernel,
    mesh=_sc_mesh(),
    out_type=jax.ShapeDtypeStruct((NC, NPADG), jnp.float32),
    scratch_types=[
        pltpu.VMEM((K, 2, C), jnp.int32),
        pltpu.VMEM((C,), jnp.float32),
        pltpu.VMEM_SHARED((NPADG,), jnp.float32),
    ],
)
def _sc_degree(eidx_hbm, ones_hbm, zeros1_hbm, out_hbm, idx_v, ones_v, deg_sh):
    cid = lax.axis_index("c")
    sid = lax.axis_index("s")
    wid = sid * NC + cid
    pltpu.sync_copy(zeros1_hbm.at[pl.ds(sid * RPSG, RPSG)],
                    deg_sh.at[pl.ds(sid * RPSG, RPSG)])
    pltpu.sync_copy(ones_hbm, ones_v)
    pltpu.sync_copy(eidx_hbm.at[wid], idx_v)
    plsc.subcore_barrier()

    def body(j, _):
        pltpu.sync_copy(ones_v, deg_sh.at[idx_v.at[j, 1]], add=True)
        return 0

    lax.fori_loop(0, K, body, 0)
    plsc.subcore_barrier()
    pltpu.sync_copy(deg_sh.at[pl.ds(sid * RPSG, RPSG)],
                    out_hbm.at[cid, pl.ds(sid * RPSG, RPSG)])


NBUF = 3
GA = NBUF - 1
NIDX = 8
IDX_AHEAD = 5


@functools.partial(
    pl.kernel,
    mesh=_sc_mesh(),
    out_type=jax.ShapeDtypeStruct((NC, NPAD, D), jnp.float32),
    scratch_types=[
        pltpu.VMEM((2 * NIDX, C), jnp.int32),
        pltpu.VMEM((NBUF, C, D), jnp.float32),
        pltpu.VMEM_SHARED((NPAD, D), jnp.float32),
        pltpu.SemaphoreType.DMA((NIDX,)),
        pltpu.SemaphoreType.DMA((NBUF,)),
        pltpu.SemaphoreType.DMA((NBUF,)),
    ],
)
def _sc_edge_pass(y_hbm, eidx_hbm, zeros_hbm, out_hbm,
                  idx_v, rows_v, acc_sh, isem, gsem, ssem):
    cid = lax.axis_index("c")
    sid = lax.axis_index("s")
    wid = sid * NC + cid
    pltpu.sync_copy(zeros_hbm.at[pl.ds(sid * RPS, RPS)],
                    acc_sh.at[pl.ds(sid * RPS, RPS)])

    def fire_idx(j):
        s = pl.multiple_of((j % NIDX) * 2, 2)
        pltpu.async_copy(eidx_hbm.at[wid, j], idx_v.at[pl.ds(s, 2)],
                         isem.at[j % NIDX])

    def fire_gather(j, b):
        s = pl.multiple_of((j % NIDX) * 2, 2)
        pltpu.make_async_copy(eidx_hbm.at[wid, j],
                              idx_v.at[pl.ds(s, 2)],
                              isem.at[j % NIDX]).wait()
        pltpu.async_copy(y_hbm.at[idx_v.at[(j % NIDX) * 2]],
                         rows_v.at[b], gsem.at[b])

    for j0 in range(IDX_AHEAD):
        fire_idx(j0)
    for j0 in range(GA):
        fire_gather(j0, j0)
    plsc.subcore_barrier()

    def body(jj, _):
        for b in range(NBUF):
            j = jj * NBUF + b

            @pl.when(j < K)
            def _():
                pltpu.make_async_copy(y_hbm.at[idx_v.at[(j % NIDX) * 2]],
                                      rows_v.at[b], gsem.at[b]).wait()
                dst_row = idx_v.at[(j % NIDX) * 2 + 1]

                @pl.when(j < K - NBUF)
                def _():
                    pltpu.async_copy(rows_v.at[b], acc_sh.at[dst_row],
                                     ssem.at[b], add=True)

                @pl.when(j >= K - NBUF)
                def _():
                    pltpu.sync_copy(rows_v.at[b], acc_sh.at[dst_row],
                                    add=True)

                ji = j + IDX_AHEAD

                @pl.when(ji < K)
                def _():
                    fire_idx(ji)

                jr = j + GA
                br = (b + GA) % NBUF

                @pl.when(jr < K)
                def _():
                    @pl.when(jr >= NBUF)
                    def _():
                        pltpu.make_async_copy(
                            rows_v.at[br],
                            acc_sh.at[idx_v.at[((jr - NBUF) % NIDX) * 2 + 1]],
                            ssem.at[br]).wait()

                    fire_gather(jr, br)
        return 0

    lax.fori_loop(0, (K + NBUF - 1) // NBUF, body, 0)
    plsc.subcore_barrier()
    pltpu.sync_copy(acc_sh.at[pl.ds(sid * RPS, RPS)],
                    out_hbm.at[cid, pl.ds(sid * RPS, RPS)])



def _dis_block(degp_ref):
    return lax.rsqrt(degp_ref[0, 0, :] + degp_ref[0, 1, :] + 1.0)[:, None]


def _mm_scale_body(x_ref, w_ref, degp_ref, y_ref):
    xw = jnp.dot(x_ref[...], w_ref[...], preferred_element_type=jnp.float32)
    y_ref[...] = xw * _dis_block(degp_ref)


def _layer2_body(p_ref, y1_ref, degp_ref, b1_ref, w34_ref, y2_ref):
    dis = _dis_block(degp_ref)
    tot = p_ref[0] + p_ref[1] + y1_ref[...]
    h = jnp.maximum(dis * tot + b1_ref[...][None, :], 0.0)
    y2_ref[...] = jnp.dot(h, w34_ref[...],
                          preferred_element_type=jnp.float32) * dis


def _final_body(q_ref, y2_ref, degp_ref, b34_ref, mean_ref, std_ref):
    dis = _dis_block(degp_ref)
    m = dis * (q_ref[0] + q_ref[1] + y2_ref[...]) + b34_ref[...][None, :]
    mean_ref[...] = m[:, :64]
    std_ref[...] = m[:, 64:]


_GRID = N // BR
_row_spec = pl.BlockSpec((BR, D), lambda i: (i, 0))
_full2_spec = pl.BlockSpec((1, 2, BR), lambda i: (i, 0, 0))
_w_spec = pl.BlockSpec((D, D), lambda i: (0, 0))
_b_spec = pl.BlockSpec((D,), lambda i: (0,))
_part_spec = pl.BlockSpec((2, BR, D), lambda i: (0, i, 0))
_half_spec = pl.BlockSpec((BR, 64), lambda i: (i, 0))

_mm_scale = pl.pallas_call(
    _mm_scale_body,
    grid=(_GRID,),
    in_specs=[_row_spec, _w_spec, _full2_spec],
    out_specs=_row_spec,
    out_shape=jax.ShapeDtypeStruct((N, D), jnp.float32),
)

_layer2 = pl.pallas_call(
    _layer2_body,
    grid=(_GRID,),
    in_specs=[_part_spec, _row_spec, _full2_spec, _b_spec, _w_spec],
    out_specs=_row_spec,
    out_shape=jax.ShapeDtypeStruct((N, D), jnp.float32),
)

_final = pl.pallas_call(
    _final_body,
    grid=(_GRID,),
    in_specs=[_part_spec, _row_spec, _full2_spec, _b_spec],
    out_specs=[_half_spec, _half_spec],
    out_shape=[jax.ShapeDtypeStruct((N, 64), jnp.float32),
               jax.ShapeDtypeStruct((N, 64), jnp.float32)],
)



def kernel(x, edge_index, W1, b1, W3, b3, W4, b4):
    pad = EPAD - E
    ar = jnp.arange(pad, dtype=jnp.int32)
    src = jnp.concatenate([edge_index[0], ar % N]).reshape(NW, K, C)
    dst = jnp.concatenate([edge_index[1], N + (ar % NS)]).reshape(NW, K, C)
    eidx = jnp.stack([src, dst], axis=2)
    ones_c = jnp.ones((C,), jnp.float32)
    zeros1 = jnp.zeros((NPADG,), jnp.float32)
    zeros2 = jnp.zeros((NPAD, D), jnp.float32)
    W34 = jnp.concatenate([W3, W4], axis=1)
    b34 = jnp.concatenate([b3, b4])

    degp = _sc_degree(eidx, ones_c, zeros1)
    degp_r = degp[:, :N].reshape(2, _GRID, BR).transpose(1, 0, 2)
    y1 = _mm_scale(x, W1, degp_r)
    p = _sc_edge_pass(y1, eidx, zeros2)
    y2 = _layer2(p, y1, degp_r, b1, W34)
    q = _sc_edge_pass(y2, eidx, zeros2)
    mean, std = _final(q, y2, degp_r, b34)
    return (mean, std)

# --- scband reference (transcript-rebuilt; emitter-appended) ---
"""Pipeline reference for scband-encoder-gcn-10969346474791 (READ-ONLY COPY).

The authoritative reference and input builder live on the scoring server;
editing this copy changes nothing except your own understanding.
"""

import jax, jax.numpy as jnp
import numpy as np

N = 10000
E = 320000
D_IN = 128
H = 128  # 2 * n_latent
OUT = 64


def _glorot(key, fan_in, fan_out):
    s = (6.0 / (fan_in + fan_out)) ** 0.5
    return jax.random.uniform(key, (fan_in, fan_out), minval=-s, maxval=s, dtype=jnp.float32)


def setup_inputs(seed: int = 0) -> dict:
    key = jax.random.key(seed)
    ks = jax.random.split(key, 8)
    x = jax.random.normal(ks[0], (N, D_IN), dtype=jnp.float32)
    edge_index = jax.random.randint(ks[1], (2, E), 0, N, dtype=jnp.int32)
    W1 = _glorot(ks[2], D_IN, H)
    b1 = jnp.zeros((H,), dtype=jnp.float32)
    W3 = _glorot(ks[3], H, OUT)
    b3 = jnp.zeros((OUT,), dtype=jnp.float32)
    W4 = _glorot(ks[4], H, OUT)
    b4 = jnp.zeros((OUT,), dtype=jnp.float32)
    return {"x": x, "edge_index": edge_index, "W1": W1, "b1": b1, "W3": W3, "b3": b3, "W4": W4, "b4": b4}


def gcn_conv(x, edge_index, W, b):
    # Faithful to torch_geometric GCNConv: linear -> add self-loops ->
    # symmetric normalization (deg from dst/col) -> scatter-add -> + bias
    n = x.shape[0]
    loop = jnp.arange(n, dtype=edge_index.dtype)
    src = jnp.concatenate([edge_index[0], loop])
    dst = jnp.concatenate([edge_index[1], loop])
    deg = jnp.zeros((n,), dtype=x.dtype).at[dst].add(1.0)
    deg_inv_sqrt = jnp.where(deg > 0, deg ** -0.5, 0.0)
    norm = deg_inv_sqrt[src] * deg_inv_sqrt[dst]
    xw = x @ W
    msg = xw[src] * norm[:, None]
    out = jnp.zeros((n, W.shape[1]), dtype=x.dtype).at[dst].add(msg)
    return out + b


def reference(x, edge_index, W1, b1, W3, b3, W4, b4):
    h = jax.nn.relu(gcn_conv(x, edge_index, W1, b1))  # dropout p=0.0 -> identity
    mean = gcn_conv(h, edge_index, W3, b3)
    std = gcn_conv(h, edge_index, W4, b4)
    return (mean, std)

if __name__ == "__main__":
    import jax
    _d = setup_inputs()
    print(jax.jit(kernel)(*tuple(_d.values())))

</pallas_src>

<mosaic_0001>
#map = affine_map<(d0, d1) -> (0, 0)>
#map1 = affine_map<(d0, d1) -> (0, 0, 0, 0)>
#map2 = affine_map<(d0, d1) -> (0, 0, 0)>
module attributes {stable_mosaic.version = 14 : i64} {
  func.func @_sc_edge_pass(%arg0: i32, %arg1: i32, %arg2: memref<10000x128xf32, #tpu.memory_space<hbm>>, %arg3: memref<32x105x2x96xi32, #tpu.memory_space<hbm>>, %arg4: memref<10112x128xf32, #tpu.memory_space<hbm>>, %arg5: memref<2x10112x128xf32, #tpu.memory_space<hbm>>, %arg6: memref<16x96xi32, #tpu.memory_space<vmem>>, %arg7: memref<3x96x128xf32, #tpu.memory_space<vmem>>, %arg8: memref<10112x128xf32, #tpu.memory_space<vmem_shared>>, %arg9: memref<8x!tpu.dma_semaphore, #tpu.memory_space<semaphore_mem>>, %arg10: memref<3x!tpu.dma_semaphore, #tpu.memory_space<semaphore_mem>>, %arg11: memref<3x!tpu.dma_semaphore, #tpu.memory_space<semaphore_mem>>) attributes {dimension_semantics = [#tpu.dimension_semantics<core_parallel>, #tpu.dimension_semantics<subcore_parallel>], iteration_bounds = array<i64: 2, 16>, scalar_prefetch = 0 : i64, scratch_operands = 6 : i64, tpu.core_type = #tpu.core_type<sc_vector_subcore>, window_params = [{transform_indices = #map}, {transform_indices = #map1}, {transform_indices = #map}, {transform_indices = #map2}]} {
    %mul3A = arith.constant 2 : i32
    %mul3A_0 = arith.muli %arg1, %mul3A : i32
    %add3A = arith.addi %mul3A_0, %arg0 : i32
    %mul3A_1 = arith.constant 632 : i32
    %mul3A_2 = arith.muli %arg1, %mul3A_1 : i32
    %mul3A_3 = arith.constant 632 : i32
    %mul3A_4 = arith.muli %arg1, %mul3A_3 : i32
    "tpu.region"() ({
      %run_scoped3A = tpu.sem_alloc : memref<!tpu.dma_semaphore, #tpu.memory_space<semaphore_mem>>
      %dma_start3A_169 = arith.constant 0 : i32
      %dma_start3A_170 = tpu.memref_slice %arg8[%mul3A_4, %dma_start3A_169] : memref<10112x128xf32, #tpu.memory_space<vmem_shared>> -> memref<632x128xf32, #tpu.memory_space<vmem_shared>>
      %dma_start3A_171 = arith.constant 0 : i32
      %dma_start3A_172 = tpu.memref_slice %arg4[%mul3A_2, %dma_start3A_171] : memref<10112x128xf32, #tpu.memory_space<hbm>> -> memref<632x128xf32, #tpu.memory_space<hbm>>
      tpu.enqueue_dma source(%dma_start3A_172 : memref<632x128xf32, #tpu.memory_space<hbm>>) target(%dma_start3A_170 : memref<632x128xf32, #tpu.memory_space<vmem_shared>>) target_semaphore(%run_scoped3A : memref<!tpu.dma_semaphore, #tpu.memory_space<semaphore_mem>>)
      %dma_wait3A_173 = arith.constant 0 : i32
      %dma_wait3A_174 = tpu.memref_slice %arg8[%mul3A_4, %dma_wait3A_173] : memref<10112x128xf32, #tpu.memory_space<vmem_shared>> -> memref<632x128xf32, #tpu.memory_space<vmem_shared>>
      %dma_wait3A_175 = arith.constant 0 : i32
      %dma_wait3A_176 = tpu.memref_slice %arg4[%mul3A_2, %dma_wait3A_175] : memref<10112x128xf32, #tpu.memory_space<hbm>> -> memref<632x128xf32, #tpu.memory_space<hbm>>
      tpu.wait_dma2 semaphore(%run_scoped3A : memref<!tpu.dma_semaphore, #tpu.memory_space<semaphore_mem>>) src(%dma_wait3A_176 : memref<632x128xf32, #tpu.memory_space<hbm>>) dst(%dma_wait3A_174 : memref<632x128xf32, #tpu.memory_space<vmem_shared>>)
      tpu.yield
    }) : () -> ()
    %multiple_of3A = arith.constant 0 : i32
    %multiple_of3A_5 = tpu.assume_multiple %multiple_of3A, 2 : i32
    %dma_start3A = arith.constant 0 : i32
    %dma_start3A_6 = arith.constant 0 : i32
    %dma_start3A_7 = arith.constant 0 : i32
    %dma_start3A_8 = tpu.memref_slice %arg6[%multiple_of3A_5, %dma_start3A_7] : memref<16x96xi32, #tpu.memory_space<vmem>> -> memref<2x96xi32, #tpu.memory_space<vmem>>
    %dma_start3A_9 = arith.constant 0 : i32
    %dma_start3A_10 = arith.constant 0 : i32
    %dma_start3A_11 = tpu.memref_slice %arg3[%add3A, %dma_start3A, %dma_start3A_9, %dma_start3A_10] : memref<32x105x2x96xi32, #tpu.memory_space<hbm>> -> memref<1x1x2x96xi32, #tpu.memory_space<hbm>>
    %dma_start3A_12 = tpu.memref_squeeze %dma_start3A_11 : memref<1x1x2x96xi32, #tpu.memory_space<hbm>> -> memref<2x96xi32, #tpu.memory_space<hbm>>
    %dma_start3A_13 = tpu.memref_slice %arg9[%dma_start3A_6] : memref<8x!tpu.dma_semaphore, #tpu.memory_space<semaphore_mem>> -> memref<1x!tpu.dma_semaphore, #tpu.memory_space<semaphore_mem>>
    %dma_start3A_14 = tpu.memref_squeeze %dma_start3A_13 : memref<1x!tpu.dma_semaphore, #tpu.memory_space<semaphore_mem>> -> memref<!tpu.dma_semaphore, #tpu.memory_space<semaphore_mem>>
    %dma_start3A_15 = arith.constant 0 : i32
    %dma_start3A_16 = tpu.memref_slice %arg6[%multiple_of3A_5, %dma_start3A_15] : memref<16x96xi32, #tpu.memory_space<vmem>> -> memref<2x96xi32, #tpu.memory_space<vmem>>
    %dma_start3A_17 = arith.constant 0 : i32
    %dma_start3A_18 = arith.constant 0 : i32
    %dma_start3A_19 = tpu.memref_slice %arg3[%add3A, %dma_start3A, %dma_start3A_17, %dma_start3A_18] : memref<32x105x2x96xi32, #tpu.memory_space<hbm>> -> memref<1x1x2x96xi32, #tpu.memory_space<hbm>>
    %dma_start3A_20 = tpu.memref_squeeze %dma_start3A_19 : memref<1x1x2x96xi32, #tpu.memory_space<hbm>> -> memref<2x96xi32, #tpu.memory_space<hbm>>
    tpu.enqueue_dma source(%dma_start3A_20 : memref<2x96xi32, #tpu.memory_space<hbm>>) target(%dma_start3A_16 : memref<2x96xi32, #tpu.memory_space<vmem>>) target_semaphore(%dma_start3A_14 : memref<!tpu.dma_semaphore, #tpu.memory_space<semaphore_mem>>)
    %multiple_of3A_21 = arith.constant 2 : i32
    %multiple_of3A_22 = tpu.assume_multiple %multiple_of3A_21, 2 : i32
    %dma_start3A_23 = arith.constant 1 : i32
    %dma_start3A_24 = arith.constant 1 : i32
    %dma_start3A_25 = arith.constant 0 : i32
    %dma_start3A_26 = tpu.memref_slice %arg6[%multiple_of3A_22, %dma_start3A_25] : memref<16x96xi32, #tpu.memory_space<vmem>> -> memref<2x96xi32, #tpu.memory_space<vmem>>
    %dma_start3A_27 = arith.constant 0 : i32
    %dma_start3A_28 = arith.constant 0 : i32
    %dma_start3A_29 = tpu.memref_slice %arg3[%add3A, %dma_start3A_23, %dma_start3A_27, %dma_start3A_28] : memref<32x105x2x96xi32, #tpu.memory_space<hbm>> -> memref<1x1x2x96xi32, #tpu.memory_space<hbm>>
    %dma_start3A_30 = tpu.memref_squeeze %dma_start3A_29 : memref<1x1x2x96xi32, #tpu.memory_space<hbm>> -> memref<2x96xi32, #tpu.memory_space<hbm>>
    %dma_start3A_31 = tpu.memref_slice %arg9[%dma_start3A_24] : memref<8x!tpu.dma_semaphore, #tpu.memory_space<semaphore_mem>> -> memref<1x!tpu.dma_semaphore, #tpu.memory_space<semaphore_mem>>
    %dma_start3A_32 = tpu.memref_squeeze %dma_start3A_31 : memref<1x!tpu.dma_semaphore, #tpu.memory_space<semaphore_mem>> -> memref<!tpu.dma_semaphore, #tpu.memory_space<semaphore_mem>>
    %dma_start3A_33 = arith.constant 0 : i32
    %dma_start3A_34 = tpu.memref_slice %arg6[%multiple_of3A_22, %dma_start3A_33] : memref<16x96xi32, #tpu.memory_space<vmem>> -> memref<2x96xi32, #tpu.memory_space<vmem>>
    %dma_start3A_35 = arith.constant 0 : i32
    %dma_start3A_36 = arith.constant 0 : i32
    %dma_start3A_37 = tpu.memref_slice %arg3[%add3A, %dma_start3A_23, %dma_start3A_35, %dma_start3A_36] : memref<32x105x2x96xi32, #tpu.memory_space<hbm>> -> memref<1x1x2x96xi32, #tpu.memory_space<hbm>>
    %dma_start3A_38 = tpu.memref_squeeze %dma_start3A_37 : memref<1x1x2x96xi32, #tpu.memory_space<hbm>> -> memref<2x96xi32, #tpu.memory_space<hbm>>
    tpu.enqueue_dma source(%dma_start3A_38 : memref<2x96xi32, #tpu.memory_space<hbm>>) target(%dma_start3A_34 : memref<2x96xi32, #tpu.memory_space<vmem>>) target_semaphore(%dma_start3A_32 : memref<!tpu.dma_semaphore, #tpu.memory_space<semaphore_mem>>)
    %multiple_of3A_39 = arith.constant 4 : i32
    %multiple_of3A_40 = tpu.assume_multiple %multiple_of3A_39, 2 : i32
    %dma_start3A_41 = arith.constant 2 : i32
    %dma_start3A_42 = arith.constant 2 : i32
    %dma_start3A_43 = arith.constant 0 : i32
    %dma_start3A_44 = tpu.memref_slice %arg6[%multiple_of3A_40, %dma_start3A_43] : memref<16x96xi32, #tpu.memory_space<vmem>> -> memref<2x96xi32, #tpu.memory_space<vmem>>
    %dma_start3A_45 = arith.constant 0 : i32
    %dma_start3A_46 = arith.constant 0 : i32
    %dma_start3A_47 = tpu.memref_slice %arg3[%add3A, %dma_start3A_41, %dma_start3A_45, %dma_start3A_46] : memref<32x105x2x96xi32, #tpu.memory_space<hbm>> -> memref<1x1x2x96xi32, #tpu.memory_space<hbm>>
    %dma_start3A_48 = tpu.memref_squeeze %dma_start3A_47 : memref<1x1x2x96xi32, #tpu.memory_space<hbm>> -> memref<2x96xi32, #tpu.memory_space<hbm>>
    %dma_start3A_49 = tpu.memref_slice %arg9[%dma_start3A_42] : memref<8x!tpu.dma_semaphore, #tpu.memory_space<semaphore_mem>> -> memref<1x!tpu.dma_semaphore, #tpu.memory_space<semaphore_mem>>
    %dma_start3A_50 = tpu.memref_squeeze %dma_start3A_49 : memref<1x!tpu.dma_semaphore, #tpu.memory_space<semaphore_mem>> -> memref<!tpu.dma_semaphore, #tpu.memory_space<semaphore_mem>>
    %dma_start3A_51 = arith.constant 0 : i32
    %dma_start3A_52 = tpu.memref_slice %arg6[%multiple_of3A_40, %dma_start3A_51] : memref<16x96xi32, #tpu.memory_space<vmem>> -> memref<2x96xi32, #tpu.memory_space<vmem>>
    %dma_start3A_53 = arith.constant 0 : i32
    %dma_start3A_54 = arith.constant 0 : i32
    %dma_start3A_55 = tpu.memref_slice %arg3[%add3A, %dma_start3A_41, %dma_start3A_53, %dma_start3A_54] : memref<32x105x2x96xi32, #tpu.memory_space<hbm>> -> memref<1x1x2x96xi32, #tpu.memory_space<hbm>>
    %dma_start3A_56 = tpu.memref_squeeze %dma_start3A_55 : memref<1x1x2x96xi32, #tpu.memory_space<hbm>> -> memref<2x96xi32, #tpu.memory_space<hbm>>
    tpu.enqueue_dma source(%dma_start3A_56 : memref<2x96xi32, #tpu.memory_space<hbm>>) target(%dma_start3A_52 : memref<2x96xi32, #tpu.memory_space<vmem>>) target_semaphore(%dma_start3A_50 : memref<!tpu.dma_semaphore, #tpu.memory_space<semaphore_mem>>)
    %multiple_of3A_57 = arith.constant 6 : i32
    %multiple_of3A_58 = tpu.assume_multiple %multiple_of3A_57, 2 : i32
    %dma_start3A_59 = arith.constant 3 : i32
    %dma_start3A_60 = arith.constant 3 : i32
    %dma_start3A_61 = arith.constant 0 : i32
    %dma_start3A_62 = tpu.memref_slice %arg6[%multiple_of3A_58, %dma_start3A_61] : memref<16x96xi32, #tpu.memory_space<vmem>> -> memref<2x96xi32, #tpu.memory_space<vmem>>
    %dma_start3A_63 = arith.constant 0 : i32
    %dma_start3A_64 = arith.constant 0 : i32
    %dma_start3A_65 = tpu.memref_slice %arg3[%add3A, %dma_start3A_59, %dma_start3A_63, %dma_start3A_64] : memref<32x105x2x96xi32, #tpu.memory_space<hbm>> -> memref<1x1x2x96xi32, #tpu.memory_space<hbm>>
    %dma_start3A_66 = tpu.memref_squeeze %dma_start3A_65 : memref<1x1x2x96xi32, #tpu.memory_space<hbm>> -> memref<2x96xi32, #tpu.memory_space<hbm>>
    %dma_start3A_67 = tpu.memref_slice %arg9[%dma_start3A_60] : memref<8x!tpu.dma_semaphore, #tpu.memory_space<semaphore_mem>> -> memref<1x!tpu.dma_semaphore, #tpu.memory_space<semaphore_mem>>
    %dma_start3A_68 = tpu.memref_squeeze %dma_start3A_67 : memref<1x!tpu.dma_semaphore, #tpu.memory_space<semaphore_mem>> -> memref<!tpu.dma_semaphore, #tpu.memory_space<semaphore_mem>>
    %dma_start3A_69 = arith.constant 0 : i32
    %dma_start3A_70 = tpu.memref_slice %arg6[%multiple_of3A_58, %dma_start3A_69] : memref<16x96xi32, #tpu.memory_space<vmem>> -> memref<2x96xi32, #tpu.memory_space<vmem>>
    %dma_start3A_71 = arith.constant 0 : i32
    %dma_start3A_72 = arith.constant 0 : i32
    %dma_start3A_73 = tpu.memref_slice %arg3[%add3A, %dma_start3A_59, %dma_start3A_71, %dma_start3A_72] : memref<32x105x2x96xi32, #tpu.memory_space<hbm>> -> memref<1x1x2x96xi32, #tpu.memory_space<hbm>>
    %dma_start3A_74 = tpu.memref_squeeze %dma_start3A_73 : memref<1x1x2x96xi32, #tpu.memory_space<hbm>> -> memref<2x96xi32, #tpu.memory_space<hbm>>
    tpu.enqueue_dma source(%dma_start3A_74 : memref<2x96xi32, #tpu.memory_space<hbm>>) target(%dma_start3A_70 : memref<2x96xi32, #tpu.memory_space<vmem>>) target_semaphore(%dma_start3A_68 : memref<!tpu.dma_semaphore, #tpu.memory_space<semaphore_mem>>)
    %multiple_of3A_75 = arith.constant 8 : i32
    %multiple_of3A_76 = tpu.assume_multiple %multiple_of3A_75, 2 : i32
    %dma_start3A_77 = arith.constant 4 : i32
    %dma_start3A_78 = arith.constant 4 : i32
    %dma_start3A_79 = arith.constant 0 : i32
    %dma_start3A_80 = tpu.memref_slice %arg6[%multiple_of3A_76, %dma_start3A_79] : memref<16x96xi32, #tpu.memory_space<vmem>> -> memref<2x96xi32, #tpu.memory_space<vmem>>
    %dma_start3A_81 = arith.constant 0 : i32
    %dma_start3A_82 = arith.constant 0 : i32
    %dma_start3A_83 = tpu.memref_slice %arg3[%add3A, %dma_start3A_77, %dma_start3A_81, %dma_start3A_82] : memref<32x105x2x96xi32, #tpu.memory_space<hbm>> -> memref<1x1x2x96xi32, #tpu.memory_space<hbm>>
    %dma_start3A_84 = tpu.memref_squeeze %dma_start3A_83 : memref<1x1x2x96xi32, #tpu.memory_space<hbm>> -> memref<2x96xi32, #tpu.memory_space<hbm>>
    %dma_start3A_85 = tpu.memref_slice %arg9[%dma_start3A_78] : memref<8x!tpu.dma_semaphore, #tpu.memory_space<semaphore_mem>> -> memref<1x!tpu.dma_semaphore, #tpu.memory_space<semaphore_mem>>
    %dma_start3A_86 = tpu.memref_squeeze %dma_start3A_85 : memref<1x!tpu.dma_semaphore, #tpu.memory_space<semaphore_mem>> -> memref<!tpu.dma_semaphore, #tpu.memory_space<semaphore_mem>>
    %dma_start3A_87 = arith.constant 0 : i32
    %dma_start3A_88 = tpu.memref_slice %arg6[%multiple_of3A_76, %dma_start3A_87] : memref<16x96xi32, #tpu.memory_space<vmem>> -> memref<2x96xi32, #tpu.memory_space<vmem>>
    %dma_start3A_89 = arith.constant 0 : i32
    %dma_start3A_90 = arith.constant 0 : i32
    %dma_start3A_91 = tpu.memref_slice %arg3[%add3A, %dma_start3A_77, %dma_start3A_89, %dma_start3A_90] : memref<32x105x2x96xi32, #tpu.memory_space<hbm>> -> memref<1x1x2x96xi32, #tpu.memory_space<hbm>>
    %dma_start3A_92 = tpu.memref_squeeze %dma_start3A_91 : memref<1x1x2x96xi32, #tpu.memory_space<hbm>> -> memref<2x96xi32, #tpu.memory_space<hbm>>
    tpu.enqueue_dma source(%dma_start3A_92 : memref<2x96xi32, #tpu.memory_space<hbm>>) target(%dma_start3A_88 : memref<2x96xi32, #tpu.memory_space<vmem>>) target_semaphore(%dma_start3A_86 : memref<!tpu.dma_semaphore, #tpu.memory_space<semaphore_mem>>)
    %multiple_of3A_93 = arith.constant 0 : i32
    %multiple_of3A_94 = tpu.assume_multiple %multiple_of3A_93, 2 : i32
    %dma_wait3A = arith.constant 0 : i32
    %dma_wait3A_95 = arith.constant 0 : i32
    %dma_wait3A_96 = arith.constant 0 : i32
    %dma_wait3A_97 = tpu.memref_slice %arg6[%multiple_of3A_94, %dma_wait3A_96] : memref<16x96xi32, #tpu.memory_space<vmem>> -> memref<2x96xi32, #tpu.memory_space<vmem>>
    %dma_wait3A_98 = arith.constant 0 : i32
    %dma_wait3A_99 = arith.constant 0 : i32
    %dma_wait3A_100 = tpu.memref_slice %arg3[%add3A, %dma_wait3A, %dma_wait3A_98, %dma_wait3A_99] : memref<32x105x2x96xi32, #tpu.memory_space<hbm>> -> memref<1x1x2x96xi32, #tpu.memory_space<hbm>>
    %dma_wait3A_101 = tpu.memref_squeeze %dma_wait3A_100 : memref<1x1x2x96xi32, #tpu.memory_space<hbm>> -> memref<2x96xi32, #tpu.memory_space<hbm>>
    %dma_wait3A_102 = tpu.memref_slice %arg9[%dma_wait3A_95] : memref<8x!tpu.dma_semaphore, #tpu.memory_space<semaphore_mem>> -> memref<1x!tpu.dma_semaphore, #tpu.memory_space<semaphore_mem>>
    %dma_wait3A_103 = tpu.memref_squeeze %dma_wait3A_102 : memref<1x!tpu.dma_semaphore, #tpu.memory_space<semaphore_mem>> -> memref<!tpu.dma_semaphore, #tpu.memory_space<semaphore_mem>>
    %dma_wait3A_104 = arith.constant 0 : i32
    %dma_wait3A_105 = tpu.memref_slice %arg6[%multiple_of3A_94, %dma_wait3A_104] : memref<16x96xi32, #tpu.memory_space<vmem>> -> memref<2x96xi32, #tpu.memory_space<vmem>>
    %dma_wait3A_106 = arith.constant 0 : i32
    %dma_wait3A_107 = arith.constant 0 : i32
    %dma_wait3A_108 = tpu.memref_slice %arg3[%add3A, %dma_wait3A, %dma_wait3A_106, %dma_wait3A_107] : memref<32x105x2x96xi32, #tpu.memory_space<hbm>> -> memref<1x1x2x96xi32, #tpu.memory_space<hbm>>
    %dma_wait3A_109 = tpu.memref_squeeze %dma_wait3A_108 : memref<1x1x2x96xi32, #tpu.memory_space<hbm>> -> memref<2x96xi32, #tpu.memory_space<hbm>>
    tpu.wait_dma2 semaphore(%dma_wait3A_103 : memref<!tpu.dma_semaphore, #tpu.memory_space<semaphore_mem>>) src(%dma_wait3A_109 : memref<2x96xi32, #tpu.memory_space<hbm>>) dst(%dma_wait3A_105 : memref<2x96xi32, #tpu.memory_space<vmem>>)
    %dma_start3A_110 = arith.constant 0 : i32
    %dma_start3A_111 = arith.constant 0 : i32
    %dma_start3A_112 = arith.constant 0 : i32
    %dma_start3A_113 = arith.constant 0 : i32
    %dma_start3A_114 = arith.constant 0 : i32
    %dma_start3A_115 = tpu.memref_slice %arg7[%dma_start3A_111, %dma_start3A_113, %dma_start3A_114] : memref<3x96x128xf32, #tpu.memory_space<vmem>> -> memref<1x96x128xf32, #tpu.memory_space<vmem>>
    %dma_start3A_116 = tpu.memref_squeeze %dma_start3A_115 : memref<1x96x128xf32, #tpu.memory_space<vmem>> -> memref<96x128xf32, #tpu.memory_space<vmem>>
    %dma_start3A_117 = arith.constant 0 : i32
    %dma_start3A_118 = tpu.memref_slice %arg6[%dma_start3A_110, %dma_start3A_117] : memref<16x96xi32, #tpu.memory_space<vmem>> -> memref<1x96xi32, #tpu.memory_space<vmem>>
    %dma_start3A_119 = tpu.memref_squeeze %dma_start3A_118 : memref<1x96xi32, #tpu.memory_space<vmem>> -> memref<96xi32, #tpu.memory_space<vmem>>
    %dma_start3A_120 = arith.constant 0 : i32
    %dma_start3A_121 = arith.constant 0 : i32
    %dma_start3A_122 = tpu.memref_slice %arg2[%dma_start3A_120, %dma_start3A_121] : memref<10000x128xf32, #tpu.memory_space<hbm>> -> memref<10000x128xf32, #tpu.memory_space<hbm>>
    %dma_start3A_123 = tpu.memref_slice %arg10[%dma_start3A_112] : memref<3x!tpu.dma_semaphore, #tpu.memory_space<semaphore_mem>> -> memref<1x!tpu.dma_semaphore, #tpu.memory_space<semaphore_mem>>
    %dma_start3A_124 = tpu.memref_squeeze %dma_start3A_123 : memref<1x!tpu.dma_semaphore, #tpu.memory_space<semaphore_mem>> -> memref<!tpu.dma_semaphore, #tpu.memory_space<semaphore_mem>>
    tpu.enqueue_indirect_dma source(%dma_start3A_122 : memref<10000x128xf32, #tpu.memory_space<hbm>>) target(%dma_start3A_116 : memref<96x128xf32, #tpu.memory_space<vmem>>) offsets(%dma_start3A_119 : memref<96xi32, #tpu.memory_space<vmem>>) semaphore(%dma_start3A_124 : memref<!tpu.dma_semaphore, #tpu.memory_space<semaphore_mem>>)
    %multiple_of3A_125 = arith.constant 2 : i32
    %multiple_of3A_126 = tpu.assume_multiple %multiple_of3A_125, 2 : i32
    %dma_wait3A_127 = arith.constant 1 : i32
    %dma_wait3A_128 = arith.constant 1 : i32
    %dma_wait3A_129 = arith.constant 0 : i32
    %dma_wait3A_130 = tpu.memref_slice %arg6[%multiple_of3A_126, %dma_wait3A_129] : memref<16x96xi32, #tpu.memory_space<vmem>> -> memref<2x96xi32, #tpu.memory_space<vmem>>
    %dma_wait3A_131 = arith.constant 0 : i32
    %dma_wait3A_132 = arith.constant 0 : i32
    %dma_wait3A_133 = tpu.memref_slice %arg3[%add3A, %dma_wait3A_127, %dma_wait3A_131, %dma_wait3A_132] : memref<32x105x2x96xi32, #tpu.memory_space<hbm>> -> memref<1x1x2x96xi32, #tpu.memory_space<hbm>>
    %dma_wait3A_134 = tpu.memref_squeeze %dma_wait3A_133 : memref<1x1x2x96xi32, #tpu.memory_space<hbm>> -> memref<2x96xi32, #tpu.memory_space<hbm>>
    %dma_wait3A_135 = tpu.memref_slice %arg9[%dma_wait3A_128] : memref<8x!tpu.dma_semaphore, #tpu.memory_space<semaphore_mem>> -> memref<1x!tpu.dma_semaphore, #tpu.memory_space<semaphore_mem>>
    %dma_wait3A_136 = tpu.memref_squeeze %dma_wait3A_135 : memref<1x!tpu.dma_semaphore, #tpu.memory_space<semaphore_mem>> -> memref<!tpu.dma_semaphore, #tpu.memory_space<semaphore_mem>>
    %dma_wait3A_137 = arith.constant 0 : i32
    %dma_wait3A_138 = tpu.memref_slice %arg6[%multiple_of3A_126, %dma_wait3A_137] : memref<16x96xi32, #tpu.memory_space<vmem>> -> memref<2x96xi32, #tpu.memory_space<vmem>>
    %dma_wait3A_139 = arith.constant 0 : i32
    %dma_wait3A_140 = arith.constant 0 : i32
    %dma_wait3A_141 = tpu.memref_slice %arg3[%add3A, %dma_wait3A_127, %dma_wait3A_139, %dma_wait3A_140] : memref<32x105x2x96xi32, #tpu.memory_space<hbm>> -> memref<1x1x2x96xi32, #tpu.memory_space<hbm>>
    %dma_wait3A_142 = tpu.memref_squeeze %dma_wait3A_141 : memref<1x1x2x96xi32, #tpu.memory_space<hbm>> -> memref<2x96xi32, #tpu.memory_space<hbm>>
    tpu.wait_dma2 semaphore(%dma_wait3A_136 : memref<!tpu.dma_semaphore, #tpu.memory_space<semaphore_mem>>) src(%dma_wait3A_142 : memref<2x96xi32, #tpu.memory_space<hbm>>) dst(%dma_wait3A_138 : memref<2x96xi32, #tpu.memory_space<vmem>>)
    %dma_start3A_143 = arith.constant 2 : i32
    %dma_start3A_144 = arith.constant 1 : i32
    %dma_start3A_145 = arith.constant 1 : i32
    %dma_start3A_146 = arith.constant 0 : i32
    %dma_start3A_147 = arith.constant 0 : i32
    %dma_start3A_148 = tpu.memref_slice %arg7[%dma_start3A_144, %dma_start3A_146, %dma_start3A_147] : memref<3x96x128xf32, #tpu.memory_space<vmem>> -> memref<1x96x128xf32, #tpu.memory_space<vmem>>
    %dma_start3A_149 = tpu.memref_squeeze %dma_start3A_148 : memref<1x96x128xf32, #tpu.memory_space<vmem>> -> memref<96x128xf32, #tpu.memory_space<vmem>>
    %dma_start3A_150 = arith.constant 0 : i32
    %dma_start3A_151 = tpu.memref_slice %arg6[%dma_start3A_143, %dma_start3A_150] : memref<16x96xi32, #tpu.memory_space<vmem>> -> memref<1x96xi32, #tpu.memory_space<vmem>>
    %dma_start3A_152 = tpu.memref_squeeze %dma_start3A_151 : memref<1x96xi32, #tpu.memory_space<vmem>> -> memref<96xi32, #tpu.memory_space<vmem>>
    %dma_start3A_153 = arith.constant 0 : i32
    %dma_start3A_154 = arith.constant 0 : i32
    %dma_start3A_155 = tpu.memref_slice %arg2[%dma_start3A_153, %dma_start3A_154] : memref<10000x128xf32, #tpu.memory_space<hbm>> -> memref<10000x128xf32, #tpu.memory_space<hbm>>
    %dma_start3A_156 = tpu.memref_slice %arg10[%dma_start3A_145] : memref<3x!tpu.dma_semaphore, #tpu.memory_space<semaphore_mem>> -> memref<1x!tpu.dma_semaphore, #tpu.memory_space<semaphore_mem>>
    %dma_start3A_157 = tpu.memref_squeeze %dma_start3A_156 : memref<1x!tpu.dma_semaphore, #tpu.memory_space<semaphore_mem>> -> memref<!tpu.dma_semaphore, #tpu.memory_space<semaphore_mem>>
    tpu.enqueue_indirect_dma source(%dma_start3A_155 : memref<10000x128xf32, #tpu.memory_space<hbm>>) target(%dma_start3A_149 : memref<96x128xf32, #tpu.memory_space<vmem>>) offsets(%dma_start3A_152 : memref<96xi32, #tpu.memory_space<vmem>>) semaphore(%dma_start3A_157 : memref<!tpu.dma_semaphore, #tpu.memory_space<semaphore_mem>>)
    %barrier3A = arith.constant 0 : index
    tpu.barrier barrier_id(%barrier3A)
    %scan3A = arith.constant 0 : i32
    %scan3A_158 = arith.constant 0 : i32
    %scan3A_159 = arith.constant 35 : i32
    %scan3A_160 = arith.addi %scan3A_158, %scan3A_159 : i32
    %scan3A_161 = arith.constant 1 : i32
    %scan3A_162 = scf.for %scan3A_169 = %scan3A_158 to %scan3A_160 step %scan3A_161 iter_args(%scan3A_170 = %scan3A) -> (i32)  : i32 {
      %mul3A_171 = arith.constant 3 : i32
      %mul3A_172 = arith.muli %scan3A_169, %mul3A_171 : i32
      %add3A_173 = arith.constant 0 : i32
      %add3A_174 = arith.addi %mul3A_172, %add3A_173 : i32
      %lt3A = arith.constant 105 : i32
      %lt3A_175 = arith.cmpi slt, %add3A_174, %lt3A : i32
      %convert_element_type3A = arith.extui %lt3A_175 : i1 to i32
      %cond3A = arith.constant 0 : i32
      %cond3A_176 = arith.cmpi ne, %convert_element_type3A, %cond3A : i32
      scf.if %cond3A_176 {
        %jit3A = arith.constant 8 : i32
        %eq3A = arith.constant 0 : i32
        %eq3A_196 = arith.cmpi eq, %jit3A, %eq3A : i32
        %jit3A_197 = arith.constant 1 : i32
        %select_n3A = arith.select %eq3A_196, %jit3A_197, %jit3A : i32
        %rem3A = arith.remsi %add3A_174, %select_n3A : i32
        %ne3A = arith.constant 0 : i32
        %ne3A_198 = arith.cmpi ne, %rem3A, %ne3A : i32
        %lt3A_199 = arith.constant 0 : i32
        %lt3A_200 = arith.cmpi slt, %rem3A, %lt3A_199 : i32
        %lt3A_201 = arith.constant 0 : i32
        %lt3A_202 = arith.cmpi slt, %select_n3A, %lt3A_201 : i32
        %ne3A_203 = arith.xori %lt3A_200, %lt3A_202 : i1
        %and3A = arith.andi %ne3A_203, %ne3A_198 : i1
        %add3A_204 = arith.addi %rem3A, %select_n3A : i32
        %select_n3A_205 = arith.select %and3A, %add3A_204, %rem3A : i32
        %mul3A_206 = arith.constant 2 : i32
        %mul3A_207 = arith.muli %select_n3A_205, %mul3A_206 : i32
        %dma_wait3A_208 = arith.constant 0 : i32
        %dma_wait3A_209 = arith.constant 0 : i32
        %dma_wait3A_210 = arith.constant 0 : i32
        %dma_wait3A_211 = arith.constant 0 : i32
        %dma_wait3A_212 = tpu.memref_slice %arg7[%dma_wait3A_208, %dma_wait3A_210, %dma_wait3A_211] : memref<3x96x128xf32, #tpu.memory_space<vmem>> -> memref<1x96x128xf32, #tpu.memory_space<vmem>>
        %dma_wait3A_213 = tpu.memref_squeeze %dma_wait3A_212 : memref<1x96x128xf32, #tpu.memory_space<vmem>> -> memref<96x128xf32, #tpu.memory_space<vmem>>
        %dma_wait3A_214 = arith.constant 0 : i32
        %dma_wait3A_215 = tpu.memref_slice %arg6[%mul3A_207, %dma_wait3A_214] : memref<16x96xi32, #tpu.memory_space<vmem>> -> memref<1x96xi32, #tpu.memory_space<vmem>>
        %dma_wait3A_216 = tpu.memref_squeeze %dma_wait3A_215 : memref<1x96xi32, #tpu.memory_space<vmem>> -> memref<96xi32, #tpu.memory_space<vmem>>
        %dma_wait3A_217 = arith.constant 0 : i32
        %dma_wait3A_218 = arith.constant 0 : i32
        %dma_wait3A_219 = tpu.memref_slice %arg2[%dma_wait3A_217, %dma_wait3A_218] : memref<10000x128xf32, #tpu.memory_space<hbm>> -> memref<10000x128xf32, #tpu.memory_space<hbm>>
        %dma_wait3A_220 = tpu.memref_slice %arg10[%dma_wait3A_209] : memref<3x!tpu.dma_semaphore, #tpu.memory_space<semaphore_mem>> -> memref<1x!tpu.dma_semaphore, #tpu.memory_space<semaphore_mem>>
        %dma_wait3A_221 = tpu.memref_squeeze %dma_wait3A_220 : memref<1x!tpu.dma_semaphore, #tpu.memory_space<semaphore_mem>> -> memref<!tpu.dma_semaphore, #tpu.memory_space<semaphore_mem>>
        tpu.wait_indirect_dma semaphore(%dma_wait3A_221 : memref<!tpu.dma_semaphore, #tpu.memory_space<semaphore_mem>>) src(%dma_wait3A_219 : memref<10000x128xf32, #tpu.memory_space<hbm>>) dst(%dma_wait3A_213 : memref<96x128xf32, #tpu.memory_space<vmem>>)
        %jit3A_222 = arith.constant 8 : i32
        %eq3A_223 = arith.constant 0 : i32
        %eq3A_224 = arith.cmpi eq, %jit3A_222, %eq3A_223 : i32
        %jit3A_225 = arith.constant 1 : i32
        %select_n3A_226 = arith.select %eq3A_224, %jit3A_225, %jit3A_222 : i32
        %rem3A_227 = arith.remsi %add3A_174, %select_n3A_226 : i32
        %ne3A_228 = arith.constant 0 : i32
        %ne3A_229 = arith.cmpi ne, %rem3A_227, %ne3A_228 : i32
        %lt3A_230 = arith.constant 0 : i32
        %lt3A_231 = arith.cmpi slt, %rem3A_227, %lt3A_230 : i32
        %lt3A_232 = arith.constant 0 : i32
        %lt3A_233 = arith.cmpi slt, %select_n3A_226, %lt3A_232 : i32
        %ne3A_234 = arith.xori %lt3A_231, %lt3A_233 : i1
        %and3A_235 = arith.andi %ne3A_234, %ne3A_229 : i1
        %add3A_236 = arith.addi %rem3A_227, %select_n3A_226 : i32
        %select_n3A_237 = arith.select %and3A_235, %add3A_236, %rem3A_227 : i32
        %mul3A_238 = arith.constant 2 : i32
        %mul3A_239 = arith.muli %select_n3A_237, %mul3A_238 : i32
        %add3A_240 = arith.constant 1 : i32
        %add3A_241 = arith.addi %mul3A_239, %add3A_240 : i32
        %lt3A_242 = arith.constant 102 : i32
        %lt3A_243 = arith.cmpi slt, %add3A_174, %lt3A_242 : i32
        %convert_element_type3A_244 = arith.extui %lt3A_243 : i1 to i32
        %cond3A_245 = arith.constant 0 : i32
        %cond3A_246 = arith.cmpi ne, %convert_element_type3A_244, %cond3A_245 : i32
        scf.if %cond3A_246 {
          %dma_start3A_265 = arith.constant 0 : i32
          %dma_start3A_266 = arith.constant 0 : i32
          %dma_start3A_267 = arith.constant 0 : i32
          %dma_start3A_268 = arith.constant 0 : i32
          %dma_start3A_269 = tpu.memref_slice %arg7[%dma_start3A_265, %dma_start3A_267, %dma_start3A_268] : memref<3x96x128xf32, #tpu.memory_space<vmem>> -> memref<1x96x128xf32, #tpu.memory_space<vmem>>
          %dma_start3A_270 = tpu.memref_squeeze %dma_start3A_269 : memref<1x96x128xf32, #tpu.memory_space<vmem>> -> memref<96x128xf32, #tpu.memory_space<vmem>>
          %dma_start3A_271 = arith.constant 0 : i32
          %dma_start3A_272 = tpu.memref_slice %arg6[%add3A_241, %dma_start3A_271] : memref<16x96xi32, #tpu.memory_space<vmem>> -> memref<1x96xi32, #tpu.memory_space<vmem>>
          %dma_start3A_273 = tpu.memref_squeeze %dma_start3A_272 : memref<1x96xi32, #tpu.memory_space<vmem>> -> memref<96xi32, #tpu.memory_space<vmem>>
          %dma_start3A_274 = arith.constant 0 : i32
          %dma_start3A_275 = arith.constant 0 : i32
          %dma_start3A_276 = tpu.memref_slice %arg8[%dma_start3A_274, %dma_start3A_275] : memref<10112x128xf32, #tpu.memory_space<vmem_shared>> -> memref<10112x128xf32, #tpu.memory_space<vmem_shared>>
          %dma_start3A_277 = tpu.memref_slice %arg11[%dma_start3A_266] : memref<3x!tpu.dma_semaphore, #tpu.memory_space<semaphore_mem>> -> memref<1x!tpu.dma_semaphore, #tpu.memory_space<semaphore_mem>>
          %dma_start3A_278 = tpu.memref_squeeze %dma_start3A_277 : memref<1x!tpu.dma_semaphore, #tpu.memory_space<semaphore_mem>> -> memref<!tpu.dma_semaphore, #tpu.memory_space<semaphore_mem>>
          tpu.enqueue_indirect_dma source(%dma_start3A_270 : memref<96x128xf32, #tpu.memory_space<vmem>>) target(%dma_start3A_276 : memref<10112x128xf32, #tpu.memory_space<vmem_shared>>) offsets(%dma_start3A_273 : memref<96xi32, #tpu.memory_space<vmem>>) semaphore(%dma_start3A_278 : memref<!tpu.dma_semaphore, #tpu.memory_space<semaphore_mem>>) {add = true}
        } else {
        }
        %ge3A = arith.constant 102 : i32
        %ge3A_247 = arith.cmpi sge, %add3A_174, %ge3A : i32
        %convert_element_type3A_248 = arith.extui %ge3A_247 : i1 to i32
        %cond3A_249 = arith.constant 0 : i32
        %cond3A_250 = arith.cmpi ne, %convert_element_type3A_248, %cond3A_249 : i32
        scf.if %cond3A_250 {
          %run_scoped3A = arith.constant 0 : i32
          "tpu.region"() ({
            %run_scoped3A_265 = tpu.sem_alloc : memref<!tpu.dma_semaphore, #tpu.memory_space<semaphore_mem>>
            %dma_start3A_266 = arith.constant 0 : i32
            %dma_start3A_267 = arith.constant 0 : i32
            %dma_start3A_268 = tpu.memref_slice %arg7[%run_scoped3A, %dma_start3A_266, %dma_start3A_267] : memref<3x96x128xf32, #tpu.memory_space<vmem>> -> memref<1x96x128xf32, #tpu.memory_space<vmem>>
            %dma_start3A_269 = tpu.memref_squeeze %dma_start3A_268 : memref<1x96x128xf32, #tpu.memory_space<vmem>> -> memref<96x128xf32, #tpu.memory_space<vmem>>
            %dma_start3A_270 = arith.constant 0 : i32
            %dma_start3A_271 = tpu.memref_slice %arg6[%add3A_241, %dma_start3A_270] : memref<16x96xi32, #tpu.memory_space<vmem>> -> memref<1x96xi32, #tpu.memory_space<vmem>>
            %dma_start3A_272 = tpu.memref_squeeze %dma_start3A_271 : memref<1x96xi32, #tpu.memory_space<vmem>> -> memref<96xi32, #tpu.memory_space<vmem>>
            %dma_start3A_273 = arith.constant 0 : i32
            %dma_start3A_274 = arith.constant 0 : i32
            %dma_start3A_275 = tpu.memref_slice %arg8[%dma_start3A_273, %dma_start3A_274] : memref<10112x128xf32, #tpu.memory_space<vmem_shared>> -> memref<10112x128xf32, #tpu.memory_space<vmem_shared>>
            tpu.enqueue_indirect_dma source(%dma_start3A_269 : memref<96x128xf32, #tpu.memory_space<vmem>>) target(%dma_start3A_275 : memref<10112x128xf32, #tpu.memory_space<vmem_shared>>) offsets(%dma_start3A_272 : memref<96xi32, #tpu.memory_space<vmem>>) semaphore(%run_scoped3A_265 : memref<!tpu.dma_semaphore, #tpu.memory_space<semaphore_mem>>) {add = true}
            %dma_wait3A_276 = arith.constant 0 : i32
            %dma_wait3A_277 = arith.constant 0 : i32
            %dma_wait3A_278 = tpu.memref_slice %arg7[%run_scoped3A, %dma_wait3A_276, %dma_wait3A_277] : memref<3x96x128xf32, #tpu.memory_space<vmem>> -> memref<1x96x128xf32, #tpu.memory_space<vmem>>
            %dma_wait3A_279 = tpu.memref_squeeze %dma_wait3A_278 : memref<1x96x128xf32, #tpu.memory_space<vmem>> -> memref<96x128xf32, #tpu.memory_space<vmem>>
            %dma_wait3A_280 = arith.constant 0 : i32
            %dma_wait3A_281 = tpu.memref_slice %arg6[%add3A_241, %dma_wait3A_280] : memref<16x96xi32, #tpu.memory_space<vmem>> -> memref<1x96xi32, #tpu.memory_space<vmem>>
            %dma_wait3A_282 = tpu.memref_squeeze %dma_wait3A_281 : memref<1x96xi32, #tpu.memory_space<vmem>> -> memref<96xi32, #tpu.memory_space<vmem>>
            %dma_wait3A_283 = arith.constant 0 : i32
            %dma_wait3A_284 = arith.constant 0 : i32
            %dma_wait3A_285 = tpu.memref_slice %arg8[%dma_wait3A_283, %dma_wait3A_284] : memref<10112x128xf32, #tpu.memory_space<vmem_shared>> -> memref<10112x128xf32, #tpu.memory_space<vmem_shared>>
            tpu.wait_indirect_dma semaphore(%run_scoped3A_265 : memref<!tpu.dma_semaphore, #tpu.memory_space<semaphore_mem>>) src(%dma_wait3A_279 : memref<96x128xf32, #tpu.memory_space<vmem>>) dst(%dma_wait3A_285 : memref<10112x128xf32, #tpu.memory_space<vmem_shared>>)
            tpu.yield
          }) : () -> ()
        } else {
        }
        %add3A_251 = arith.constant 5 : i32
        %add3A_252 = arith.addi %add3A_174, %add3A_251 : i32
        %lt3A_253 = arith.constant 105 : i32
        %lt3A_254 = arith.cmpi slt, %add3A_252, %lt3A_253 : i32
        %convert_element_type3A_255 = arith.extui %lt3A_254 : i1 to i32
        %cond3A_256 = arith.constant 0 : i32
        %cond3A_257 = arith.cmpi ne, %convert_element_type3A_255, %cond3A_256 : i32
        scf.if %cond3A_257 {
          %jit3A_265 = arith.constant 8 : i32
          %eq3A_266 = arith.constant 0 : i32
          %eq3A_267 = arith.cmpi eq, %jit3A_265, %eq3A_266 : i32
          %jit3A_268 = arith.constant 1 : i32
          %select_n3A_269 = arith.select %eq3A_267, %jit3A_268, %jit3A_265 : i32
          %rem3A_270 = arith.remsi %add3A_252, %select_n3A_269 : i32
          %ne3A_271 = arith.constant 0 : i32
          %ne3A_272 = arith.cmpi ne, %rem3A_270, %ne3A_271 : i32
          %lt3A_273 = arith.constant 0 : i32
          %lt3A_274 = arith.cmpi slt, %rem3A_270, %lt3A_273 : i32
          %lt3A_275 = arith.constant 0 : i32
          %lt3A_276 = arith.cmpi slt, %select_n3A_269, %lt3A_275 : i32
          %ne3A_277 = arith.xori %lt3A_274, %lt3A_276 : i1
          %and3A_278 = arith.andi %ne3A_277, %ne3A_272 : i1
          %add3A_279 = arith.addi %rem3A_270, %select_n3A_269 : i32
          %select_n3A_280 = arith.select %and3A_278, %add3A_279, %rem3A_270 : i32
          %mul3A_281 = arith.constant 2 : i32
          %mul3A_282 = arith.muli %select_n3A_280, %mul3A_281 : i32
          %multiple_of3A_283 = tpu.assume_multiple %mul3A_282, 2 : i32
          %jit3A_284 = arith.constant 8 : i32
          %eq3A_285 = arith.constant 0 : i32
          %eq3A_286 = arith.cmpi eq, %jit3A_284, %eq3A_285 : i32
          %jit3A_287 = arith.constant 1 : i32
          %select_n3A_288 = arith.select %eq3A_286, %jit3A_287, %jit3A_284 : i32
          %rem3A_289 = arith.remsi %add3A_252, %select_n3A_288 : i32
          %ne3A_290 = arith.constant 0 : i32
          %ne3A_291 = arith.cmpi ne, %rem3A_289, %ne3A_290 : i32
          %lt3A_292 = arith.constant 0 : i32
          %lt3A_293 = arith.cmpi slt, %rem3A_289, %lt3A_292 : i32
          %lt3A_294 = arith.constant 0 : i32
          %lt3A_295 = arith.cmpi slt, %select_n3A_288, %lt3A_294 : i32
          %ne3A_296 = arith.xori %lt3A_293, %lt3A_295 : i1
          %and3A_297 = arith.andi %ne3A_296, %ne3A_291 : i1
          %add3A_298 = arith.addi %rem3A_289, %select_n3A_288 : i32
          %select_n3A_299 = arith.select %and3A_297, %add3A_298, %rem3A_289 : i32
          %dma_start3A_300 = arith.constant 0 : i32
          %dma_start3A_301 = tpu.memref_slice %arg6[%multiple_of3A_283, %dma_start3A_300] : memref<16x96xi32, #tpu.memory_space<vmem>> -> memref<2x96xi32, #tpu.memory_space<vmem>>
          %dma_start3A_302 = arith.constant 0 : i32
          %dma_start3A_303 = arith.constant 0 : i32
          %dma_start3A_304 = tpu.memref_slice %arg3[%add3A, %add3A_252, %dma_start3A_302, %dma_start3A_303] : memref<32x105x2x96xi32, #tpu.memory_space<hbm>> -> memref<1x1x2x96xi32, #tpu.memory_space<hbm>>
          %dma_start3A_305 = tpu.memref_squeeze %dma_start3A_304 : memref<1x1x2x96xi32, #tpu.memory_space<hbm>> -> memref<2x96xi32, #tpu.memory_space<hbm>>
          %dma_start3A_306 = tpu.memref_slice %arg9[%select_n3A_299] : memref<8x!tpu.dma_semaphore, #tpu.memory_space<semaphore_mem>> -> memref<1x!tpu.dma_semaphore, #tpu.memory_space<semaphore_mem>>
          %dma_start3A_307 = tpu.memref_squeeze %dma_start3A_306 : memref<1x!tpu.dma_semaphore, #tpu.memory_space<semaphore_mem>> -> memref<!tpu.dma_semaphore, #tpu.memory_space<semaphore_mem>>
          %dma_start3A_308 = arith.constant 0 : i32
          %dma_start3A_309 = tpu.memref_slice %arg6[%multiple_of3A_283, %dma_start3A_308] : memref<16x96xi32, #tpu.memory_space<vmem>> -> memref<2x96xi32, #tpu.memory_space<vmem>>
          %dma_start3A_310 = arith.constant 0 : i32
          %dma_start3A_311 = arith.constant 0 : i32
          %dma_start3A_312 = tpu.memref_slice %arg3[%add3A, %add3A_252, %dma_start3A_310, %dma_start3A_311] : memref<32x105x2x96xi32, #tpu.memory_space<hbm>> -> memref<1x1x2x96xi32, #tpu.memory_space<hbm>>
          %dma_start3A_313 = tpu.memref_squeeze %dma_start3A_312 : memref<1x1x2x96xi32, #tpu.memory_space<hbm>> -> memref<2x96xi32, #tpu.memory_space<hbm>>
          tpu.enqueue_dma source(%dma_start3A_313 : memref<2x96xi32, #tpu.memory_space<hbm>>) target(%dma_start3A_309 : memref<2x96xi32, #tpu.memory_space<vmem>>) target_semaphore(%dma_start3A_307 : memref<!tpu.dma_semaphore, #tpu.memory_space<semaphore_mem>>)
        } else {
        }
        %add3A_258 = arith.constant 2 : i32
        %add3A_259 = arith.addi %add3A_174, %add3A_258 : i32
        %lt3A_260 = arith.constant 105 : i32
        %lt3A_261 = arith.cmpi slt, %add3A_259, %lt3A_260 : i32
        %convert_element_type3A_262 = arith.extui %lt3A_261 : i1 to i32
        %cond3A_263 = arith.constant 0 : i32
        %cond3A_264 = arith.cmpi ne, %convert_element_type3A_262, %cond3A_263 : i32
        scf.if %cond3A_264 {
          %ge3A_265 = arith.constant 3 : i32
          %ge3A_266 = arith.cmpi sge, %add3A_259, %ge3A_265 : i32
          %convert_element_type3A_267 = arith.extui %ge3A_266 : i1 to i32
          %cond3A_268 = arith.constant 0 : i32
          %cond3A_269 = arith.cmpi ne, %convert_element_type3A_267, %cond3A_268 : i32
          scf.if %cond3A_269 {
            %sub3A = arith.constant 3 : i32
            %sub3A_351 = arith.subi %add3A_259, %sub3A : i32
            %jit3A_352 = arith.constant 8 : i32
            %eq3A_353 = arith.constant 0 : i32
            %eq3A_354 = arith.cmpi eq, %jit3A_352, %eq3A_353 : i32
            %jit3A_355 = arith.constant 1 : i32
            %select_n3A_356 = arith.select %eq3A_354, %jit3A_355, %jit3A_352 : i32
            %rem3A_357 = arith.remsi %sub3A_351, %select_n3A_356 : i32
            %ne3A_358 = arith.constant 0 : i32
            %ne3A_359 = arith.cmpi ne, %rem3A_357, %ne3A_358 : i32
            %lt3A_360 = arith.constant 0 : i32
            %lt3A_361 = arith.cmpi slt, %rem3A_357, %lt3A_360 : i32
            %lt3A_362 = arith.constant 0 : i32
            %lt3A_363 = arith.cmpi slt, %select_n3A_356, %lt3A_362 : i32
            %ne3A_364 = arith.xori %lt3A_361, %lt3A_363 : i1
            %and3A_365 = arith.andi %ne3A_364, %ne3A_359 : i1
            %add3A_366 = arith.addi %rem3A_357, %select_n3A_356 : i32
            %select_n3A_367 = arith.select %and3A_365, %add3A_366, %rem3A_357 : i32
            %mul3A_368 = arith.constant 2 : i32
            %mul3A_369 = arith.muli %select_n3A_367, %mul3A_368 : i32
            %add3A_370 = arith.constant 1 : i32
            %add3A_371 = arith.addi %mul3A_369, %add3A_370 : i32
            %dma_wait3A_372 = arith.constant 2 : i32
            %dma_wait3A_373 = arith.constant 2 : i32
            %dma_wait3A_374 = arith.constant 0 : i32
            %dma_wait3A_375 = arith.constant 0 : i32
            %dma_wait3A_376 = tpu.memref_slice %arg7[%dma_wait3A_372, %dma_wait3A_374, %dma_wait3A_375] : memref<3x96x128xf32, #tpu.memory_space<vmem>> -> memref<1x96x128xf32, #tpu.memory_space<vmem>>
            %dma_wait3A_377 = tpu.memref_squeeze %dma_wait3A_376 : memref<1x96x128xf32, #tpu.memory_space<vmem>> -> memref<96x128xf32, #tpu.memory_space<vmem>>
            %dma_wait3A_378 = arith.constant 0 : i32
            %dma_wait3A_379 = tpu.memref_slice %arg6[%add3A_371, %dma_wait3A_378] : memref<16x96xi32, #tpu.memory_space<vmem>> -> memref<1x96xi32, #tpu.memory_space<vmem>>
            %dma_wait3A_380 = tpu.memref_squeeze %dma_wait3A_379 : memref<1x96xi32, #tpu.memory_space<vmem>> -> memref<96xi32, #tpu.memory_space<vmem>>
            %dma_wait3A_381 = arith.constant 0 : i32
            %dma_wait3A_382 = arith.constant 0 : i32
            %dma_wait3A_383 = tpu.memref_slice %arg8[%dma_wait3A_381, %dma_wait3A_382] : memref<10112x128xf32, #tpu.memory_space<vmem_shared>> -> memref<10112x128xf32, #tpu.memory_space<vmem_shared>>
            %dma_wait3A_384 = tpu.memref_slice %arg11[%dma_wait3A_373] : memref<3x!tpu.dma_semaphore, #tpu.memory_space<semaphore_mem>> -> memref<1x!tpu.dma_semaphore, #tpu.memory_space<semaphore_mem>>
            %dma_wait3A_385 = tpu.memref_squeeze %dma_wait3A_384 : memref<1x!tpu.dma_semaphore, #tpu.memory_space<semaphore_mem>> -> memref<!tpu.dma_semaphore, #tpu.memory_space<semaphore_mem>>
            tpu.wait_indirect_dma semaphore(%dma_wait3A_385 : memref<!tpu.dma_semaphore, #tpu.memory_space<semaphore_mem>>) src(%dma_wait3A_377 : memref<96x128xf32, #tpu.memory_space<vmem>>) dst(%dma_wait3A_383 : memref<10112x128xf32, #tpu.memory_space<vmem_shared>>)
          } else {
          }
          %jit3A_270 = arith.constant 8 : i32
          %eq3A_271 = arith.constant 0 : i32
          %eq3A_272 = arith.cmpi eq, %jit3A_270, %eq3A_271 : i32
          %jit3A_273 = arith.constant 1 : i32
          %select_n3A_274 = arith.select %eq3A_272, %jit3A_273, %jit3A_270 : i32
          %rem3A_275 = arith.remsi %add3A_259, %select_n3A_274 : i32
          %ne3A_276 = arith.constant 0 : i32
          %ne3A_277 = arith.cmpi ne, %rem3A_275, %ne3A_276 : i32
          %lt3A_278 = arith.constant 0 : i32
          %lt3A_279 = arith.cmpi slt, %rem3A_275, %lt3A_278 : i32
          %lt3A_280 = arith.constant 0 : i32
          %lt3A_281 = arith.cmpi slt, %select_n3A_274, %lt3A_280 : i32
          %ne3A_282 = arith.xori %lt3A_279, %lt3A_281 : i1
          %and3A_283 = arith.andi %ne3A_282, %ne3A_277 : i1
          %add3A_284 = arith.addi %rem3A_275, %select_n3A_274 : i32
          %select_n3A_285 = arith.select %and3A_283, %add3A_284, %rem3A_275 : i32
          %mul3A_286 = arith.constant 2 : i32
          %mul3A_287 = arith.muli %select_n3A_285, %mul3A_286 : i32
          %multiple_of3A_288 = tpu.assume_multiple %mul3A_287, 2 : i32
          %jit3A_289 = arith.constant 8 : i32
          %eq3A_290 = arith.constant 0 : i32
          %eq3A_291 = arith.cmpi eq, %jit3A_289, %eq3A_290 : i32
          %jit3A_292 = arith.constant 1 : i32
          %select_n3A_293 = arith.select %eq3A_291, %jit3A_292, %jit3A_289 : i32
          %rem3A_294 = arith.remsi %add3A_259, %select_n3A_293 : i32
          %ne3A_295 = arith.constant 0 : i32
          %ne3A_296 = arith.cmpi ne, %rem3A_294, %ne3A_295 : i32
          %lt3A_297 = arith.constant 0 : i32
          %lt3A_298 = arith.cmpi slt, %rem3A_294, %lt3A_297 : i32
          %lt3A_299 = arith.constant 0 : i32
          %lt3A_300 = arith.cmpi slt, %select_n3A_293, %lt3A_299 : i32
          %ne3A_301 = arith.xori %lt3A_298, %lt3A_300 : i1
          %and3A_302 = arith.andi %ne3A_301, %ne3A_296 : i1
          %add3A_303 = arith.addi %rem3A_294, %select_n3A_293 : i32
          %select_n3A_304 = arith.select %and3A_302, %add3A_303, %rem3A_294 : i32
          %dma_wait3A_305 = arith.constant 0 : i32
          %dma_wait3A_306 = tpu.memref_slice %arg6[%multiple_of3A_288, %dma_wait3A_305] : memref<16x96xi32, #tpu.memory_space<vmem>> -> memref<2x96xi32, #tpu.memory_space<vmem>>
          %dma_wait3A_307 = arith.constant 0 : i32
          %dma_wait3A_308 = arith.constant 0 : i32
          %dma_wait3A_309 = tpu.memref_slice %arg3[%add3A, %add3A_259, %dma_wait3A_307, %dma_wait3A_308] : memref<32x105x2x96xi32, #tpu.memory_space<hbm>> -> memref<1x1x2x96xi32, #tpu.memory_space<hbm>>
          %dma_wait3A_310 = tpu.memref_squeeze %dma_wait3A_309 : memref<1x1x2x96xi32, #tpu.memory_space<hbm>> -> memref<2x96xi32, #tpu.memory_space<hbm>>
          %dma_wait3A_311 = tpu.memref_slice %arg9[%select_n3A_304] : memref<8x!tpu.dma_semaphore, #tpu.memory_space<semaphore_mem>> -> memref<1x!tpu.dma_semaphore, #tpu.memory_space<semaphore_mem>>
          %dma_wait3A_312 = tpu.memref_squeeze %dma_wait3A_311 : memref<1x!tpu.dma_semaphore, #tpu.memory_space<semaphore_mem>> -> memref<!tpu.dma_semaphore, #tpu.memory_space<semaphore_mem>>
          %dma_wait3A_313 = arith.constant 0 : i32
          %dma_wait3A_314 = tpu.memref_slice %arg6[%multiple_of3A_288, %dma_wait3A_313] : memref<16x96xi32, #tpu.memory_space<vmem>> -> memref<2x96xi32, #tpu.memory_space<vmem>>
          %dma_wait3A_315 = arith.constant 0 : i32
          %dma_wait3A_316 = arith.constant 0 : i32
          %dma_wait3A_317 = tpu.memref_slice %arg3[%add3A, %add3A_259, %dma_wait3A_315, %dma_wait3A_316] : memref<32x105x2x96xi32, #tpu.memory_space<hbm>> -> memref<1x1x2x96xi32, #tpu.memory_space<hbm>>
          %dma_wait3A_318 = tpu.memref_squeeze %dma_wait3A_317 : memref<1x1x2x96xi32, #tpu.memory_space<hbm>> -> memref<2x96xi32, #tpu.memory_space<hbm>>
          tpu.wait_dma2 semaphore(%dma_wait3A_312 : memref<!tpu.dma_semaphore, #tpu.memory_space<semaphore_mem>>) src(%dma_wait3A_318 : memref<2x96xi32, #tpu.memory_space<hbm>>) dst(%dma_wait3A_314 : memref<2x96xi32, #tpu.memory_space<vmem>>)
          %jit3A_319 = arith.constant 8 : i32
          %eq3A_320 = arith.constant 0 : i32
          %eq3A_321 = arith.cmpi eq, %jit3A_319, %eq3A_320 : i32
          %jit3A_322 = arith.constant 1 : i32
          %select_n3A_323 = arith.select %eq3A_321, %jit3A_322, %jit3A_319 : i32
          %rem3A_324 = arith.remsi %add3A_259, %select_n3A_323 : i32
          %ne3A_325 = arith.constant 0 : i32
          %ne3A_326 = arith.cmpi ne, %rem3A_324, %ne3A_325 : i32
          %lt3A_327 = arith.constant 0 : i32
          %lt3A_328 = arith.cmpi slt, %rem3A_324, %lt3A_327 : i32
          %lt3A_329 = arith.constant 0 : i32
          %lt3A_330 = arith.cmpi slt, %select_n3A_323, %lt3A_329 : i32
          %ne3A_331 = arith.xori %lt3A_328, %lt3A_330 : i1
          %and3A_332 = arith.andi %ne3A_331, %ne3A_326 : i1
          %add3A_333 = arith.addi %rem3A_324, %select_n3A_323 : i32
          %select_n3A_334 = arith.select %and3A_332, %add3A_333, %rem3A_324 : i32
          %mul3A_335 = arith.constant 2 : i32
          %mul3A_336 = arith.muli %select_n3A_334, %mul3A_335 : i32
          %dma_start3A_337 = arith.constant 2 : i32
          %dma_start3A_338 = arith.constant 2 : i32
          %dma_start3A_339 = arith.constant 0 : i32
          %dma_start3A_340 = arith.constant 0 : i32
          %dma_start3A_341 = tpu.memref_slice %arg7[%dma_start3A_337, %dma_start3A_339, %dma_start3A_340] : memref<3x96x128xf32, #tpu.memory_space<vmem>> -> memref<1x96x128xf32, #tpu.memory_space<vmem>>
          %dma_start3A_342 = tpu.memref_squeeze %dma_start3A_341 : memref<1x96x128xf32, #tpu.memory_space<vmem>> -> memref<96x128xf32, #tpu.memory_space<vmem>>
          %dma_start3A_343 = arith.constant 0 : i32
          %dma_start3A_344 = tpu.memref_slice %arg6[%mul3A_336, %dma_start3A_343] : memref<16x96xi32, #tpu.memory_space<vmem>> -> memref<1x96xi32, #tpu.memory_space<vmem>>
          %dma_start3A_345 = tpu.memref_squeeze %dma_start3A_344 : memref<1x96xi32, #tpu.memory_space<vmem>> -> memref<96xi32, #tpu.memory_space<vmem>>
          %dma_start3A_346 = arith.constant 0 : i32
          %dma_start3A_347 = arith.constant 0 : i32
          %dma_start3A_348 = tpu.memref_slice %arg2[%dma_start3A_346, %dma_start3A_347] : memref<10000x128xf32, #tpu.memory_space<hbm>> -> memref<10000x128xf32, #tpu.memory_space<hbm>>
          %dma_start3A_349 = tpu.memref_slice %arg10[%dma_start3A_338] : memref<3x!tpu.dma_semaphore, #tpu.memory_space<semaphore_mem>> -> memref<1x!tpu.dma_semaphore, #tpu.memory_space<semaphore_mem>>
          %dma_start3A_350 = tpu.memref_squeeze %dma_start3A_349 : memref<1x!tpu.dma_semaphore, #tpu.memory_space<semaphore_mem>> -> memref<!tpu.dma_semaphore, #tpu.memory_space<semaphore_mem>>
          tpu.enqueue_indirect_dma source(%dma_start3A_348 : memref<10000x128xf32, #tpu.memory_space<hbm>>) target(%dma_start3A_342 : memref<96x128xf32, #tpu.memory_space<vmem>>) offsets(%dma_start3A_345 : memref<96xi32, #tpu.memory_space<vmem>>) semaphore(%dma_start3A_350 : memref<!tpu.dma_semaphore, #tpu.memory_space<semaphore_mem>>)
        } else {
        }
      } else {
      }
      %mul3A_177 = arith.constant 3 : i32
      %mul3A_178 = arith.muli %scan3A_169, %mul3A_177 : i32
      %add3A_179 = arith.constant 1 : i32
      %add3A_180 = arith.addi %mul3A_178, %add3A_179 : i32
      %lt3A_181 = arith.constant 105 : i32
      %lt3A_182 = arith.cmpi slt, %add3A_180, %lt3A_181 : i32
      %convert_element_type3A_183 = arith.extui %lt3A_182 : i1 to i32
      %cond3A_184 = arith.constant 0 : i32
      %cond3A_185 = arith.cmpi ne, %convert_element_type3A_183, %cond3A_184 : i32
      scf.if %cond3A_185 {
        %jit3A = arith.constant 8 : i32
        %eq3A = arith.constant 0 : i32
        %eq3A_196 = arith.cmpi eq, %jit3A, %eq3A : i32
        %jit3A_197 = arith.constant 1 : i32
        %select_n3A = arith.select %eq3A_196, %jit3A_197, %jit3A : i32
        %rem3A = arith.remsi %add3A_180, %select_n3A : i32
        %ne3A = arith.constant 0 : i32
        %ne3A_198 = arith.cmpi ne, %rem3A, %ne3A : i32
        %lt3A_199 = arith.constant 0 : i32
        %lt3A_200 = arith.cmpi slt, %rem3A, %lt3A_199 : i32
        %lt3A_201 = arith.constant 0 : i32
        %lt3A_202 = arith.cmpi slt, %select_n3A, %lt3A_201 : i32
        %ne3A_203 = arith.xori %lt3A_200, %lt3A_202 : i1
        %and3A = arith.andi %ne3A_203, %ne3A_198 : i1
        %add3A_204 = arith.addi %rem3A, %select_n3A : i32
        %select_n3A_205 = arith.select %and3A, %add3A_204, %rem3A : i32
        %mul3A_206 = arith.constant 2 : i32
        %mul3A_207 = arith.muli %select_n3A_205, %mul3A_206 : i32
        %dma_wait3A_208 = arith.constant 1 : i32
        %dma_wait3A_209 = arith.constant 1 : i32
        %dma_wait3A_210 = arith.constant 0 : i32
        %dma_wait3A_211 = arith.constant 0 : i32
        %dma_wait3A_212 = tpu.memref_slice %arg7[%dma_wait3A_208, %dma_wait3A_210, %dma_wait3A_211] : memref<3x96x128xf32, #tpu.memory_space<vmem>> -> memref<1x96x128xf32, #tpu.memory_space<vmem>>
        %dma_wait3A_213 = tpu.memref_squeeze %dma_wait3A_212 : memref<1x96x128xf32, #tpu.memory_space<vmem>> -> memref<96x128xf32, #tpu.memory_space<vmem>>
        %dma_wait3A_214 = arith.constant 0 : i32
        %dma_wait3A_215 = tpu.memref_slice %arg6[%mul3A_207, %dma_wait3A_214] : memref<16x96xi32, #tpu.memory_space<vmem>> -> memref<1x96xi32, #tpu.memory_space<vmem>>
        %dma_wait3A_216 = tpu.memref_squeeze %dma_wait3A_215 : memref<1x96xi32, #tpu.memory_space<vmem>> -> memref<96xi32, #tpu.memory_space<vmem>>
        %dma_wait3A_217 = arith.constant 0 : i32
        %dma_wait3A_218 = arith.constant 0 : i32
        %dma_wait3A_219 = tpu.memref_slice %arg2[%dma_wait3A_217, %dma_wait3A_218] : memref<10000x128xf32, #tpu.memory_space<hbm>> -> memref<10000x128xf32, #tpu.memory_space<hbm>>
        %dma_wait3A_220 = tpu.memref_slice %arg10[%dma_wait3A_209] : memref<3x!tpu.dma_semaphore, #tpu.memory_space<semaphore_mem>> -> memref<1x!tpu.dma_semaphore, #tpu.memory_space<semaphore_mem>>
        %dma_wait3A_221 = tpu.memref_squeeze %dma_wait3A_220 : memref<1x!tpu.dma_semaphore, #tpu.memory_space<semaphore_mem>> -> memref<!tpu.dma_semaphore, #tpu.memory_space<semaphore_mem>>
        tpu.wait_indirect_dma semaphore(%dma_wait3A_221 : memref<!tpu.dma_semaphore, #tpu.memory_space<semaphore_mem>>) src(%dma_wait3A_219 : memref<10000x128xf32, #tpu.memory_space<hbm>>) dst(%dma_wait3A_213 : memref<96x128xf32, #tpu.memory_space<vmem>>)
        %jit3A_222 = arith.constant 8 : i32
        %eq3A_223 = arith.constant 0 : i32
        %eq3A_224 = arith.cmpi eq, %jit3A_222, %eq3A_223 : i32
        %jit3A_225 = arith.constant 1 : i32
        %select_n3A_226 = arith.select %eq3A_224, %jit3A_225, %jit3A_222 : i32
        %rem3A_227 = arith.remsi %add3A_180, %select_n3A_226 : i32
        %ne3A_228 = arith.constant 0 : i32
        %ne3A_229 = arith.cmpi ne, %rem3A_227, %ne3A_228 : i32
        %lt3A_230 = arith.constant 0 : i32
        %lt3A_231 = arith.cmpi slt, %rem3A_227, %lt3A_230 : i32
        %lt3A_232 = arith.constant 0 : i32
        %lt3A_233 = arith.cmpi slt, %select_n3A_226, %lt3A_232 : i32
        %ne3A_234 = arith.xori %lt3A_231, %lt3A_233 : i1
        %and3A_235 = arith.andi %ne3A_234, %ne3A_229 : i1
        %add3A_236 = arith.addi %rem3A_227, %select_n3A_226 : i32
        %select_n3A_237 = arith.select %and3A_235, %add3A_236, %rem3A_227 : i32
        %mul3A_238 = arith.constant 2 : i32
        %mul3A_239 = arith.muli %select_n3A_237, %mul3A_238 : i32
        %add3A_240 = arith.constant 1 : i32
        %add3A_241 = arith.addi %mul3A_239, %add3A_240 : i32
        %lt3A_242 = arith.constant 102 : i32
        %lt3A_243 = arith.cmpi slt, %add3A_180, %lt3A_242 : i32
        %convert_element_type3A_244 = arith.extui %lt3A_243 : i1 to i32
        %cond3A_245 = arith.constant 0 : i32
        %cond3A_246 = arith.cmpi ne, %convert_element_type3A_244, %cond3A_245 : i32
        scf.if %cond3A_246 {
          %dma_start3A_265 = arith.constant 1 : i32
          %dma_start3A_266 = arith.constant 1 : i32
          %dma_start3A_267 = arith.constant 0 : i32
          %dma_start3A_268 = arith.constant 0 : i32
          %dma_start3A_269 = tpu.memref_slice %arg7[%dma_start3A_265, %dma_start3A_267, %dma_start3A_268] : memref<3x96x128xf32, #tpu.memory_space<vmem>> -> memref<1x96x128xf32, #tpu.memory_space<vmem>>
          %dma_start3A_270 = tpu.memref_squeeze %dma_start3A_269 : memref<1x96x128xf32, #tpu.memory_space<vmem>> -> memref<96x128xf32, #tpu.memory_space<vmem>>
          %dma_start3A_271 = arith.constant 0 : i32
          %dma_start3A_272 = tpu.memref_slice %arg6[%add3A_241, %dma_start3A_271] : memref<16x96xi32, #tpu.memory_space<vmem>> -> memref<1x96xi32, #tpu.memory_space<vmem>>
          %dma_start3A_273 = tpu.memref_squeeze %dma_start3A_272 : memref<1x96xi32, #tpu.memory_space<vmem>> -> memref<96xi32, #tpu.memory_space<vmem>>
          %dma_start3A_274 = arith.constant 0 : i32
          %dma_start3A_275 = arith.constant 0 : i32
          %dma_start3A_276 = tpu.memref_slice %arg8[%dma_start3A_274, %dma_start3A_275] : memref<10112x128xf32, #tpu.memory_space<vmem_shared>> -> memref<10112x128xf32, #tpu.memory_space<vmem_shared>>
          %dma_start3A_277 = tpu.memref_slice %arg11[%dma_start3A_266] : memref<3x!tpu.dma_semaphore, #tpu.memory_space<semaphore_mem>> -> memref<1x!tpu.dma_semaphore, #tpu.memory_space<semaphore_mem>>
          %dma_start3A_278 = tpu.memref_squeeze %dma_start3A_277 : memref<1x!tpu.dma_semaphore, #tpu.memory_space<semaphore_mem>> -> memref<!tpu.dma_semaphore, #tpu.memory_space<semaphore_mem>>
          tpu.enqueue_indirect_dma source(%dma_start3A_270 : memref<96x128xf32, #tpu.memory_space<vmem>>) target(%dma_start3A_276 : memref<10112x128xf32, #tpu.memory_space<vmem_shared>>) offsets(%dma_start3A_273 : memref<96xi32, #tpu.memory_space<vmem>>) semaphore(%dma_start3A_278 : memref<!tpu.dma_semaphore, #tpu.memory_space<semaphore_mem>>) {add = true}
        } else {
        }
        %ge3A = arith.constant 102 : i32
        %ge3A_247 = arith.cmpi sge, %add3A_180, %ge3A : i32
        %convert_element_type3A_248 = arith.extui %ge3A_247 : i1 to i32
        %cond3A_249 = arith.constant 0 : i32
        %cond3A_250 = arith.cmpi ne, %convert_element_type3A_248, %cond3A_249 : i32
        scf.if %cond3A_250 {
          %run_scoped3A = arith.constant 1 : i32
          "tpu.region"() ({
            %run_scoped3A_265 = tpu.sem_alloc : memref<!tpu.dma_semaphore, #tpu.memory_space<semaphore_mem>>
            %dma_start3A_266 = arith.constant 0 : i32
            %dma_start3A_267 = arith.constant 0 : i32
            %dma_start3A_268 = tpu.memref_slice %arg7[%run_scoped3A, %dma_start3A_266, %dma_start3A_267] : memref<3x96x128xf32, #tpu.memory_space<vmem>> -> memref<1x96x128xf32, #tpu.memory_space<vmem>>
            %dma_start3A_269 = tpu.memref_squeeze %dma_start3A_268 : memref<1x96x128xf32, #tpu.memory_space<vmem>> -> memref<96x128xf32, #tpu.memory_space<vmem>>
            %dma_start3A_270 = arith.constant 0 : i32
            %dma_start3A_271 = tpu.memref_slice %arg6[%add3A_241, %dma_start3A_270] : memref<16x96xi32, #tpu.memory_space<vmem>> -> memref<1x96xi32, #tpu.memory_space<vmem>>
            %dma_start3A_272 = tpu.memref_squeeze %dma_start3A_271 : memref<1x96xi32, #tpu.memory_space<vmem>> -> memref<96xi32, #tpu.memory_space<vmem>>
            %dma_start3A_273 = arith.constant 0 : i32
            %dma_start3A_274 = arith.constant 0 : i32
            %dma_start3A_275 = tpu.memref_slice %arg8[%dma_start3A_273, %dma_start3A_274] : memref<10112x128xf32, #tpu.memory_space<vmem_shared>> -> memref<10112x128xf32, #tpu.memory_space<vmem_shared>>
            tpu.enqueue_indirect_dma source(%dma_start3A_269 : memref<96x128xf32, #tpu.memory_space<vmem>>) target(%dma_start3A_275 : memref<10112x128xf32, #tpu.memory_space<vmem_shared>>) offsets(%dma_start3A_272 : memref<96xi32, #tpu.memory_space<vmem>>) semaphore(%run_scoped3A_265 : memref<!tpu.dma_semaphore, #tpu.memory_space<semaphore_mem>>) {add = true}
            %dma_wait3A_276 = arith.constant 0 : i32
            %dma_wait3A_277 = arith.constant 0 : i32
            %dma_wait3A_278 = tpu.memref_slice %arg7[%run_scoped3A, %dma_wait3A_276, %dma_wait3A_277] : memref<3x96x128xf32, #tpu.memory_space<vmem>> -> memref<1x96x128xf32, #tpu.memory_space<vmem>>
            %dma_wait3A_279 = tpu.memref_squeeze %dma_wait3A_278 : memref<1x96x128xf32, #tpu.memory_space<vmem>> -> memref<96x128xf32, #tpu.memory_space<vmem>>
            %dma_wait3A_280 = arith.constant 0 : i32
            %dma_wait3A_281 = tpu.memref_slice %arg6[%add3A_241, %dma_wait3A_280] : memref<16x96xi32, #tpu.memory_space<vmem>> -> memref<1x96xi32, #tpu.memory_space<vmem>>
            %dma_wait3A_282 = tpu.memref_squeeze %dma_wait3A_281 : memref<1x96xi32, #tpu.memory_space<vmem>> -> memref<96xi32, #tpu.memory_space<vmem>>
            %dma_wait3A_283 = arith.constant 0 : i32
            %dma_wait3A_284 = arith.constant 0 : i32
            %dma_wait3A_285 = tpu.memref_slice %arg8[%dma_wait3A_283, %dma_wait3A_284] : memref<10112x128xf32, #tpu.memory_space<vmem_shared>> -> memref<10112x128xf32, #tpu.memory_space<vmem_shared>>
            tpu.wait_indirect_dma semaphore(%run_scoped3A_265 : memref<!tpu.dma_semaphore, #tpu.memory_space<semaphore_mem>>) src(%dma_wait3A_279 : memref<96x128xf32, #tpu.memory_space<vmem>>) dst(%dma_wait3A_285 : memref<10112x128xf32, #tpu.memory_space<vmem_shared>>)
            tpu.yield
          }) : () -> ()
        } else {
        }
        %add3A_251 = arith.constant 5 : i32
        %add3A_252 = arith.addi %add3A_180, %add3A_251 : i32
        %lt3A_253 = arith.constant 105 : i32
        %lt3A_254 = arith.cmpi slt, %add3A_252, %lt3A_253 : i32
        %convert_element_type3A_255 = arith.extui %lt3A_254 : i1 to i32
        %cond3A_256 = arith.constant 0 : i32
        %cond3A_257 = arith.cmpi ne, %convert_element_type3A_255, %cond3A_256 : i32
        scf.if %cond3A_257 {
          %jit3A_265 = arith.constant 8 : i32
          %eq3A_266 = arith.constant 0 : i32
          %eq3A_267 = arith.cmpi eq, %jit3A_265, %eq3A_266 : i32
          %jit3A_268 = arith.constant 1 : i32
          %select_n3A_269 = arith.select %eq3A_267, %jit3A_268, %jit3A_265 : i32
          %rem3A_270 = arith.remsi %add3A_252, %select_n3A_269 : i32
          %ne3A_271 = arith.constant 0 : i32
          %ne3A_272 = arith.cmpi ne, %rem3A_270, %ne3A_271 : i32
          %lt3A_273 = arith.constant 0 : i32
          %lt3A_274 = arith.cmpi slt, %rem3A_270, %lt3A_273 : i32
          %lt3A_275 = arith.constant 0 : i32
          %lt3A_276 = arith.cmpi slt, %select_n3A_269, %lt3A_275 : i32
          %ne3A_277 = arith.xori %lt3A_274, %lt3A_276 : i1
          %and3A_278 = arith.andi %ne3A_277, %ne3A_272 : i1
          %add3A_279 = arith.addi %rem3A_270, %select_n3A_269 : i32
          %select_n3A_280 = arith.select %and3A_278, %add3A_279, %rem3A_270 : i32
          %mul3A_281 = arith.constant 2 : i32
          %mul3A_282 = arith.muli %select_n3A_280, %mul3A_281 : i32
          %multiple_of3A_283 = tpu.assume_multiple %mul3A_282, 2 : i32
          %jit3A_284 = arith.constant 8 : i32
          %eq3A_285 = arith.constant 0 : i32
          %eq3A_286 = arith.cmpi eq, %jit3A_284, %eq3A_285 : i32
          %jit3A_287 = arith.constant 1 : i32
          %select_n3A_288 = arith.select %eq3A_286, %jit3A_287, %jit3A_284 : i32
          %rem3A_289 = arith.remsi %add3A_252, %select_n3A_288 : i32
          %ne3A_290 = arith.constant 0 : i32
          %ne3A_291 = arith.cmpi ne, %rem3A_289, %ne3A_290 : i32
          %lt3A_292 = arith.constant 0 : i32
          %lt3A_293 = arith.cmpi slt, %rem3A_289, %lt3A_292 : i32
          %lt3A_294 = arith.constant 0 : i32
          %lt3A_295 = arith.cmpi slt, %select_n3A_288, %lt3A_294 : i32
          %ne3A_296 = arith.xori %lt3A_293, %lt3A_295 : i1
          %and3A_297 = arith.andi %ne3A_296, %ne3A_291 : i1
          %add3A_298 = arith.addi %rem3A_289, %select_n3A_288 : i32
          %select_n3A_299 = arith.select %and3A_297, %add3A_298, %rem3A_289 : i32
          %dma_start3A_300 = arith.constant 0 : i32
          %dma_start3A_301 = tpu.memref_slice %arg6[%multiple_of3A_283, %dma_start3A_300] : memref<16x96xi32, #tpu.memory_space<vmem>> -> memref<2x96xi32, #tpu.memory_space<vmem>>
          %dma_start3A_302 = arith.constant 0 : i32
          %dma_start3A_303 = arith.constant 0 : i32
          %dma_start3A_304 = tpu.memref_slice %arg3[%add3A, %add3A_252, %dma_start3A_302, %dma_start3A_303] : memref<32x105x2x96xi32, #tpu.memory_space<hbm>> -> memref<1x1x2x96xi32, #tpu.memory_space<hbm>>
          %dma_start3A_305 = tpu.memref_squeeze %dma_start3A_304 : memref<1x1x2x96xi32, #tpu.memory_space<hbm>> -> memref<2x96xi32, #tpu.memory_space<hbm>>
          %dma_start3A_306 = tpu.memref_slice %arg9[%select_n3A_299] : memref<8x!tpu.dma_semaphore, #tpu.memory_space<semaphore_mem>> -> memref<1x!tpu.dma_semaphore, #tpu.memory_space<semaphore_mem>>
          %dma_start3A_307 = tpu.memref_squeeze %dma_start3A_306 : memref<1x!tpu.dma_semaphore, #tpu.memory_space<semaphore_mem>> -> memref<!tpu.dma_semaphore, #tpu.memory_space<semaphore_mem>>
          %dma_start3A_308 = arith.constant 0 : i32
          %dma_start3A_309 = tpu.memref_slice %arg6[%multiple_of3A_283, %dma_start3A_308] : memref<16x96xi32, #tpu.memory_space<vmem>> -> memref<2x96xi32, #tpu.memory_space<vmem>>
          %dma_start3A_310 = arith.constant 0 : i32
          %dma_start3A_311 = arith.constant 0 : i32
          %dma_start3A_312 = tpu.memref_slice %arg3[%add3A, %add3A_252, %dma_start3A_310, %dma_start3A_311] : memref<32x105x2x96xi32, #tpu.memory_space<hbm>> -> memref<1x1x2x96xi32, #tpu.memory_space<hbm>>
          %dma_start3A_313 = tpu.memref_squeeze %dma_start3A_312 : memref<1x1x2x96xi32, #tpu.memory_space<hbm>> -> memref<2x96xi32, #tpu.memory_space<hbm>>
          tpu.enqueue_dma source(%dma_start3A_313 : memref<2x96xi32, #tpu.memory_space<hbm>>) target(%dma_start3A_309 : memref<2x96xi32, #tpu.memory_space<vmem>>) target_semaphore(%dma_start3A_307 : memref<!tpu.dma_semaphore, #tpu.memory_space<semaphore_mem>>)
        } else {
        }
        %add3A_258 = arith.constant 2 : i32
        %add3A_259 = arith.addi %add3A_180, %add3A_258 : i32
        %lt3A_260 = arith.constant 105 : i32
        %lt3A_261 = arith.cmpi slt, %add3A_259, %lt3A_260 : i32
        %convert_element_type3A_262 = arith.extui %lt3A_261 : i1 to i32
        %cond3A_263 = arith.constant 0 : i32
        %cond3A_264 = arith.cmpi ne, %convert_element_type3A_262, %cond3A_263 : i32
        scf.if %cond3A_264 {
          %ge3A_265 = arith.constant 3 : i32
          %ge3A_266 = arith.cmpi sge, %add3A_259, %ge3A_265 : i32
          %convert_element_type3A_267 = arith.extui %ge3A_266 : i1 to i32
          %cond3A_268 = arith.constant 0 : i32
          %cond3A_269 = arith.cmpi ne, %convert_element_type3A_267, %cond3A_268 : i32
          scf.if %cond3A_269 {
            %sub3A = arith.constant 3 : i32
            %sub3A_351 = arith.subi %add3A_259, %sub3A : i32
            %jit3A_352 = arith.constant 8 : i32
            %eq3A_353 = arith.constant 0 : i32
            %eq3A_354 = arith.cmpi eq, %jit3A_352, %eq3A_353 : i32
            %jit3A_355 = arith.constant 1 : i32
            %select_n3A_356 = arith.select %eq3A_354, %jit3A_355, %jit3A_352 : i32
            %rem3A_357 = arith.remsi %sub3A_351, %select_n3A_356 : i32
            %ne3A_358 = arith.constant 0 : i32
            %ne3A_359 = arith.cmpi ne, %rem3A_357, %ne3A_358 : i32
            %lt3A_360 = arith.constant 0 : i32
            %lt3A_361 = arith.cmpi slt, %rem3A_357, %lt3A_360 : i32
            %lt3A_362 = arith.constant 0 : i32
            %lt3A_363 = arith.cmpi slt, %select_n3A_356, %lt3A_362 : i32
            %ne3A_364 = arith.xori %lt3A_361, %lt3A_363 : i1
            %and3A_365 = arith.andi %ne3A_364, %ne3A_359 : i1
            %add3A_366 = arith.addi %rem3A_357, %select_n3A_356 : i32
            %select_n3A_367 = arith.select %and3A_365, %add3A_366, %rem3A_357 : i32
            %mul3A_368 = arith.constant 2 : i32
            %mul3A_369 = arith.muli %select_n3A_367, %mul3A_368 : i32
            %add3A_370 = arith.constant 1 : i32
            %add3A_371 = arith.addi %mul3A_369, %add3A_370 : i32
            %dma_wait3A_372 = arith.constant 0 : i32
            %dma_wait3A_373 = arith.constant 0 : i32
            %dma_wait3A_374 = arith.constant 0 : i32
            %dma_wait3A_375 = arith.constant 0 : i32
            %dma_wait3A_376 = tpu.memref_slice %arg7[%dma_wait3A_372, %dma_wait3A_374, %dma_wait3A_375] : memref<3x96x128xf32, #tpu.memory_space<vmem>> -> memref<1x96x128xf32, #tpu.memory_space<vmem>>
            %dma_wait3A_377 = tpu.memref_squeeze %dma_wait3A_376 : memref<1x96x128xf32, #tpu.memory_space<vmem>> -> memref<96x128xf32, #tpu.memory_space<vmem>>
            %dma_wait3A_378 = arith.constant 0 : i32
            %dma_wait3A_379 = tpu.memref_slice %arg6[%add3A_371, %dma_wait3A_378] : memref<16x96xi32, #tpu.memory_space<vmem>> -> memref<1x96xi32, #tpu.memory_space<vmem>>
            %dma_wait3A_380 = tpu.memref_squeeze %dma_wait3A_379 : memref<1x96xi32, #tpu.memory_space<vmem>> -> memref<96xi32, #tpu.memory_space<vmem>>
            %dma_wait3A_381 = arith.constant 0 : i32
            %dma_wait3A_382 = arith.constant 0 : i32
            %dma_wait3A_383 = tpu.memref_slice %arg8[%dma_wait3A_381, %dma_wait3A_382] : memref<10112x128xf32, #tpu.memory_space<vmem_shared>> -> memref<10112x128xf32, #tpu.memory_space<vmem_shared>>
            %dma_wait3A_384 = tpu.memref_slice %arg11[%dma_wait3A_373] : memref<3x!tpu.dma_semaphore, #tpu.memory_space<semaphore_mem>> -> memref<1x!tpu.dma_semaphore, #tpu.memory_space<semaphore_mem>>
            %dma_wait3A_385 = tpu.memref_squeeze %dma_wait3A_384 : memref<1x!tpu.dma_semaphore, #tpu.memory_space<semaphore_mem>> -> memref<!tpu.dma_semaphore, #tpu.memory_space<semaphore_mem>>
            tpu.wait_indirect_dma semaphore(%dma_wait3A_385 : memref<!tpu.dma_semaphore, #tpu.memory_space<semaphore_mem>>) src(%dma_wait3A_377 : memref<96x128xf32, #tpu.memory_space<vmem>>) dst(%dma_wait3A_383 : memref<10112x128xf32, #tpu.memory_space<vmem_shared>>)
          } else {
          }
          %jit3A_270 = arith.constant 8 : i32
          %eq3A_271 = arith.constant 0 : i32
          %eq3A_272 = arith.cmpi eq, %jit3A_270, %eq3A_271 : i32
          %jit3A_273 = arith.constant 1 : i32
          %select_n3A_274 = arith.select %eq3A_272, %jit3A_273, %jit3A_270 : i32
          %rem3A_275 = arith.remsi %add3A_259, %select_n3A_274 : i32
          %ne3A_276 = arith.constant 0 : i32
          %ne3A_277 = arith.cmpi ne, %rem3A_275, %ne3A_276 : i32
          %lt3A_278 = arith.constant 0 : i32
          %lt3A_279 = arith.cmpi slt, %rem3A_275, %lt3A_278 : i32
          %lt3A_280 = arith.constant 0 : i32
          %lt3A_281 = arith.cmpi slt, %select_n3A_274, %lt3A_280 : i32
          %ne3A_282 = arith.xori %lt3A_279, %lt3A_281 : i1
          %and3A_283 = arith.andi %ne3A_282, %ne3A_277 : i1
          %add3A_284 = arith.addi %rem3A_275, %select_n3A_274 : i32
          %select_n3A_285 = arith.select %and3A_283, %add3A_284, %rem3A_275 : i32
          %mul3A_286 = arith.constant 2 : i32
          %mul3A_287 = arith.muli %select_n3A_285, %mul3A_286 : i32
          %multiple_of3A_288 = tpu.assume_multiple %mul3A_287, 2 : i32
          %jit3A_289 = arith.constant 8 : i32
          %eq3A_290 = arith.constant 0 : i32
          %eq3A_291 = arith.cmpi eq, %jit3A_289, %eq3A_290 : i32
          %jit3A_292 = arith.constant 1 : i32
          %select_n3A_293 = arith.select %eq3A_291, %jit3A_292, %jit3A_289 : i32
          %rem3A_294 = arith.remsi %add3A_259, %select_n3A_293 : i32
          %ne3A_295 = arith.constant 0 : i32
          %ne3A_296 = arith.cmpi ne, %rem3A_294, %ne3A_295 : i32
          %lt3A_297 = arith.constant 0 : i32
          %lt3A_298 = arith.cmpi slt, %rem3A_294, %lt3A_297 : i32
          %lt3A_299 = arith.constant 0 : i32
          %lt3A_300 = arith.cmpi slt, %select_n3A_293, %lt3A_299 : i32
          %ne3A_301 = arith.xori %lt3A_298, %lt3A_300 : i1
          %and3A_302 = arith.andi %ne3A_301, %ne3A_296 : i1
          %add3A_303 = arith.addi %rem3A_294, %select_n3A_293 : i32
          %select_n3A_304 = arith.select %and3A_302, %add3A_303, %rem3A_294 : i32
          %dma_wait3A_305 = arith.constant 0 : i32
          %dma_wait3A_306 = tpu.memref_slice %arg6[%multiple_of3A_288, %dma_wait3A_305] : memref<16x96xi32, #tpu.memory_space<vmem>> -> memref<2x96xi32, #tpu.memory_space<vmem>>
          %dma_wait3A_307 = arith.constant 0 : i32
          %dma_wait3A_308 = arith.constant 0 : i32
          %dma_wait3A_309 = tpu.memref_slice %arg3[%add3A, %add3A_259, %dma_wait3A_307, %dma_wait3A_308] : memref<32x105x2x96xi32, #tpu.memory_space<hbm>> -> memref<1x1x2x96xi32, #tpu.memory_space<hbm>>
          %dma_wait3A_310 = tpu.memref_squeeze %dma_wait3A_309 : memref<1x1x2x96xi32, #tpu.memory_space<hbm>> -> memref<2x96xi32, #tpu.memory_space<hbm>>
          %dma_wait3A_311 = tpu.memref_slice %arg9[%select_n3A_304] : memref<8x!tpu.dma_semaphore, #tpu.memory_space<semaphore_mem>> -> memref<1x!tpu.dma_semaphore, #tpu.memory_space<semaphore_mem>>
          %dma_wait3A_312 = tpu.memref_squeeze %dma_wait3A_311 : memref<1x!tpu.dma_semaphore, #tpu.memory_space<semaphore_mem>> -> memref<!tpu.dma_semaphore, #tpu.memory_space<semaphore_mem>>
          %dma_wait3A_313 = arith.constant 0 : i32
          %dma_wait3A_314 = tpu.memref_slice %arg6[%multiple_of3A_288, %dma_wait3A_313] : memref<16x96xi32, #tpu.memory_space<vmem>> -> memref<2x96xi32, #tpu.memory_space<vmem>>
          %dma_wait3A_315 = arith.constant 0 : i32
          %dma_wait3A_316 = arith.constant 0 : i32
          %dma_wait3A_317 = tpu.memref_slice %arg3[%add3A, %add3A_259, %dma_wait3A_315, %dma_wait3A_316] : memref<32x105x2x96xi32, #tpu.memory_space<hbm>> -> memref<1x1x2x96xi32, #tpu.memory_space<hbm>>
          %dma_wait3A_318 = tpu.memref_squeeze %dma_wait3A_317 : memref<1x1x2x96xi32, #tpu.memory_space<hbm>> -> memref<2x96xi32, #tpu.memory_space<hbm>>
          tpu.wait_dma2 semaphore(%dma_wait3A_312 : memref<!tpu.dma_semaphore, #tpu.memory_space<semaphore_mem>>) src(%dma_wait3A_318 : memref<2x96xi32, #tpu.memory_space<hbm>>) dst(%dma_wait3A_314 : memref<2x96xi32, #tpu.memory_space<vmem>>)
          %jit3A_319 = arith.constant 8 : i32
          %eq3A_320 = arith.constant 0 : i32
          %eq3A_321 = arith.cmpi eq, %jit3A_319, %eq3A_320 : i32
          %jit3A_322 = arith.constant 1 : i32
          %select_n3A_323 = arith.select %eq3A_321, %jit3A_322, %jit3A_319 : i32
          %rem3A_324 = arith.remsi %add3A_259, %select_n3A_323 : i32
          %ne3A_325 = arith.constant 0 : i32
          %ne3A_326 = arith.cmpi ne, %rem3A_324, %ne3A_325 : i32
          %lt3A_327 = arith.constant 0 : i32
          %lt3A_328 = arith.cmpi slt, %rem3A_324, %lt3A_327 : i32
          %lt3A_329 = arith.constant 0 : i32
          %lt3A_330 = arith.cmpi slt, %select_n3A_323, %lt3A_329 : i32
          %ne3A_331 = arith.xori %lt3A_328, %lt3A_330 : i1
          %and3A_332 = arith.andi %ne3A_331, %ne3A_326 : i1
          %add3A_333 = arith.addi %rem3A_324, %select_n3A_323 : i32
          %select_n3A_334 = arith.select %and3A_332, %add3A_333, %rem3A_324 : i32
          %mul3A_335 = arith.constant 2 : i32
          %mul3A_336 = arith.muli %select_n3A_334, %mul3A_335 : i32
          %dma_start3A_337 = arith.constant 0 : i32
          %dma_start3A_338 = arith.constant 0 : i32
          %dma_start3A_339 = arith.constant 0 : i32
          %dma_start3A_340 = arith.constant 0 : i32
          %dma_start3A_341 = tpu.memref_slice %arg7[%dma_start3A_337, %dma_start3A_339, %dma_start3A_340] : memref<3x96x128xf32, #tpu.memory_space<vmem>> -> memref<1x96x128xf32, #tpu.memory_space<vmem>>
          %dma_start3A_342 = tpu.memref_squeeze %dma_start3A_341 : memref<1x96x128xf32, #tpu.memory_space<vmem>> -> memref<96x128xf32, #tpu.memory_space<vmem>>
          %dma_start3A_343 = arith.constant 0 : i32
          %dma_start3A_344 = tpu.memref_slice %arg6[%mul3A_336, %dma_start3A_343] : memref<16x96xi32, #tpu.memory_space<vmem>> -> memref<1x96xi32, #tpu.memory_space<vmem>>
          %dma_start3A_345 = tpu.memref_squeeze %dma_start3A_344 : memref<1x96xi32, #tpu.memory_space<vmem>> -> memref<96xi32, #tpu.memory_space<vmem>>
          %dma_start3A_346 = arith.constant 0 : i32
          %dma_start3A_347 = arith.constant 0 : i32
          %dma_start3A_348 = tpu.memref_slice %arg2[%dma_start3A_346, %dma_start3A_347] : memref<10000x128xf32, #tpu.memory_space<hbm>> -> memref<10000x128xf32, #tpu.memory_space<hbm>>
          %dma_start3A_349 = tpu.memref_slice %arg10[%dma_start3A_338] : memref<3x!tpu.dma_semaphore, #tpu.memory_space<semaphore_mem>> -> memref<1x!tpu.dma_semaphore, #tpu.memory_space<semaphore_mem>>
          %dma_start3A_350 = tpu.memref_squeeze %dma_start3A_349 : memref<1x!tpu.dma_semaphore, #tpu.memory_space<semaphore_mem>> -> memref<!tpu.dma_semaphore, #tpu.memory_space<semaphore_mem>>
          tpu.enqueue_indirect_dma source(%dma_start3A_348 : memref<10000x128xf32, #tpu.memory_space<hbm>>) target(%dma_start3A_342 : memref<96x128xf32, #tpu.memory_space<vmem>>) offsets(%dma_start3A_345 : memref<96xi32, #tpu.memory_space<vmem>>) semaphore(%dma_start3A_350 : memref<!tpu.dma_semaphore, #tpu.memory_space<semaphore_mem>>)
        } else {
        }
      } else {
      }
      %mul3A_186 = arith.constant 3 : i32
      %mul3A_187 = arith.muli %scan3A_169, %mul3A_186 : i32
      %add3A_188 = arith.constant 2 : i32
      %add3A_189 = arith.addi %mul3A_187, %add3A_188 : i32
      %lt3A_190 = arith.constant 105 : i32
      %lt3A_191 = arith.cmpi slt, %add3A_189, %lt3A_190 : i32
      %convert_element_type3A_192 = arith.extui %lt3A_191 : i1 to i32
      %cond3A_193 = arith.constant 0 : i32
      %cond3A_194 = arith.cmpi ne, %convert_element_type3A_192, %cond3A_193 : i32
      scf.if %cond3A_194 {
        %jit3A = arith.constant 8 : i32
        %eq3A = arith.constant 0 : i32
        %eq3A_196 = arith.cmpi eq, %jit3A, %eq3A : i32
        %jit3A_197 = arith.constant 1 : i32
        %select_n3A = arith.select %eq3A_196, %jit3A_197, %jit3A : i32
        %rem3A = arith.remsi %add3A_189, %select_n3A : i32
        %ne3A = arith.constant 0 : i32
        %ne3A_198 = arith.cmpi ne, %rem3A, %ne3A : i32
        %lt3A_199 = arith.constant 0 : i32
        %lt3A_200 = arith.cmpi slt, %rem3A, %lt3A_199 : i32
        %lt3A_201 = arith.constant 0 : i32
        %lt3A_202 = arith.cmpi slt, %select_n3A, %lt3A_201 : i32
        %ne3A_203 = arith.xori %lt3A_200, %lt3A_202 : i1
        %and3A = arith.andi %ne3A_203, %ne3A_198 : i1
        %add3A_204 = arith.addi %rem3A, %select_n3A : i32
        %select_n3A_205 = arith.select %and3A, %add3A_204, %rem3A : i32
        %mul3A_206 = arith.constant 2 : i32
        %mul3A_207 = arith.muli %select_n3A_205, %mul3A_206 : i32
        %dma_wait3A_208 = arith.constant 2 : i32
        %dma_wait3A_209 = arith.constant 2 : i32
        %dma_wait3A_210 = arith.constant 0 : i32
        %dma_wait3A_211 = arith.constant 0 : i32
        %dma_wait3A_212 = tpu.memref_slice %arg7[%dma_wait3A_208, %dma_wait3A_210, %dma_wait3A_211] : memref<3x96x128xf32, #tpu.memory_space<vmem>> -> memref<1x96x128xf32, #tpu.memory_space<vmem>>
        %dma_wait3A_213 = tpu.memref_squeeze %dma_wait3A_212 : memref<1x96x128xf32, #tpu.memory_space<vmem>> -> memref<96x128xf32, #tpu.memory_space<vmem>>
        %dma_wait3A_214 = arith.constant 0 : i32
        %dma_wait3A_215 = tpu.memref_slice %arg6[%mul3A_207, %dma_wait3A_214] : memref<16x96xi32, #tpu.memory_space<vmem>> -> memref<1x96xi32, #tpu.memory_space<vmem>>
        %dma_wait3A_216 = tpu.memref_squeeze %dma_wait3A_215 : memref<1x96xi32, #tpu.memory_space<vmem>> -> memref<96xi32, #tpu.memory_space<vmem>>
        %dma_wait3A_217 = arith.constant 0 : i32
        %dma_wait3A_218 = arith.constant 0 : i32
        %dma_wait3A_219 = tpu.memref_slice %arg2[%dma_wait3A_217, %dma_wait3A_218] : memref<10000x128xf32, #tpu.memory_space<hbm>> -> memref<10000x128xf32, #tpu.memory_space<hbm>>
        %dma_wait3A_220 = tpu.memref_slice %arg10[%dma_wait3A_209] : memref<3x!tpu.dma_semaphore, #tpu.memory_space<semaphore_mem>> -> memref<1x!tpu.dma_semaphore, #tpu.memory_space<semaphore_mem>>
        %dma_wait3A_221 = tpu.memref_squeeze %dma_wait3A_220 : memref<1x!tpu.dma_semaphore, #tpu.memory_space<semaphore_mem>> -> memref<!tpu.dma_semaphore, #tpu.memory_space<semaphore_mem>>
        tpu.wait_indirect_dma semaphore(%dma_wait3A_221 : memref<!tpu.dma_semaphore, #tpu.memory_space<semaphore_mem>>) src(%dma_wait3A_219 : memref<10000x128xf32, #tpu.memory_space<hbm>>) dst(%dma_wait3A_213 : memref<96x128xf32, #tpu.memory_space<vmem>>)
        %jit3A_222 = arith.constant 8 : i32
        %eq3A_223 = arith.constant 0 : i32
        %eq3A_224 = arith.cmpi eq, %jit3A_222, %eq3A_223 : i32
        %jit3A_225 = arith.constant 1 : i32
        %select_n3A_226 = arith.select %eq3A_224, %jit3A_225, %jit3A_222 : i32
        %rem3A_227 = arith.remsi %add3A_189, %select_n3A_226 : i32
        %ne3A_228 = arith.constant 0 : i32
        %ne3A_229 = arith.cmpi ne, %rem3A_227, %ne3A_228 : i32
        %lt3A_230 = arith.constant 0 : i32
        %lt3A_231 = arith.cmpi slt, %rem3A_227, %lt3A_230 : i32
        %lt3A_232 = arith.constant 0 : i32
        %lt3A_233 = arith.cmpi slt, %select_n3A_226, %lt3A_232 : i32
        %ne3A_234 = arith.xori %lt3A_231, %lt3A_233 : i1
        %and3A_235 = arith.andi %ne3A_234, %ne3A_229 : i1
        %add3A_236 = arith.addi %rem3A_227, %select_n3A_226 : i32
        %select_n3A_237 = arith.select %and3A_235, %add3A_236, %rem3A_227 : i32
        %mul3A_238 = arith.constant 2 : i32
        %mul3A_239 = arith.muli %select_n3A_237, %mul3A_238 : i32
        %add3A_240 = arith.constant 1 : i32
        %add3A_241 = arith.addi %mul3A_239, %add3A_240 : i32
        %lt3A_242 = arith.constant 102 : i32
        %lt3A_243 = arith.cmpi slt, %add3A_189, %lt3A_242 : i32
        %convert_element_type3A_244 = arith.extui %lt3A_243 : i1 to i32
        %cond3A_245 = arith.constant 0 : i32
        %cond3A_246 = arith.cmpi ne, %convert_element_type3A_244, %cond3A_245 : i32
        scf.if %cond3A_246 {
          %dma_start3A_265 = arith.constant 2 : i32
          %dma_start3A_266 = arith.constant 2 : i32
          %dma_start3A_267 = arith.constant 0 : i32
          %dma_start3A_268 = arith.constant 0 : i32
          %dma_start3A_269 = tpu.memref_slice %arg7[%dma_start3A_265, %dma_start3A_267, %dma_start3A_268] : memref<3x96x128xf32, #tpu.memory_space<vmem>> -> memref<1x96x128xf32, #tpu.memory_space<vmem>>
          %dma_start3A_270 = tpu.memref_squeeze %dma_start3A_269 : memref<1x96x128xf32, #tpu.memory_space<vmem>> -> memref<96x128xf32, #tpu.memory_space<vmem>>
          %dma_start3A_271 = arith.constant 0 : i32
          %dma_start3A_272 = tpu.memref_slice %arg6[%add3A_241, %dma_start3A_271] : memref<16x96xi32, #tpu.memory_space<vmem>> -> memref<1x96xi32, #tpu.memory_space<vmem>>
          %dma_start3A_273 = tpu.memref_squeeze %dma_start3A_272 : memref<1x96xi32, #tpu.memory_space<vmem>> -> memref<96xi32, #tpu.memory_space<vmem>>
          %dma_start3A_274 = arith.constant 0 : i32
          %dma_start3A_275 = arith.constant 0 : i32
          %dma_start3A_276 = tpu.memref_slice %arg8[%dma_start3A_274, %dma_start3A_275] : memref<10112x128xf32, #tpu.memory_space<vmem_shared>> -> memref<10112x128xf32, #tpu.memory_space<vmem_shared>>
          %dma_start3A_277 = tpu.memref_slice %arg11[%dma_start3A_266] : memref<3x!tpu.dma_semaphore, #tpu.memory_space<semaphore_mem>> -> memref<1x!tpu.dma_semaphore, #tpu.memory_space<semaphore_mem>>
          %dma_start3A_278 = tpu.memref_squeeze %dma_start3A_277 : memref<1x!tpu.dma_semaphore, #tpu.memory_space<semaphore_mem>> -> memref<!tpu.dma_semaphore, #tpu.memory_space<semaphore_mem>>
          tpu.enqueue_indirect_dma source(%dma_start3A_270 : memref<96x128xf32, #tpu.memory_space<vmem>>) target(%dma_start3A_276 : memref<10112x128xf32, #tpu.memory_space<vmem_shared>>) offsets(%dma_start3A_273 : memref<96xi32, #tpu.memory_space<vmem>>) semaphore(%dma_start3A_278 : memref<!tpu.dma_semaphore, #tpu.memory_space<semaphore_mem>>) {add = true}
        } else {
        }
        %ge3A = arith.constant 102 : i32
        %ge3A_247 = arith.cmpi sge, %add3A_189, %ge3A : i32
        %convert_element_type3A_248 = arith.extui %ge3A_247 : i1 to i32
        %cond3A_249 = arith.constant 0 : i32
        %cond3A_250 = arith.cmpi ne, %convert_element_type3A_248, %cond3A_249 : i32
        scf.if %cond3A_250 {
          %run_scoped3A = arith.constant 2 : i32
          "tpu.region"() ({
            %run_scoped3A_265 = tpu.sem_alloc : memref<!tpu.dma_semaphore, #tpu.memory_space<semaphore_mem>>
            %dma_start3A_266 = arith.constant 0 : i32
            %dma_start3A_267 = arith.constant 0 : i32
            %dma_start3A_268 = tpu.memref_slice %arg7[%run_scoped3A, %dma_start3A_266, %dma_start3A_267] : memref<3x96x128xf32, #tpu.memory_space<vmem>> -> memref<1x96x128xf32, #tpu.memory_space<vmem>>
            %dma_start3A_269 = tpu.memref_squeeze %dma_start3A_268 : memref<1x96x128xf32, #tpu.memory_space<vmem>> -> memref<96x128xf32, #tpu.memory_space<vmem>>
            %dma_start3A_270 = arith.constant 0 : i32
            %dma_start3A_271 = tpu.memref_slice %arg6[%add3A_241, %dma_start3A_270] : memref<16x96xi32, #tpu.memory_space<vmem>> -> memref<1x96xi32, #tpu.memory_space<vmem>>
            %dma_start3A_272 = tpu.memref_squeeze %dma_start3A_271 : memref<1x96xi32, #tpu.memory_space<vmem>> -> memref<96xi32, #tpu.memory_space<vmem>>
            %dma_start3A_273 = arith.constant 0 : i32
            %dma_start3A_274 = arith.constant 0 : i32
            %dma_start3A_275 = tpu.memref_slice %arg8[%dma_start3A_273, %dma_start3A_274] : memref<10112x128xf32, #tpu.memory_space<vmem_shared>> -> memref<10112x128xf32, #tpu.memory_space<vmem_shared>>
            tpu.enqueue_indirect_dma source(%dma_start3A_269 : memref<96x128xf32, #tpu.memory_space<vmem>>) target(%dma_start3A_275 : memref<10112x128xf32, #tpu.memory_space<vmem_shared>>) offsets(%dma_start3A_272 : memref<96xi32, #tpu.memory_space<vmem>>) semaphore(%run_scoped3A_265 : memref<!tpu.dma_semaphore, #tpu.memory_space<semaphore_mem>>) {add = true}
            %dma_wait3A_276 = arith.constant 0 : i32
            %dma_wait3A_277 = arith.constant 0 : i32
            %dma_wait3A_278 = tpu.memref_slice %arg7[%run_scoped3A, %dma_wait3A_276, %dma_wait3A_277] : memref<3x96x128xf32, #tpu.memory_space<vmem>> -> memref<1x96x128xf32, #tpu.memory_space<vmem>>
            %dma_wait3A_279 = tpu.memref_squeeze %dma_wait3A_278 : memref<1x96x128xf32, #tpu.memory_space<vmem>> -> memref<96x128xf32, #tpu.memory_space<vmem>>
            %dma_wait3A_280 = arith.constant 0 : i32
            %dma_wait3A_281 = tpu.memref_slice %arg6[%add3A_241, %dma_wait3A_280] : memref<16x96xi32, #tpu.memory_space<vmem>> -> memref<1x96xi32, #tpu.memory_space<vmem>>
            %dma_wait3A_282 = tpu.memref_squeeze %dma_wait3A_281 : memref<1x96xi32, #tpu.memory_space<vmem>> -> memref<96xi32, #tpu.memory_space<vmem>>
            %dma_wait3A_283 = arith.constant 0 : i32
            %dma_wait3A_284 = arith.constant 0 : i32
            %dma_wait3A_285 = tpu.memref_slice %arg8[%dma_wait3A_283, %dma_wait3A_284] : memref<10112x128xf32, #tpu.memory_space<vmem_shared>> -> memref<10112x128xf32, #tpu.memory_space<vmem_shared>>
            tpu.wait_indirect_dma semaphore(%run_scoped3A_265 : memref<!tpu.dma_semaphore, #tpu.memory_space<semaphore_mem>>) src(%dma_wait3A_279 : memref<96x128xf32, #tpu.memory_space<vmem>>) dst(%dma_wait3A_285 : memref<10112x128xf32, #tpu.memory_space<vmem_shared>>)
            tpu.yield
          }) : () -> ()
        } else {
        }
        %add3A_251 = arith.constant 5 : i32
        %add3A_252 = arith.addi %add3A_189, %add3A_251 : i32
        %lt3A_253 = arith.constant 105 : i32
        %lt3A_254 = arith.cmpi slt, %add3A_252, %lt3A_253 : i32
        %convert_element_type3A_255 = arith.extui %lt3A_254 : i1 to i32
        %cond3A_256 = arith.constant 0 : i32
        %cond3A_257 = arith.cmpi ne, %convert_element_type3A_255, %cond3A_256 : i32
        scf.if %cond3A_257 {
          %jit3A_265 = arith.constant 8 : i32
          %eq3A_266 = arith.constant 0 : i32
          %eq3A_267 = arith.cmpi eq, %jit3A_265, %eq3A_266 : i32
          %jit3A_268 = arith.constant 1 : i32
          %select_n3A_269 = arith.select %eq3A_267, %jit3A_268, %jit3A_265 : i32
          %rem3A_270 = arith.remsi %add3A_252, %select_n3A_269 : i32
          %ne3A_271 = arith.constant 0 : i32
          %ne3A_272 = arith.cmpi ne, %rem3A_270, %ne3A_271 : i32
          %lt3A_273 = arith.constant 0 : i32
          %lt3A_274 = arith.cmpi slt, %rem3A_270, %lt3A_273 : i32
          %lt3A_275 = arith.constant 0 : i32
          %lt3A_276 = arith.cmpi slt, %select_n3A_269, %lt3A_275 : i32
          %ne3A_277 = arith.xori %lt3A_274, %lt3A_276 : i1
          %and3A_278 = arith.andi %ne3A_277, %ne3A_272 : i1
          %add3A_279 = arith.addi %rem3A_270, %select_n3A_269 : i32
          %select_n3A_280 = arith.select %and3A_278, %add3A_279, %rem3A_270 : i32
          %mul3A_281 = arith.constant 2 : i32
          %mul3A_282 = arith.muli %select_n3A_280, %mul3A_281 : i32
          %multiple_of3A_283 = tpu.assume_multiple %mul3A_282, 2 : i32
          %jit3A_284 = arith.constant 8 : i32
          %eq3A_285 = arith.constant 0 : i32
          %eq3A_286 = arith.cmpi eq, %jit3A_284, %eq3A_285 : i32
          %jit3A_287 = arith.constant 1 : i32
          %select_n3A_288 = arith.select %eq3A_286, %jit3A_287, %jit3A_284 : i32
          %rem3A_289 = arith.remsi %add3A_252, %select_n3A_288 : i32
          %ne3A_290 = arith.constant 0 : i32
          %ne3A_291 = arith.cmpi ne, %rem3A_289, %ne3A_290 : i32
          %lt3A_292 = arith.constant 0 : i32
          %lt3A_293 = arith.cmpi slt, %rem3A_289, %lt3A_292 : i32
          %lt3A_294 = arith.constant 0 : i32
          %lt3A_295 = arith.cmpi slt, %select_n3A_288, %lt3A_294 : i32
          %ne3A_296 = arith.xori %lt3A_293, %lt3A_295 : i1
          %and3A_297 = arith.andi %ne3A_296, %ne3A_291 : i1
          %add3A_298 = arith.addi %rem3A_289, %select_n3A_288 : i32
          %select_n3A_299 = arith.select %and3A_297, %add3A_298, %rem3A_289 : i32
          %dma_start3A_300 = arith.constant 0 : i32
          %dma_start3A_301 = tpu.memref_slice %arg6[%multiple_of3A_283, %dma_start3A_300] : memref<16x96xi32, #tpu.memory_space<vmem>> -> memref<2x96xi32, #tpu.memory_space<vmem>>
          %dma_start3A_302 = arith.constant 0 : i32
          %dma_start3A_303 = arith.constant 0 : i32
          %dma_start3A_304 = tpu.memref_slice %arg3[%add3A, %add3A_252, %dma_start3A_302, %dma_start3A_303] : memref<32x105x2x96xi32, #tpu.memory_space<hbm>> -> memref<1x1x2x96xi32, #tpu.memory_space<hbm>>
          %dma_start3A_305 = tpu.memref_squeeze %dma_start3A_304 : memref<1x1x2x96xi32, #tpu.memory_space<hbm>> -> memref<2x96xi32, #tpu.memory_space<hbm>>
          %dma_start3A_306 = tpu.memref_slice %arg9[%select_n3A_299] : memref<8x!tpu.dma_semaphore, #tpu.memory_space<semaphore_mem>> -> memref<1x!tpu.dma_semaphore, #tpu.memory_space<semaphore_mem>>
          %dma_start3A_307 = tpu.memref_squeeze %dma_start3A_306 : memref<1x!tpu.dma_semaphore, #tpu.memory_space<semaphore_mem>> -> memref<!tpu.dma_semaphore, #tpu.memory_space<semaphore_mem>>
          %dma_start3A_308 = arith.constant 0 : i32
          %dma_start3A_309 = tpu.memref_slice %arg6[%multiple_of3A_283, %dma_start3A_308] : memref<16x96xi32, #tpu.memory_space<vmem>> -> memref<2x96xi32, #tpu.memory_space<vmem>>
          %dma_start3A_310 = arith.constant 0 : i32
          %dma_start3A_311 = arith.constant 0 : i32
          %dma_start3A_312 = tpu.memref_slice %arg3[%add3A, %add3A_252, %dma_start3A_310, %dma_start3A_311] : memref<32x105x2x96xi32, #tpu.memory_space<hbm>> -> memref<1x1x2x96xi32, #tpu.memory_space<hbm>>
          %dma_start3A_313 = tpu.memref_squeeze %dma_start3A_312 : memref<1x1x2x96xi32, #tpu.memory_space<hbm>> -> memref<2x96xi32, #tpu.memory_space<hbm>>
          tpu.enqueue_dma source(%dma_start3A_313 : memref<2x96xi32, #tpu.memory_space<hbm>>) target(%dma_start3A_309 : memref<2x96xi32, #tpu.memory_space<vmem>>) target_semaphore(%dma_start3A_307 : memref<!tpu.dma_semaphore, #tpu.memory_space<semaphore_mem>>)
        } else {
        }
        %add3A_258 = arith.constant 2 : i32
        %add3A_259 = arith.addi %add3A_189, %add3A_258 : i32
        %lt3A_260 = arith.constant 105 : i32
        %lt3A_261 = arith.cmpi slt, %add3A_259, %lt3A_260 : i32
        %convert_element_type3A_262 = arith.extui %lt3A_261 : i1 to i32
        %cond3A_263 = arith.constant 0 : i32
        %cond3A_264 = arith.cmpi ne, %convert_element_type3A_262, %cond3A_263 : i32
        scf.if %cond3A_264 {
          %ge3A_265 = arith.constant 3 : i32
          %ge3A_266 = arith.cmpi sge, %add3A_259, %ge3A_265 : i32
          %convert_element_type3A_267 = arith.extui %ge3A_266 : i1 to i32
          %cond3A_268 = arith.constant 0 : i32
          %cond3A_269 = arith.cmpi ne, %convert_element_type3A_267, %cond3A_268 : i32
          scf.if %cond3A_269 {
            %sub3A = arith.constant 3 : i32
            %sub3A_351 = arith.subi %add3A_259, %sub3A : i32
            %jit3A_352 = arith.constant 8 : i32
            %eq3A_353 = arith.constant 0 : i32
            %eq3A_354 = arith.cmpi eq, %jit3A_352, %eq3A_353 : i32
            %jit3A_355 = arith.constant 1 : i32
            %select_n3A_356 = arith.select %eq3A_354, %jit3A_355, %jit3A_352 : i32
            %rem3A_357 = arith.remsi %sub3A_351, %select_n3A_356 : i32
            %ne3A_358 = arith.constant 0 : i32
            %ne3A_359 = arith.cmpi ne, %rem3A_357, %ne3A_358 : i32
            %lt3A_360 = arith.constant 0 : i32
            %lt3A_361 = arith.cmpi slt, %rem3A_357, %lt3A_360 : i32
            %lt3A_362 = arith.constant 0 : i32
            %lt3A_363 = arith.cmpi slt, %select_n3A_356, %lt3A_362 : i32
            %ne3A_364 = arith.xori %lt3A_361, %lt3A_363 : i1
            %and3A_365 = arith.andi %ne3A_364, %ne3A_359 : i1
            %add3A_366 = arith.addi %rem3A_357, %select_n3A_356 : i32
            %select_n3A_367 = arith.select %and3A_365, %add3A_366, %rem3A_357 : i32
            %mul3A_368 = arith.constant 2 : i32
            %mul3A_369 = arith.muli %select_n3A_367, %mul3A_368 : i32
            %add3A_370 = arith.constant 1 : i32
            %add3A_371 = arith.addi %mul3A_369, %add3A_370 : i32
            %dma_wait3A_372 = arith.constant 1 : i32
            %dma_wait3A_373 = arith.constant 1 : i32
            %dma_wait3A_374 = arith.constant 0 : i32
            %dma_wait3A_375 = arith.constant 0 : i32
            %dma_wait3A_376 = tpu.memref_slice %arg7[%dma_wait3A_372, %dma_wait3A_374, %dma_wait3A_375] : memref<3x96x128xf32, #tpu.memory_space<vmem>> -> memref<1x96x128xf32, #tpu.memory_space<vmem>>
            %dma_wait3A_377 = tpu.memref_squeeze %dma_wait3A_376 : memref<1x96x128xf32, #tpu.memory_space<vmem>> -> memref<96x128xf32, #tpu.memory_space<vmem>>
            %dma_wait3A_378 = arith.constant 0 : i32
            %dma_wait3A_379 = tpu.memref_slice %arg6[%add3A_371, %dma_wait3A_378] : memref<16x96xi32, #tpu.memory_space<vmem>> -> memref<1x96xi32, #tpu.memory_space<vmem>>
            %dma_wait3A_380 = tpu.memref_squeeze %dma_wait3A_379 : memref<1x96xi32, #tpu.memory_space<vmem>> -> memref<96xi32, #tpu.memory_space<vmem>>
            %dma_wait3A_381 = arith.constant 0 : i32
            %dma_wait3A_382 = arith.constant 0 : i32
            %dma_wait3A_383 = tpu.memref_slice %arg8[%dma_wait3A_381, %dma_wait3A_382] : memref<10112x128xf32, #tpu.memory_space<vmem_shared>> -> memref<10112x128xf32, #tpu.memory_space<vmem_shared>>
            %dma_wait3A_384 = tpu.memref_slice %arg11[%dma_wait3A_373] : memref<3x!tpu.dma_semaphore, #tpu.memory_space<semaphore_mem>> -> memref<1x!tpu.dma_semaphore, #tpu.memory_space<semaphore_mem>>
            %dma_wait3A_385 = tpu.memref_squeeze %dma_wait3A_384 : memref<1x!tpu.dma_semaphore, #tpu.memory_space<semaphore_mem>> -> memref<!tpu.dma_semaphore, #tpu.memory_space<semaphore_mem>>
            tpu.wait_indirect_dma semaphore(%dma_wait3A_385 : memref<!tpu.dma_semaphore, #tpu.memory_space<semaphore_mem>>) src(%dma_wait3A_377 : memref<96x128xf32, #tpu.memory_space<vmem>>) dst(%dma_wait3A_383 : memref<10112x128xf32, #tpu.memory_space<vmem_shared>>)
          } else {
          }
          %jit3A_270 = arith.constant 8 : i32
          %eq3A_271 = arith.constant 0 : i32
          %eq3A_272 = arith.cmpi eq, %jit3A_270, %eq3A_271 : i32
          %jit3A_273 = arith.constant 1 : i32
          %select_n3A_274 = arith.select %eq3A_272, %jit3A_273, %jit3A_270 : i32
          %rem3A_275 = arith.remsi %add3A_259, %select_n3A_274 : i32
          %ne3A_276 = arith.constant 0 : i32
          %ne3A_277 = arith.cmpi ne, %rem3A_275, %ne3A_276 : i32
          %lt3A_278 = arith.constant 0 : i32
          %lt3A_279 = arith.cmpi slt, %rem3A_275, %lt3A_278 : i32
          %lt3A_280 = arith.constant 0 : i32
          %lt3A_281 = arith.cmpi slt, %select_n3A_274, %lt3A_280 : i32
          %ne3A_282 = arith.xori %lt3A_279, %lt3A_281 : i1
          %and3A_283 = arith.andi %ne3A_282, %ne3A_277 : i1
          %add3A_284 = arith.addi %rem3A_275, %select_n3A_274 : i32
          %select_n3A_285 = arith.select %and3A_283, %add3A_284, %rem3A_275 : i32
          %mul3A_286 = arith.constant 2 : i32
          %mul3A_287 = arith.muli %select_n3A_285, %mul3A_286 : i32
          %multiple_of3A_288 = tpu.assume_multiple %mul3A_287, 2 : i32
          %jit3A_289 = arith.constant 8 : i32
          %eq3A_290 = arith.constant 0 : i32
          %eq3A_291 = arith.cmpi eq, %jit3A_289, %eq3A_290 : i32
          %jit3A_292 = arith.constant 1 : i32
          %select_n3A_293 = arith.select %eq3A_291, %jit3A_292, %jit3A_289 : i32
          %rem3A_294 = arith.remsi %add3A_259, %select_n3A_293 : i32
          %ne3A_295 = arith.constant 0 : i32
          %ne3A_296 = arith.cmpi ne, %rem3A_294, %ne3A_295 : i32
          %lt3A_297 = arith.constant 0 : i32
          %lt3A_298 = arith.cmpi slt, %rem3A_294, %lt3A_297 : i32
          %lt3A_299 = arith.constant 0 : i32
          %lt3A_300 = arith.cmpi slt, %select_n3A_293, %lt3A_299 : i32
          %ne3A_301 = arith.xori %lt3A_298, %lt3A_300 : i1
          %and3A_302 = arith.andi %ne3A_301, %ne3A_296 : i1
          %add3A_303 = arith.addi %rem3A_294, %select_n3A_293 : i32
          %select_n3A_304 = arith.select %and3A_302, %add3A_303, %rem3A_294 : i32
          %dma_wait3A_305 = arith.constant 0 : i32
          %dma_wait3A_306 = tpu.memref_slice %arg6[%multiple_of3A_288, %dma_wait3A_305] : memref<16x96xi32, #tpu.memory_space<vmem>> -> memref<2x96xi32, #tpu.memory_space<vmem>>
          %dma_wait3A_307 = arith.constant 0 : i32
          %dma_wait3A_308 = arith.constant 0 : i32
          %dma_wait3A_309 = tpu.memref_slice %arg3[%add3A, %add3A_259, %dma_wait3A_307, %dma_wait3A_308] : memref<32x105x2x96xi32, #tpu.memory_space<hbm>> -> memref<1x1x2x96xi32, #tpu.memory_space<hbm>>
          %dma_wait3A_310 = tpu.memref_squeeze %dma_wait3A_309 : memref<1x1x2x96xi32, #tpu.memory_space<hbm>> -> memref<2x96xi32, #tpu.memory_space<hbm>>
          %dma_wait3A_311 = tpu.memref_slice %arg9[%select_n3A_304] : memref<8x!tpu.dma_semaphore, #tpu.memory_space<semaphore_mem>> -> memref<1x!tpu.dma_semaphore, #tpu.memory_space<semaphore_mem>>
          %dma_wait3A_312 = tpu.memref_squeeze %dma_wait3A_311 : memref<1x!tpu.dma_semaphore, #tpu.memory_space<semaphore_mem>> -> memref<!tpu.dma_semaphore, #tpu.memory_space<semaphore_mem>>
          %dma_wait3A_313 = arith.constant 0 : i32
          %dma_wait3A_314 = tpu.memref_slice %arg6[%multiple_of3A_288, %dma_wait3A_313] : memref<16x96xi32, #tpu.memory_space<vmem>> -> memref<2x96xi32, #tpu.memory_space<vmem>>
          %dma_wait3A_315 = arith.constant 0 : i32
          %dma_wait3A_316 = arith.constant 0 : i32
          %dma_wait3A_317 = tpu.memref_slice %arg3[%add3A, %add3A_259, %dma_wait3A_315, %dma_wait3A_316] : memref<32x105x2x96xi32, #tpu.memory_space<hbm>> -> memref<1x1x2x96xi32, #tpu.memory_space<hbm>>
          %dma_wait3A_318 = tpu.memref_squeeze %dma_wait3A_317 : memref<1x1x2x96xi32, #tpu.memory_space<hbm>> -> memref<2x96xi32, #tpu.memory_space<hbm>>
          tpu.wait_dma2 semaphore(%dma_wait3A_312 : memref<!tpu.dma_semaphore, #tpu.memory_space<semaphore_mem>>) src(%dma_wait3A_318 : memref<2x96xi32, #tpu.memory_space<hbm>>) dst(%dma_wait3A_314 : memref<2x96xi32, #tpu.memory_space<vmem>>)
          %jit3A_319 = arith.constant 8 : i32
          %eq3A_320 = arith.constant 0 : i32
          %eq3A_321 = arith.cmpi eq, %jit3A_319, %eq3A_320 : i32
          %jit3A_322 = arith.constant 1 : i32
          %select_n3A_323 = arith.select %eq3A_321, %jit3A_322, %jit3A_319 : i32
          %rem3A_324 = arith.remsi %add3A_259, %select_n3A_323 : i32
          %ne3A_325 = arith.constant 0 : i32
          %ne3A_326 = arith.cmpi ne, %rem3A_324, %ne3A_325 : i32
          %lt3A_327 = arith.constant 0 : i32
          %lt3A_328 = arith.cmpi slt, %rem3A_324, %lt3A_327 : i32
          %lt3A_329 = arith.constant 0 : i32
          %lt3A_330 = arith.cmpi slt, %select_n3A_323, %lt3A_329 : i32
          %ne3A_331 = arith.xori %lt3A_328, %lt3A_330 : i1
          %and3A_332 = arith.andi %ne3A_331, %ne3A_326 : i1
          %add3A_333 = arith.addi %rem3A_324, %select_n3A_323 : i32
          %select_n3A_334 = arith.select %and3A_332, %add3A_333, %rem3A_324 : i32
          %mul3A_335 = arith.constant 2 : i32
          %mul3A_336 = arith.muli %select_n3A_334, %mul3A_335 : i32
          %dma_start3A_337 = arith.constant 1 : i32
          %dma_start3A_338 = arith.constant 1 : i32
          %dma_start3A_339 = arith.constant 0 : i32
          %dma_start3A_340 = arith.constant 0 : i32
          %dma_start3A_341 = tpu.memref_slice %arg7[%dma_start3A_337, %dma_start3A_339, %dma_start3A_340] : memref<3x96x128xf32, #tpu.memory_space<vmem>> -> memref<1x96x128xf32, #tpu.memory_space<vmem>>
          %dma_start3A_342 = tpu.memref_squeeze %dma_start3A_341 : memref<1x96x128xf32, #tpu.memory_space<vmem>> -> memref<96x128xf32, #tpu.memory_space<vmem>>
          %dma_start3A_343 = arith.constant 0 : i32
          %dma_start3A_344 = tpu.memref_slice %arg6[%mul3A_336, %dma_start3A_343] : memref<16x96xi32, #tpu.memory_space<vmem>> -> memref<1x96xi32, #tpu.memory_space<vmem>>
          %dma_start3A_345 = tpu.memref_squeeze %dma_start3A_344 : memref<1x96xi32, #tpu.memory_space<vmem>> -> memref<96xi32, #tpu.memory_space<vmem>>
          %dma_start3A_346 = arith.constant 0 : i32
          %dma_start3A_347 = arith.constant 0 : i32
          %dma_start3A_348 = tpu.memref_slice %arg2[%dma_start3A_346, %dma_start3A_347] : memref<10000x128xf32, #tpu.memory_space<hbm>> -> memref<10000x128xf32, #tpu.memory_space<hbm>>
          %dma_start3A_349 = tpu.memref_slice %arg10[%dma_start3A_338] : memref<3x!tpu.dma_semaphore, #tpu.memory_space<semaphore_mem>> -> memref<1x!tpu.dma_semaphore, #tpu.memory_space<semaphore_mem>>
          %dma_start3A_350 = tpu.memref_squeeze %dma_start3A_349 : memref<1x!tpu.dma_semaphore, #tpu.memory_space<semaphore_mem>> -> memref<!tpu.dma_semaphore, #tpu.memory_space<semaphore_mem>>
          tpu.enqueue_indirect_dma source(%dma_start3A_348 : memref<10000x128xf32, #tpu.memory_space<hbm>>) target(%dma_start3A_342 : memref<96x128xf32, #tpu.memory_space<vmem>>) offsets(%dma_start3A_345 : memref<96xi32, #tpu.memory_space<vmem>>) semaphore(%dma_start3A_350 : memref<!tpu.dma_semaphore, #tpu.memory_space<semaphore_mem>>)
        } else {
        }
      } else {
      }
      %scan3A_195 = arith.constant 0 : i32
      scf.yield %scan3A_195 : i32
    }
    %scan3A_163 = arith.constant 35 : i32
    %barrier3A_164 = arith.constant 0 : index
    tpu.barrier barrier_id(%barrier3A_164)
    %mul3A_165 = arith.constant 632 : i32
    %mul3A_166 = arith.muli %arg1, %mul3A_165 : i32
    %mul3A_167 = arith.constant 632 : i32
    %mul3A_168 = arith.muli %arg1, %mul3A_167 : i32
    "tpu.region"() ({
      %run_scoped3A = tpu.sem_alloc : memref<!tpu.dma_semaphore, #tpu.memory_space<semaphore_mem>>
      %dma_start3A_169 = arith.constant 0 : i32
      %dma_start3A_170 = tpu.memref_slice %arg5[%arg0, %mul3A_168, %dma_start3A_169] : memref<2x10112x128xf32, #tpu.memory_space<hbm>> -> memref<1x632x128xf32, #tpu.memory_space<hbm>>
      %dma_start3A_171 = tpu.memref_squeeze %dma_start3A_170 : memref<1x632x128xf32, #tpu.memory_space<hbm>> -> memref<632x128xf32, #tpu.memory_space<hbm>>
      %dma_start3A_172 = arith.constant 0 : i32
      %dma_start3A_173 = tpu.memref_slice %arg8[%mul3A_166, %dma_start3A_172] : memref<10112x128xf32, #tpu.memory_space<vmem_shared>> -> memref<632x128xf32, #tpu.memory_space<vmem_shared>>
      tpu.enqueue_dma source(%dma_start3A_173 : memref<632x128xf32, #tpu.memory_space<vmem_shared>>) target(%dma_start3A_171 : memref<632x128xf32, #tpu.memory_space<hbm>>) target_semaphore(%run_scoped3A : memref<!tpu.dma_semaphore, #tpu.memory_space<semaphore_mem>>)
      %dma_wait3A_174 = arith.constant 0 : i32
      %dma_wait3A_175 = tpu.memref_slice %arg5[%arg0, %mul3A_168, %dma_wait3A_174] : memref<2x10112x128xf32, #tpu.memory_space<hbm>> -> memref<1x632x128xf32, #tpu.memory_space<hbm>>
      %dma_wait3A_176 = tpu.memref_squeeze %dma_wait3A_175 : memref<1x632x128xf32, #tpu.memory_space<hbm>> -> memref<632x128xf32, #tpu.memory_space<hbm>>
      %dma_wait3A_177 = arith.constant 0 : i32
      %dma_wait3A_178 = tpu.memref_slice %arg8[%mul3A_166, %dma_wait3A_177] : memref<10112x128xf32, #tpu.memory_space<vmem_shared>> -> memref<632x128xf32, #tpu.memory_space<vmem_shared>>
      tpu.wait_dma2 semaphore(%run_scoped3A : memref<!tpu.dma_semaphore, #tpu.memory_space<semaphore_mem>>) src(%dma_wait3A_178 : memref<632x128xf32, #tpu.memory_space<vmem_shared>>) dst(%dma_wait3A_176 : memref<632x128xf32, #tpu.memory_space<hbm>>)
      tpu.yield
    }) : () -> ()
    return
  }
}

#map = affine_map<(d0, d1) -> (0, 0, 0, 0)>
#map1 = affine_map<(d0, d1) -> (0)>
#map2 = affine_map<(d0, d1) -> (0, 0)>
module attributes {stable_mosaic.version = 14 : i64} {
  func.func @_sc_degree(%arg0: i32, %arg1: i32, %arg2: memref<32x105x2x96xi32, #tpu.memory_space<hbm>>, %arg3: memref<96xf32, #tpu.memory_space<hbm>>, %arg4: memref<10240xf32, #tpu.memory_space<hbm>>, %arg5: memref<2x10240xf32, #tpu.memory_space<hbm>>, %arg6: memref<105x2x96xi32, #tpu.memory_space<vmem>>, %arg7: memref<96xf32, #tpu.memory_space<vmem>>, %arg8: memref<10240xf32, #tpu.memory_space<vmem_shared>>) attributes {dimension_semantics = [#tpu.dimension_semantics<core_parallel>, #tpu.dimension_semantics<subcore_parallel>], iteration_bounds = array<i64: 2, 16>, scalar_prefetch = 0 : i64, scratch_operands = 3 : i64, tpu.core_type = #tpu.core_type<sc_vector_subcore>, window_params = [{transform_indices = #map}, {transform_indices = #map1}, {transform_indices = #map1}, {transform_indices = #map2}]} {
    %mul3A = arith.constant 2 : i32
    %mul3A_0 = arith.muli %arg1, %mul3A : i32
    %add3A = arith.addi %mul3A_0, %arg0 : i32
    %mul3A_1 = arith.constant 640 : i32
    %mul3A_2 = arith.muli %arg1, %mul3A_1 : i32
    %mul3A_3 = arith.constant 640 : i32
    %mul3A_4 = arith.muli %arg1, %mul3A_3 : i32
    "tpu.region"() ({
      %run_scoped3A = tpu.sem_alloc : memref<!tpu.dma_semaphore, #tpu.memory_space<semaphore_mem>>
      %dma_start3A = tpu.memref_slice %arg8[%mul3A_4] : memref<10240xf32, #tpu.memory_space<vmem_shared>> -> memref<640xf32, #tpu.memory_space<vmem_shared>>
      %dma_start3A_16 = tpu.memref_slice %arg4[%mul3A_2] : memref<10240xf32, #tpu.memory_space<hbm>> -> memref<640xf32, #tpu.memory_space<hbm>>
      tpu.enqueue_dma source(%dma_start3A_16 : memref<640xf32, #tpu.memory_space<hbm>>) target(%dma_start3A : memref<640xf32, #tpu.memory_space<vmem_shared>>) target_semaphore(%run_scoped3A : memref<!tpu.dma_semaphore, #tpu.memory_space<semaphore_mem>>)
      %dma_wait3A = tpu.memref_slice %arg8[%mul3A_4] : memref<10240xf32, #tpu.memory_space<vmem_shared>> -> memref<640xf32, #tpu.memory_space<vmem_shared>>
      %dma_wait3A_17 = tpu.memref_slice %arg4[%mul3A_2] : memref<10240xf32, #tpu.memory_space<hbm>> -> memref<640xf32, #tpu.memory_space<hbm>>
      tpu.wait_dma2 semaphore(%run_scoped3A : memref<!tpu.dma_semaphore, #tpu.memory_space<semaphore_mem>>) src(%dma_wait3A_17 : memref<640xf32, #tpu.memory_space<hbm>>) dst(%dma_wait3A : memref<640xf32, #tpu.memory_space<vmem_shared>>)
      tpu.yield
    }) : () -> ()
    "tpu.region"() ({
      %run_scoped3A = tpu.sem_alloc : memref<!tpu.dma_semaphore, #tpu.memory_space<semaphore_mem>>
      tpu.enqueue_dma source(%arg3 : memref<96xf32, #tpu.memory_space<hbm>>) target(%arg7 : memref<96xf32, #tpu.memory_space<vmem>>) target_semaphore(%run_scoped3A : memref<!tpu.dma_semaphore, #tpu.memory_space<semaphore_mem>>)
      tpu.wait_dma2 semaphore(%run_scoped3A : memref<!tpu.dma_semaphore, #tpu.memory_space<semaphore_mem>>) src(%arg3 : memref<96xf32, #tpu.memory_space<hbm>>) dst(%arg7 : memref<96xf32, #tpu.memory_space<vmem>>)
      tpu.yield
    }) : () -> ()
    "tpu.region"() ({
      %run_scoped3A = tpu.sem_alloc : memref<!tpu.dma_semaphore, #tpu.memory_space<semaphore_mem>>
      %dma_start3A = arith.constant 0 : i32
      %dma_start3A_16 = arith.constant 0 : i32
      %dma_start3A_17 = arith.constant 0 : i32
      %dma_start3A_18 = tpu.memref_slice %arg2[%add3A, %dma_start3A, %dma_start3A_16, %dma_start3A_17] : memref<32x105x2x96xi32, #tpu.memory_space<hbm>> -> memref<1x105x2x96xi32, #tpu.memory_space<hbm>>
      %dma_start3A_19 = tpu.memref_squeeze %dma_start3A_18 : memref<1x105x2x96xi32, #tpu.memory_space<hbm>> -> memref<105x2x96xi32, #tpu.memory_space<hbm>>
      %dma_start3A_20 = arith.constant 0 : i32
      %dma_start3A_21 = arith.constant 0 : i32
      %dma_start3A_22 = arith.constant 0 : i32
      %dma_start3A_23 = tpu.memref_slice %arg2[%add3A, %dma_start3A_20, %dma_start3A_21, %dma_start3A_22] : memref<32x105x2x96xi32, #tpu.memory_space<hbm>> -> memref<1x105x2x96xi32, #tpu.memory_space<hbm>>
      %dma_start3A_24 = tpu.memref_squeeze %dma_start3A_23 : memref<1x105x2x96xi32, #tpu.memory_space<hbm>> -> memref<105x2x96xi32, #tpu.memory_space<hbm>>
      tpu.enqueue_dma source(%dma_start3A_24 : memref<105x2x96xi32, #tpu.memory_space<hbm>>) target(%arg6 : memref<105x2x96xi32, #tpu.memory_space<vmem>>) target_semaphore(%run_scoped3A : memref<!tpu.dma_semaphore, #tpu.memory_space<semaphore_mem>>)
      %dma_wait3A = arith.constant 0 : i32
      %dma_wait3A_25 = arith.constant 0 : i32
      %dma_wait3A_26 = arith.constant 0 : i32
      %dma_wait3A_27 = tpu.memref_slice %arg2[%add3A, %dma_wait3A, %dma_wait3A_25, %dma_wait3A_26] : memref<32x105x2x96xi32, #tpu.memory_space<hbm>> -> memref<1x105x2x96xi32, #tpu.memory_space<hbm>>
      %dma_wait3A_28 = tpu.memref_squeeze %dma_wait3A_27 : memref<1x105x2x96xi32, #tpu.memory_space<hbm>> -> memref<105x2x96xi32, #tpu.memory_space<hbm>>
      %dma_wait3A_29 = arith.constant 0 : i32
      %dma_wait3A_30 = arith.constant 0 : i32
      %dma_wait3A_31 = arith.constant 0 : i32
      %dma_wait3A_32 = tpu.memref_slice %arg2[%add3A, %dma_wait3A_29, %dma_wait3A_30, %dma_wait3A_31] : memref<32x105x2x96xi32, #tpu.memory_space<hbm>> -> memref<1x105x2x96xi32, #tpu.memory_space<hbm>>
      %dma_wait3A_33 = tpu.memref_squeeze %dma_wait3A_32 : memref<1x105x2x96xi32, #tpu.memory_space<hbm>> -> memref<105x2x96xi32, #tpu.memory_space<hbm>>
      tpu.wait_dma2 semaphore(%run_scoped3A : memref<!tpu.dma_semaphore, #tpu.memory_space<semaphore_mem>>) src(%dma_wait3A_33 : memref<105x2x96xi32, #tpu.memory_space<hbm>>) dst(%arg6 : memref<105x2x96xi32, #tpu.memory_space<vmem>>)
      tpu.yield
    }) : () -> ()
    %barrier3A = arith.constant 0 : index
    tpu.barrier barrier_id(%barrier3A)
    %scan3A = arith.constant 0 : i32
    %scan3A_5 = arith.constant 0 : i32
    %scan3A_6 = arith.constant 105 : i32
    %scan3A_7 = arith.addi %scan3A_5, %scan3A_6 : i32
    %scan3A_8 = arith.constant 1 : i32
    %scan3A_9 = scf.for %scan3A_16 = %scan3A_5 to %scan3A_7 step %scan3A_8 iter_args(%scan3A_17 = %scan3A) -> (i32)  : i32 {
      %run_scoped3A = arith.constant 1 : i32
      "tpu.region"() ({
        %run_scoped3A_19 = tpu.sem_alloc : memref<!tpu.dma_semaphore, #tpu.memory_space<semaphore_mem>>
        %dma_start3A = arith.constant 0 : i32
        %dma_start3A_20 = tpu.memref_slice %arg6[%scan3A_16, %run_scoped3A, %dma_start3A] : memref<105x2x96xi32, #tpu.memory_space<vmem>> -> memref<1x1x96xi32, #tpu.memory_space<vmem>>
        %dma_start3A_21 = tpu.memref_squeeze %dma_start3A_20 : memref<1x1x96xi32, #tpu.memory_space<vmem>> -> memref<96xi32, #tpu.memory_space<vmem>>
        %dma_start3A_22 = arith.constant 0 : i32
        %dma_start3A_23 = tpu.memref_slice %arg8[%dma_start3A_22] : memref<10240xf32, #tpu.memory_space<vmem_shared>> -> memref<10240xf32, #tpu.memory_space<vmem_shared>>
        tpu.enqueue_indirect_dma source(%arg7 : memref<96xf32, #tpu.memory_space<vmem>>) target(%dma_start3A_23 : memref<10240xf32, #tpu.memory_space<vmem_shared>>) offsets(%dma_start3A_21 : memref<96xi32, #tpu.memory_space<vmem>>) semaphore(%run_scoped3A_19 : memref<!tpu.dma_semaphore, #tpu.memory_space<semaphore_mem>>) {add = true}
        %dma_wait3A = arith.constant 0 : i32
        %dma_wait3A_24 = tpu.memref_slice %arg6[%scan3A_16, %run_scoped3A, %dma_wait3A] : memref<105x2x96xi32, #tpu.memory_space<vmem>> -> memref<1x1x96xi32, #tpu.memory_space<vmem>>
        %dma_wait3A_25 = tpu.memref_squeeze %dma_wait3A_24 : memref<1x1x96xi32, #tpu.memory_space<vmem>> -> memref<96xi32, #tpu.memory_space<vmem>>
        %dma_wait3A_26 = arith.constant 0 : i32
        %dma_wait3A_27 = tpu.memref_slice %arg8[%dma_wait3A_26] : memref<10240xf32, #tpu.memory_space<vmem_shared>> -> memref<10240xf32, #tpu.memory_space<vmem_shared>>
        tpu.wait_indirect_dma semaphore(%run_scoped3A_19 : memref<!tpu.dma_semaphore, #tpu.memory_space<semaphore_mem>>) src(%arg7 : memref<96xf32, #tpu.memory_space<vmem>>) dst(%dma_wait3A_27 : memref<10240xf32, #tpu.memory_space<vmem_shared>>)
        tpu.yield
      }) : () -> ()
      %scan3A_18 = arith.constant 0 : i32
      scf.yield %scan3A_18 : i32
    }
    %scan3A_10 = arith.constant 105 : i32
    %barrier3A_11 = arith.constant 0 : index
    tpu.barrier barrier_id(%barrier3A_11)
    %mul3A_12 = arith.constant 640 : i32
    %mul3A_13 = arith.muli %arg1, %mul3A_12 : i32
    %mul3A_14 = arith.constant 640 : i32
    %mul3A_15 = arith.muli %arg1, %mul3A_14 : i32
    "tpu.region"() ({
      %run_scoped3A = tpu.sem_alloc : memref<!tpu.dma_semaphore, #tpu.memory_space<semaphore_mem>>
      %dma_start3A = tpu.memref_slice %arg5[%arg0, %mul3A_15] : memref<2x10240xf32, #tpu.memory_space<hbm>> -> memref<1x640xf32, #tpu.memory_space<hbm>>
      %dma_start3A_16 = tpu.memref_squeeze %dma_start3A : memref<1x640xf32, #tpu.memory_space<hbm>> -> memref<640xf32, #tpu.memory_space<hbm>>
      %dma_start3A_17 = tpu.memref_slice %arg8[%mul3A_13] : memref<10240xf32, #tpu.memory_space<vmem_shared>> -> memref<640xf32, #tpu.memory_space<vmem_shared>>
      tpu.enqueue_dma source(%dma_start3A_17 : memref<640xf32, #tpu.memory_space<vmem_shared>>) target(%dma_start3A_16 : memref<640xf32, #tpu.memory_space<hbm>>) target_semaphore(%run_scoped3A : memref<!tpu.dma_semaphore, #tpu.memory_space<semaphore_mem>>)
      %dma_wait3A = tpu.memref_slice %arg5[%arg0, %mul3A_15] : memref<2x10240xf32, #tpu.memory_space<hbm>> -> memref<1x640xf32, #tpu.memory_space<hbm>>
      %dma_wait3A_18 = tpu.memref_squeeze %dma_wait3A : memref<1x640xf32, #tpu.memory_space<hbm>> -> memref<640xf32, #tpu.memory_space<hbm>>
      %dma_wait3A_19 = tpu.memref_slice %arg8[%mul3A_13] : memref<10240xf32, #tpu.memory_space<vmem_shared>> -> memref<640xf32, #tpu.memory_space<vmem_shared>>
      tpu.wait_dma2 semaphore(%run_scoped3A : memref<!tpu.dma_semaphore, #tpu.memory_space<semaphore_mem>>) src(%dma_wait3A_19 : memref<640xf32, #tpu.memory_space<vmem_shared>>) dst(%dma_wait3A_18 : memref<640xf32, #tpu.memory_space<hbm>>)
      tpu.yield
    }) : () -> ()
    return
  }
}

#map = affine_map<(d0, d1) -> (0, 0)>
#map1 = affine_map<(d0, d1) -> (0, 0, 0, 0)>
#map2 = affine_map<(d0, d1) -> (0, 0, 0)>
module attributes {stable_mosaic.version = 14 : i64} {
  func.func @_sc_edge_pass(%arg0: i32, %arg1: i32, %arg2: memref<10000x128xf32, #tpu.memory_space<hbm>>, %arg3: memref<32x105x2x96xi32, #tpu.memory_space<hbm>>, %arg4: memref<10112x128xf32, #tpu.memory_space<hbm>>, %arg5: memref<2x10112x128xf32, #tpu.memory_space<hbm>>, %arg6: memref<16x96xi32, #tpu.memory_space<vmem>>, %arg7: memref<3x96x128xf32, #tpu.memory_space<vmem>>, %arg8: memref<10112x128xf32, #tpu.memory_space<vmem_shared>>, %arg9: memref<8x!tpu.dma_semaphore, #tpu.memory_space<semaphore_mem>>, %arg10: memref<3x!tpu.dma_semaphore, #tpu.memory_space<semaphore_mem>>, %arg11: memref<3x!tpu.dma_semaphore, #tpu.memory_space<semaphore_mem>>) attributes {dimension_semantics = [#tpu.dimension_semantics<core_parallel>, #tpu.dimension_semantics<subcore_parallel>], iteration_bounds = array<i64: 2, 16>, scalar_prefetch = 0 : i64, scratch_operands = 6 : i64, tpu.core_type = #tpu.core_type<sc_vector_subcore>, window_params = [{transform_indices = #map}, {transform_indices = #map1}, {transform_indices = #map}, {transform_indices = #map2}]} {
    %mul3A = arith.constant 2 : i32
    %mul3A_0 = arith.muli %arg1, %mul3A : i32
    %add3A = arith.addi %mul3A_0, %arg0 : i32
    %mul3A_1 = arith.constant 632 : i32
    %mul3A_2 = arith.muli %arg1, %mul3A_1 : i32
    %mul3A_3 = arith.constant 632 : i32
    %mul3A_4 = arith.muli %arg1, %mul3A_3 : i32
    "tpu.region"() ({
      %run_scoped3A = tpu.sem_alloc : memref<!tpu.dma_semaphore, #tpu.memory_space<semaphore_mem>>
      %dma_start3A_169 = arith.constant 0 : i32
      %dma_start3A_170 = tpu.memref_slice %arg8[%mul3A_4, %dma_start3A_169] : memref<10112x128xf32, #tpu.memory_space<vmem_shared>> -> memref<632x128xf32, #tpu.memory_space<vmem_shared>>
      %dma_start3A_171 = arith.constant 0 : i32
      %dma_start3A_172 = tpu.memref_slice %arg4[%mul3A_2, %dma_start3A_171] : memref<10112x128xf32, #tpu.memory_space<hbm>> -> memref<632x128xf32, #tpu.memory_space<hbm>>
      tpu.enqueue_dma source(%dma_start3A_172 : memref<632x128xf32, #tpu.memory_space<hbm>>) target(%dma_start3A_170 : memref<632x128xf32, #tpu.memory_space<vmem_shared>>) target_semaphore(%run_scoped3A : memref<!tpu.dma_semaphore, #tpu.memory_space<semaphore_mem>>)
      %dma_wait3A_173 = arith.constant 0 : i32
      %dma_wait3A_174 = tpu.memref_slice %arg8[%mul3A_4, %dma_wait3A_173] : memref<10112x128xf32, #tpu.memory_space<vmem_shared>> -> memref<632x128xf32, #tpu.memory_space<vmem_shared>>
      %dma_wait3A_175 = arith.constant 0 : i32
      %dma_wait3A_176 = tpu.memref_slice %arg4[%mul3A_2, %dma_wait3A_175] : memref<10112x128xf32, #tpu.memory_space<hbm>> -> memref<632x128xf32, #tpu.memory_space<hbm>>
      tpu.wait_dma2 semaphore(%run_scoped3A : memref<!tpu.dma_semaphore, #tpu.memory_space<semaphore_mem>>) src(%dma_wait3A_176 : memref<632x128xf32, #tpu.memory_space<hbm>>) dst(%dma_wait3A_174 : memref<632x128xf32, #tpu.memory_space<vmem_shared>>)
      tpu.yield
    }) : () -> ()
    %multiple_of3A = arith.constant 0 : i32
    %multiple_of3A_5 = tpu.assume_multiple %multiple_of3A, 2 : i32
    %dma_start3A = arith.constant 0 : i32
    %dma_start3A_6 = arith.constant 0 : i32
    %dma_start3A_7 = arith.constant 0 : i32
    %dma_start3A_8 = tpu.memref_slice %arg6[%multiple_of3A_5, %dma_start3A_7] : memref<16x96xi32, #tpu.memory_space<vmem>> -> memref<2x96xi32, #tpu.memory_space<vmem>>
    %dma_start3A_9 = arith.constant 0 : i32
    %dma_start3A_10 = arith.constant 0 : i32
    %dma_start3A_11 = tpu.memref_slice %arg3[%add3A, %dma_start3A, %dma_start3A_9, %dma_start3A_10] : memref<32x105x2x96xi32, #tpu.memory_space<hbm>> -> memref<1x1x2x96xi32, #tpu.memory_space<hbm>>
    %dma_start3A_12 = tpu.memref_squeeze %dma_start3A_11 : memref<1x1x2x96xi32, #tpu.memory_space<hbm>> -> memref<2x96xi32, #tpu.memory_space<hbm>>
    %dma_start3A_13 = tpu.memref_slice %arg9[%dma_start3A_6] : memref<8x!tpu.dma_semaphore, #tpu.memory_space<semaphore_mem>> -> memref<1x!tpu.dma_semaphore, #tpu.memory_space<semaphore_mem>>
    %dma_start3A_14 = tpu.memref_squeeze %dma_start3A_13 : memref<1x!tpu.dma_semaphore, #tpu.memory_space<semaphore_mem>> -> memref<!tpu.dma_semaphore, #tpu.memory_space<semaphore_mem>>
    %dma_start3A_15 = arith.constant 0 : i32
    %dma_start3A_16 = tpu.memref_slice %arg6[%multiple_of3A_5, %dma_start3A_15] : memref<16x96xi32, #tpu.memory_space<vmem>> -> memref<2x96xi32, #tpu.memory_space<vmem>>
    %dma_start3A_17 = arith.constant 0 : i32
    %dma_start3A_18 = arith.constant 0 : i32
    %dma_start3A_19 = tpu.memref_slice %arg3[%add3A, %dma_start3A, %dma_start3A_17, %dma_start3A_18] : memref<32x105x2x96xi32, #tpu.memory_space<hbm>> -> memref<1x1x2x96xi32, #tpu.memory_space<hbm>>
    %dma_start3A_20 = tpu.memref_squeeze %dma_start3A_19 : memref<1x1x2x96xi32, #tpu.memory_space<hbm>> -> memref<2x96xi32, #tpu.memory_space<hbm>>
    tpu.enqueue_dma source(%dma_start3A_20 : memref<2x96xi32, #tpu.memory_space<hbm>>) target(%dma_start3A_16 : memref<2x96xi32, #tpu.memory_space<vmem>>) target_semaphore(%dma_start3A_14 : memref<!tpu.dma_semaphore, #tpu.memory_space<semaphore_mem>>)
    %multiple_of3A_21 = arith.constant 2 : i32
    %multiple_of3A_22 = tpu.assume_multiple %multiple_of3A_21, 2 : i32
    %dma_start3A_23 = arith.constant 1 : i32
    %dma_start3A_24 = arith.constant 1 : i32
    %dma_start3A_25 = arith.constant 0 : i32
    %dma_start3A_26 = tpu.memref_slice %arg6[%multiple_of3A_22, %dma_start3A_25] : memref<16x96xi32, #tpu.memory_space<vmem>> -> memref<2x96xi32, #tpu.memory_space<vmem>>
    %dma_start3A_27 = arith.constant 0 : i32
    %dma_start3A_28 = arith.constant 0 : i32
    %dma_start3A_29 = tpu.memref_slice %arg3[%add3A, %dma_start3A_23, %dma_start3A_27, %dma_start3A_28] : memref<32x105x2x96xi32, #tpu.memory_space<hbm>> -> memref<1x1x2x96xi32, #tpu.memory_space<hbm>>
    %dma_start3A_30 = tpu.memref_squeeze %dma_start3A_29 : memref<1x1x2x96xi32, #tpu.memory_space<hbm>> -> memref<2x96xi32, #tpu.memory_space<hbm>>
    %dma_start3A_31 = tpu.memref_slice %arg9[%dma_start3A_24] : memref<8x!tpu.dma_semaphore, #tpu.memory_space<semaphore_mem>> -> memref<1x!tpu.dma_semaphore, #tpu.memory_space<semaphore_mem>>
    %dma_start3A_32 = tpu.memref_squeeze %dma_start3A_31 : memref<1x!tpu.dma_semaphore, #tpu.memory_space<semaphore_mem>> -> memref<!tpu.dma_semaphore, #tpu.memory_space<semaphore_mem>>
    %dma_start3A_33 = arith.constant 0 : i32
    %dma_start3A_34 = tpu.memref_slice %arg6[%multiple_of3A_22, %dma_start3A_33] : memref<16x96xi32, #tpu.memory_space<vmem>> -> memref<2x96xi32, #tpu.memory_space<vmem>>
    %dma_start3A_35 = arith.constant 0 : i32
    %dma_start3A_36 = arith.constant 0 : i32
    %dma_start3A_37 = tpu.memref_slice %arg3[%add3A, %dma_start3A_23, %dma_start3A_35, %dma_start3A_36] : memref<32x105x2x96xi32, #tpu.memory_space<hbm>> -> memref<1x1x2x96xi32, #tpu.memory_space<hbm>>
    %dma_start3A_38 = tpu.memref_squeeze %dma_start3A_37 : memref<1x1x2x96xi32, #tpu.memory_space<hbm>> -> memref<2x96xi32, #tpu.memory_space<hbm>>
    tpu.enqueue_dma source(%dma_start3A_38 : memref<2x96xi32, #tpu.memory_space<hbm>>) target(%dma_start3A_34 : memref<2x96xi32, #tpu.memory_space<vmem>>) target_semaphore(%dma_start3A_32 : memref<!tpu.dma_semaphore, #tpu.memory_space<semaphore_mem>>)
    %multiple_of3A_39 = arith.constant 4 : i32
    %multiple_of3A_40 = tpu.assume_multiple %multiple_of3A_39, 2 : i32
    %dma_start3A_41 = arith.constant 2 : i32
    %dma_start3A_42 = arith.constant 2 : i32
    %dma_start3A_43 = arith.constant 0 : i32
    %dma_start3A_44 = tpu.memref_slice %arg6[%multiple_of3A_40, %dma_start3A_43] : memref<16x96xi32, #tpu.memory_space<vmem>> -> memref<2x96xi32, #tpu.memory_space<vmem>>
    %dma_start3A_45 = arith.constant 0 : i32
    %dma_start3A_46 = arith.constant 0 : i32
    %dma_start3A_47 = tpu.memref_slice %arg3[%add3A, %dma_start3A_41, %dma_start3A_45, %dma_start3A_46] : memref<32x105x2x96xi32, #tpu.memory_space<hbm>> -> memref<1x1x2x96xi32, #tpu.memory_space<hbm>>
    %dma_start3A_48 = tpu.memref_squeeze %dma_start3A_47 : memref<1x1x2x96xi32, #tpu.memory_space<hbm>> -> memref<2x96xi32, #tpu.memory_space<hbm>>
    %dma_start3A_49 = tpu.memref_slice %arg9[%dma_start3A_42] : memref<8x!tpu.dma_semaphore, #tpu.memory_space<semaphore_mem>> -> memref<1x!tpu.dma_semaphore, #tpu.memory_space<semaphore_mem>>
    %dma_start3A_50 = tpu.memref_squeeze %dma_start3A_49 : memref<1x!tpu.dma_semaphore, #tpu.memory_space<semaphore_mem>> -> memref<!tpu.dma_semaphore, #tpu.memory_space<semaphore_mem>>
    %dma_start3A_51 = arith.constant 0 : i32
    %dma_start3A_52 = tpu.memref_slice %arg6[%multiple_of3A_40, %dma_start3A_51] : memref<16x96xi32, #tpu.memory_space<vmem>> -> memref<2x96xi32, #tpu.memory_space<vmem>>
    %dma_start3A_53 = arith.constant 0 : i32
    %dma_start3A_54 = arith.constant 0 : i32
    %dma_start3A_55 = tpu.memref_slice %arg3[%add3A, %dma_start3A_41, %dma_start3A_53, %dma_start3A_54] : memref<32x105x2x96xi32, #tpu.memory_space<hbm>> -> memref<1x1x2x96xi32, #tpu.memory_space<hbm>>
    %dma_start3A_56 = tpu.memref_squeeze %dma_start3A_55 : memref<1x1x2x96xi32, #tpu.memory_space<hbm>> -> memref<2x96xi32, #tpu.memory_space<hbm>>
    tpu.enqueue_dma source(%dma_start3A_56 : memref<2x96xi32, #tpu.memory_space<hbm>>) target(%dma_start3A_52 : memref<2x96xi32, #tpu.memory_space<vmem>>) target_semaphore(%dma_start3A_50 : memref<!tpu.dma_semaphore, #tpu.memory_space<semaphore_mem>>)
    %multiple_of3A_57 = arith.constant 6 : i32
    %multiple_of3A_58 = tpu.assume_multiple %multiple_of3A_57, 2 : i32
    %dma_start3A_59 = arith.constant 3 : i32
    %dma_start3A_60 = arith.constant 3 : i32
    %dma_start3A_61 = arith.constant 0 : i32
    %dma_start3A_62 = tpu.memref_slice %arg6[%multiple_of3A_58, %dma_start3A_61] : memref<16x96xi32, #tpu.memory_space<vmem>> -> memref<2x96xi32, #tpu.memory_space<vmem>>
    %dma_start3A_63 = arith.constant 0 : i32
    %dma_start3A_64 = arith.constant 0 : i32
    %dma_start3A_65 = tpu.memref_slice %arg3[%add3A, %dma_start3A_59, %dma_start3A_63, %dma_start3A_64] : memref<32x105x2x96xi32, #tpu.memory_space<hbm>> -> memref<1x1x2x96xi32, #tpu.memory_space<hbm>>
    %dma_start3A_66 = tpu.memref_squeeze %dma_start3A_65 : memref<1x1x2x96xi32, #tpu.memory_space<hbm>> -> memref<2x96xi32, #tpu.memory_space<hbm>>
    %dma_start3A_67 = tpu.memref_slice %arg9[%dma_start3A_60] : memref<8x!tpu.dma_semaphore, #tpu.memory_space<semaphore_mem>> -> memref<1x!tpu.dma_semaphore, #tpu.memory_space<semaphore_mem>>
    %dma_start3A_68 = tpu.memref_squeeze %dma_start3A_67 : memref<1x!tpu.dma_semaphore, #tpu.memory_space<semaphore_mem>> -> memref<!tpu.dma_semaphore, #tpu.memory_space<semaphore_mem>>
    %dma_start3A_69 = arith.constant 0 : i32
    %dma_start3A_70 = tpu.memref_slice %arg6[%multiple_of3A_58, %dma_start3A_69] : memref<16x96xi32, #tpu.memory_space<vmem>> -> memref<2x96xi32, #tpu.memory_space<vmem>>
    %dma_start3A_71 = arith.constant 0 : i32
    %dma_start3A_72 = arith.constant 0 : i32
    %dma_start3A_73 = tpu.memref_slice %arg3[%add3A, %dma_start3A_59, %dma_start3A_71, %dma_start3A_72] : memref<32x105x2x96xi32, #tpu.memory_space<hbm>> -> memref<1x1x2x96xi32, #tpu.memory_space<hbm>>
    %dma_start3A_74 = tpu.memref_squeeze %dma_start3A_73 : memref<1x1x2x96xi32, #tpu.memory_space<hbm>> -> memref<2x96xi32, #tpu.memory_space<hbm>>
    tpu.enqueue_dma source(%dma_start3A_74 : memref<2x96xi32, #tpu.memory_space<hbm>>) target(%dma_start3A_70 : memref<2x96xi32, #tpu.memory_space<vmem>>) target_semaphore(%dma_start3A_68 : memref<!tpu.dma_semaphore, #tpu.memory_space<semaphore_mem>>)
    %multiple_of3A_75 = arith.constant 8 : i32
    %multiple_of3A_76 = tpu.assume_multiple %multiple_of3A_75, 2 : i32
    %dma_start3A_77 = arith.constant 4 : i32
    %dma_start3A_78 = arith.constant 4 : i32
    %dma_start3A_79 = arith.constant 0 : i32
    %dma_start3A_80 = tpu.memref_slice %arg6[%multiple_of3A_76, %dma_start3A_79] : memref<16x96xi32, #tpu.memory_space<vmem>> -> memref<2x96xi32, #tpu.memory_space<vmem>>
    %dma_start3A_81 = arith.constant 0 : i32
    %dma_start3A_82 = arith.constant 0 : i32
    %dma_start3A_83 = tpu.memref_slice %arg3[%add3A, %dma_start3A_77, %dma_start3A_81, %dma_start3A_82] : memref<32x105x2x96xi32, #tpu.memory_space<hbm>> -> memref<1x1x2x96xi32, #tpu.memory_space<hbm>>
    %dma_start3A_84 = tpu.memref_squeeze %dma_start3A_83 : memref<1x1x2x96xi32, #tpu.memory_space<hbm>> -> memref<2x96xi32, #tpu.memory_space<hbm>>
    %dma_start3A_85 = tpu.memref_slice %arg9[%dma_start3A_78] : memref<8x!tpu.dma_semaphore, #tpu.memory_space<semaphore_mem>> -> memref<1x!tpu.dma_semaphore, #tpu.memory_space<semaphore_mem>>
    %dma_start3A_86 = tpu.memref_squeeze %dma_start3A_85 : memref<1x!tpu.dma_semaphore, #tpu.memory_space<semaphore_mem>> -> memref<!tpu.dma_semaphore, #tpu.memory_space<semaphore_mem>>
    %dma_start3A_87 = arith.constant 0 : i32
    %dma_start3A_88 = tpu.memref_slice %arg6[%multiple_of3A_76, %dma_start3A_87] : memref<16x96xi32, #tpu.memory_space<vmem>> -> memref<2x96xi32, #tpu.memory_space<vmem>>
    %dma_start3A_89 = arith.constant 0 : i32
    %dma_start3A_90 = arith.constant 0 : i32
    %dma_start3A_91 = tpu.memref_slice %arg3[%add3A, %dma_start3A_77, %dma_start3A_89, %dma_start3A_90] : memref<32x105x2x96xi32, #tpu.memory_space<hbm>> -> memref<1x1x2x96xi32, #tpu.memory_space<hbm>>
    %dma_start3A_92 = tpu.memref_squeeze %dma_start3A_91 : memref<1x1x2x96xi32, #tpu.memory_space<hbm>> -> memref<2x96xi32, #tpu.memory_space<hbm>>
    tpu.enqueue_dma source(%dma_start3A_92 : memref<2x96xi32, #tpu.memory_space<hbm>>) target(%dma_start3A_88 : memref<2x96xi32, #tpu.memory_space<vmem>>) target_semaphore(%dma_start3A_86 : memref<!tpu.dma_semaphore, #tpu.memory_space<semaphore_mem>>)
    %multiple_of3A_93 = arith.constant 0 : i32
    %multiple_of3A_94 = tpu.assume_multiple %multiple_of3A_93, 2 : i32
    %dma_wait3A = arith.constant 0 : i32
    %dma_wait3A_95 = arith.constant 0 : i32
    %dma_wait3A_96 = arith.constant 0 : i32
    %dma_wait3A_97 = tpu.memref_slice %arg6[%multiple_of3A_94, %dma_wait3A_96] : memref<16x96xi32, #tpu.memory_space<vmem>> -> memref<2x96xi32, #tpu.memory_space<vmem>>
    %dma_wait3A_98 = arith.constant 0 : i32
    %dma_wait3A_99 = arith.constant 0 : i32
    %dma_wait3A_100 = tpu.memref_slice %arg3[%add3A, %dma_wait3A, %dma_wait3A_98, %dma_wait3A_99] : memref<32x105x2x96xi32, #tpu.memory_space<hbm>> -> memref<1x1x2x96xi32, #tpu.memory_space<hbm>>
    %dma_wait3A_101 = tpu.memref_squeeze %dma_wait3A_100 : memref<1x1x2x96xi32, #tpu.memory_space<hbm>> -> memref<2x96xi32, #tpu.memory_space<hbm>>
    %dma_wait3A_102 = tpu.memref_slice %arg9[%dma_wait3A_95] : memref<8x!tpu.dma_semaphore, #tpu.memory_space<semaphore_mem>> -> memref<1x!tpu.dma_semaphore, #tpu.memory_space<semaphore_mem>>
    %dma_wait3A_103 = tpu.memref_squeeze %dma_wait3A_102 : memref<1x!tpu.dma_semaphore, #tpu.memory_space<semaphore_mem>> -> memref<!tpu.dma_semaphore, #tpu.memory_space<semaphore_mem>>
    %dma_wait3A_104 = arith.constant 0 : i32
    %dma_wait3A_105 = tpu.memref_slice %arg6[%multiple_of3A_94, %dma_wait3A_104] : memref<16x96xi32, #tpu.memory_space<vmem>> -> memref<2x96xi32, #tpu.memory_space<vmem>>
    %dma_wait3A_106 = arith.constant 0 : i32
    %dma_wait3A_107 = arith.constant 0 : i32
    %dma_wait3A_108 = tpu.memref_slice %arg3[%add3A, %dma_wait3A, %dma_wait3A_106, %dma_wait3A_107] : memref<32x105x2x96xi32, #tpu.memory_space<hbm>> -> memref<1x1x2x96xi32, #tpu.memory_space<hbm>>
    %dma_wait3A_109 = tpu.memref_squeeze %dma_wait3A_108 : memref<1x1x2x96xi32, #tpu.memory_space<hbm>> -> memref<2x96xi32, #tpu.memory_space<hbm>>
    tpu.wait_dma2 semaphore(%dma_wait3A_103 : memref<!tpu.dma_semaphore, #tpu.memory_space<semaphore_mem>>) src(%dma_wait3A_109 : memref<2x96xi32, #tpu.memory_space<hbm>>) dst(%dma_wait3A_105 : memref<2x96xi32, #tpu.memory_space<vmem>>)
    %dma_start3A_110 = arith.constant 0 : i32
    %dma_start3A_111 = arith.constant 0 : i32
    %dma_start3A_112 = arith.constant 0 : i32
    %dma_start3A_113 = arith.constant 0 : i32
    %dma_start3A_114 = arith.constant 0 : i32
    %dma_start3A_115 = tpu.memref_slice %arg7[%dma_start3A_111, %dma_start3A_113, %dma_start3A_114] : memref<3x96x128xf32, #tpu.memory_space<vmem>> -> memref<1x96x128xf32, #tpu.memory_space<vmem>>
    %dma_start3A_116 = tpu.memref_squeeze %dma_start3A_115 : memref<1x96x128xf32, #tpu.memory_space<vmem>> -> memref<96x128xf32, #tpu.memory_space<vmem>>
    %dma_start3A_117 = arith.constant 0 : i32
    %dma_start3A_118 = tpu.memref_slice %arg6[%dma_start3A_110, %dma_start3A_117] : memref<16x96xi32, #tpu.memory_space<vmem>> -> memref<1x96xi32, #tpu.memory_space<vmem>>
    %dma_start3A_119 = tpu.memref_squeeze %dma_start3A_118 : memref<1x96xi32, #tpu.memory_space<vmem>> -> memref<96xi32, #tpu.memory_space<vmem>>
    %dma_start3A_120 = arith.constant 0 : i32
    %dma_start3A_121 = arith.constant 0 : i32
    %dma_start3A_122 = tpu.memref_slice %arg2[%dma_start3A_120, %dma_start3A_121] : memref<10000x128xf32, #tpu.memory_space<hbm>> -> memref<10000x128xf32, #tpu.memory_space<hbm>>
    %dma_start3A_123 = tpu.memref_slice %arg10[%dma_start3A_112] : memref<3x!tpu.dma_semaphore, #tpu.memory_space<semaphore_mem>> -> memref<1x!tpu.dma_semaphore, #tpu.memory_space<semaphore_mem>>
    %dma_start3A_124 = tpu.memref_squeeze %dma_start3A_123 : memref<1x!tpu.dma_semaphore, #tpu.memory_space<semaphore_mem>> -> memref<!tpu.dma_semaphore, #tpu.memory_space<semaphore_mem>>
    tpu.enqueue_indirect_dma source(%dma_start3A_122 : memref<10000x128xf32, #tpu.memory_space<hbm>>) target(%dma_start3A_116 : memref<96x128xf32, #tpu.memory_space<vmem>>) offsets(%dma_start3A_119 : memref<96xi32, #tpu.memory_space<vmem>>) semaphore(%dma_start3A_124 : memref<!tpu.dma_semaphore, #tpu.memory_space<semaphore_mem>>)
    %multiple_of3A_125 = arith.constant 2 : i32
    %multiple_of3A_126 = tpu.assume_multiple %multiple_of3A_125, 2 : i32
    %dma_wait3A_127 = arith.constant 1 : i32
    %dma_wait3A_128 = arith.constant 1 : i32
    %dma_wait3A_129 = arith.constant 0 : i32
    %dma_wait3A_130 = tpu.memref_slice %arg6[%multiple_of3A_126, %dma_wait3A_129] : memref<16x96xi32, #tpu.memory_space<vmem>> -> memref<2x96xi32, #tpu.memory_space<vmem>>
    %dma_wait3A_131 = arith.constant 0 : i32
    %dma_wait3A_132 = arith.constant 0 : i32
    %dma_wait3A_133 = tpu.memref_slice %arg3[%add3A, %dma_wait3A_127, %dma_wait3A_131, %dma_wait3A_132] : memref<32x105x2x96xi32, #tpu.memory_space<hbm>> -> memref<1x1x2x96xi32, #tpu.memory_space<hbm>>
    %dma_wait3A_134 = tpu.memref_squeeze %dma_wait3A_133 : memref<1x1x2x96xi32, #tpu.memory_space<hbm>> -> memref<2x96xi32, #tpu.memory_space<hbm>>
    %dma_wait3A_135 = tpu.memref_slice %arg9[%dma_wait3A_128] : memref<8x!tpu.dma_semaphore, #tpu.memory_space<semaphore_mem>> -> memref<1x!tpu.dma_semaphore, #tpu.memory_space<semaphore_mem>>
    %dma_wait3A_136 = tpu.memref_squeeze %dma_wait3A_135 : memref<1x!tpu.dma_semaphore, #tpu.memory_space<semaphore_mem>> -> memref<!tpu.dma_semaphore, #tpu.memory_space<semaphore_mem>>
    %dma_wait3A_137 = arith.constant 0 : i32
    %dma_wait3A_138 = tpu.memref_slice %arg6[%multiple_of3A_126, %dma_wait3A_137] : memref<16x96xi32, #tpu.memory_space<vmem>> -> memref<2x96xi32, #tpu.memory_space<vmem>>
    %dma_wait3A_139 = arith.constant 0 : i32
    %dma_wait3A_140 = arith.constant 0 : i32
    %dma_wait3A_141 = tpu.memref_slice %arg3[%add3A, %dma_wait3A_127, %dma_wait3A_139, %dma_wait3A_140] : memref<32x105x2x96xi32, #tpu.memory_space<hbm>> -> memref<1x1x2x96xi32, #tpu.memory_space<hbm>>
    %dma_wait3A_142 = tpu.memref_squeeze %dma_wait3A_141 : memref<1x1x2x96xi32, #tpu.memory_space<hbm>> -> memref<2x96xi32, #tpu.memory_space<hbm>>
    tpu.wait_dma2 semaphore(%dma_wait3A_136 : memref<!tpu.dma_semaphore, #tpu.memory_space<semaphore_mem>>) src(%dma_wait3A_142 : memref<2x96xi32, #tpu.memory_space<hbm>>) dst(%dma_wait3A_138 : memref<2x96xi32, #tpu.memory_space<vmem>>)
    %dma_start3A_143 = arith.constant 2 : i32
    %dma_start3A_144 = arith.constant 1 : i32
    %dma_start3A_145 = arith.constant 1 : i32
    %dma_start3A_146 = arith.constant 0 : i32
    %dma_start3A_147 = arith.constant 0 : i32
    %dma_start3A_148 = tpu.memref_slice %arg7[%dma_start3A_144, %dma_start3A_146, %dma_start3A_147] : memref<3x96x128xf32, #tpu.memory_space<vmem>> -> memref<1x96x128xf32, #tpu.memory_space<vmem>>
    %dma_start3A_149 = tpu.memref_squeeze %dma_start3A_148 : memref<1x96x128xf32, #tpu.memory_space<vmem>> -> memref<96x128xf32, #tpu.memory_space<vmem>>
    %dma_start3A_150 = arith.constant 0 : i32
    %dma_start3A_151 = tpu.memref_slice %arg6[%dma_start3A_143, %dma_start3A_150] : memref<16x96xi32, #tpu.memory_space<vmem>> -> memref<1x96xi32, #tpu.memory_space<vmem>>
    %dma_start3A_152 = tpu.memref_squeeze %dma_start3A_151 : memref<1x96xi32, #tpu.memory_space<vmem>> -> memref<96xi32, #tpu.memory_space<vmem>>
    %dma_start3A_153 = arith.constant 0 : i32
    %dma_start3A_154 = arith.constant 0 : i32
    %dma_start3A_155 = tpu.memref_slice %arg2[%dma_start3A_153, %dma_start3A_154] : memref<10000x128xf32, #tpu.memory_space<hbm>> -> memref<10000x128xf32, #tpu.memory_space<hbm>>
    %dma_start3A_156 = tpu.memref_slice %arg10[%dma_start3A_145] : memref<3x!tpu.dma_semaphore, #tpu.memory_space<semaphore_mem>> -> memref<1x!tpu.dma_semaphore, #tpu.memory_space<semaphore_mem>>
    %dma_start3A_157 = tpu.memref_squeeze %dma_start3A_156 : memref<1x!tpu.dma_semaphore, #tpu.memory_space<semaphore_mem>> -> memref<!tpu.dma_semaphore, #tpu.memory_space<semaphore_mem>>
    tpu.enqueue_indirect_dma source(%dma_start3A_155 : memref<10000x128xf32, #tpu.memory_space<hbm>>) target(%dma_start3A_149 : memref<96x128xf32, #tpu.memory_space<vmem>>) offsets(%dma_start3A_152 : memref<96xi32, #tpu.memory_space<vmem>>) semaphore(%dma_start3A_157 : memref<!tpu.dma_semaphore, #tpu.memory_space<semaphore_mem>>)
    %barrier3A = arith.constant 0 : index
    tpu.barrier barrier_id(%barrier3A)
    %scan3A = arith.constant 0 : i32
    %scan3A_158 = arith.constant 0 : i32
    %scan3A_159 = arith.constant 35 : i32
    %scan3A_160 = arith.addi %scan3A_158, %scan3A_159 : i32
    %scan3A_161 = arith.constant 1 : i32
    %scan3A_162 = scf.for %scan3A_169 = %scan3A_158 to %scan3A_160 step %scan3A_161 iter_args(%scan3A_170 = %scan3A) -> (i32)  : i32 {
      %mul3A_171 = arith.constant 3 : i32
      %mul3A_172 = arith.muli %scan3A_169, %mul3A_171 : i32
      %add3A_173 = arith.constant 0 : i32
      %add3A_174 = arith.addi %mul3A_172, %add3A_173 : i32
      %lt3A = arith.constant 105 : i32
      %lt3A_175 = arith.cmpi slt, %add3A_174, %lt3A : i32
      %convert_element_type3A = arith.extui %lt3A_175 : i1 to i32
      %cond3A = arith.constant 0 : i32
      %cond3A_176 = arith.cmpi ne, %convert_element_type3A, %cond3A : i32
      scf.if %cond3A_176 {
        %jit3A = arith.constant 8 : i32
        %eq3A = arith.constant 0 : i32
        %eq3A_196 = arith.cmpi eq, %jit3A, %eq3A : i32
        %jit3A_197 = arith.constant 1 : i32
        %select_n3A = arith.select %eq3A_196, %jit3A_197, %jit3A : i32
        %rem3A = arith.remsi %add3A_174, %select_n3A : i32
        %ne3A = arith.constant 0 : i32
        %ne3A_198 = arith.cmpi ne, %rem3A, %ne3A : i32
        %lt3A_199 = arith.constant 0 : i32
        %lt3A_200 = arith.cmpi slt, %rem3A, %lt3A_199 : i32
        %lt3A_201 = arith.constant 0 : i32
        %lt3A_202 = arith.cmpi slt, %select_n3A, %lt3A_201 : i32
        %ne3A_203 = arith.xori %lt3A_200, %lt3A_202 : i1
        %and3A = arith.andi %ne3A_203, %ne3A_198 : i1
        %add3A_204 = arith.addi %rem3A, %select_n3A : i32
        %select_n3A_205 = arith.select %and3A, %add3A_204, %rem3A : i32
        %mul3A_206 = arith.constant 2 : i32
        %mul3A_207 = arith.muli %select_n3A_205, %mul3A_206 : i32
        %dma_wait3A_208 = arith.constant 0 : i32
        %dma_wait3A_209 = arith.constant 0 : i32
        %dma_wait3A_210 = arith.constant 0 : i32
        %dma_wait3A_211 = arith.constant 0 : i32
        %dma_wait3A_212 = tpu.memref_slice %arg7[%dma_wait3A_208, %dma_wait3A_210, %dma_wait3A_211] : memref<3x96x128xf32, #tpu.memory_space<vmem>> -> memref<1x96x128xf32, #tpu.memory_space<vmem>>
        %dma_wait3A_213 = tpu.memref_squeeze %dma_wait3A_212 : memref<1x96x128xf32, #tpu.memory_space<vmem>> -> memref<96x128xf32, #tpu.memory_space<vmem>>
        %dma_wait3A_214 = arith.constant 0 : i32
        %dma_wait3A_215 = tpu.memref_slice %arg6[%mul3A_207, %dma_wait3A_214] : memref<16x96xi32, #tpu.memory_space<vmem>> -> memref<1x96xi32, #tpu.memory_space<vmem>>
        %dma_wait3A_216 = tpu.memref_squeeze %dma_wait3A_215 : memref<1x96xi32, #tpu.memory_space<vmem>> -> memref<96xi32, #tpu.memory_space<vmem>>
        %dma_wait3A_217 = arith.constant 0 : i32
        %dma_wait3A_218 = arith.constant 0 : i32
        %dma_wait3A_219 = tpu.memref_slice %arg2[%dma_wait3A_217, %dma_wait3A_218] : memref<10000x128xf32, #tpu.memory_space<hbm>> -> memref<10000x128xf32, #tpu.memory_space<hbm>>
        %dma_wait3A_220 = tpu.memref_slice %arg10[%dma_wait3A_209] : memref<3x!tpu.dma_semaphore, #tpu.memory_space<semaphore_mem>> -> memref<1x!tpu.dma_semaphore, #tpu.memory_space<semaphore_mem>>
        %dma_wait3A_221 = tpu.memref_squeeze %dma_wait3A_220 : memref<1x!tpu.dma_semaphore, #tpu.memory_space<semaphore_mem>> -> memref<!tpu.dma_semaphore, #tpu.memory_space<semaphore_mem>>
        tpu.wait_indirect_dma semaphore(%dma_wait3A_221 : memref<!tpu.dma_semaphore, #tpu.memory_space<semaphore_mem>>) src(%dma_wait3A_219 : memref<10000x128xf32, #tpu.memory_space<hbm>>) dst(%dma_wait3A_213 : memref<96x128xf32, #tpu.memory_space<vmem>>)
        %jit3A_222 = arith.constant 8 : i32
        %eq3A_223 = arith.constant 0 : i32
        %eq3A_224 = arith.cmpi eq, %jit3A_222, %eq3A_223 : i32
        %jit3A_225 = arith.constant 1 : i32
        %select_n3A_226 = arith.select %eq3A_224, %jit3A_225, %jit3A_222 : i32
        %rem3A_227 = arith.remsi %add3A_174, %select_n3A_226 : i32
        %ne3A_228 = arith.constant 0 : i32
        %ne3A_229 = arith.cmpi ne, %rem3A_227, %ne3A_228 : i32
        %lt3A_230 = arith.constant 0 : i32
        %lt3A_231 = arith.cmpi slt, %rem3A_227, %lt3A_230 : i32
        %lt3A_232 = arith.constant 0 : i32
        %lt3A_233 = arith.cmpi slt, %select_n3A_226, %lt3A_232 : i32
        %ne3A_234 = arith.xori %lt3A_231, %lt3A_233 : i1
        %and3A_235 = arith.andi %ne3A_234, %ne3A_229 : i1
        %add3A_236 = arith.addi %rem3A_227, %select_n3A_226 : i32
        %select_n3A_237 = arith.select %and3A_235, %add3A_236, %rem3A_227 : i32
        %mul3A_238 = arith.constant 2 : i32
        %mul3A_239 = arith.muli %select_n3A_237, %mul3A_238 : i32
        %add3A_240 = arith.constant 1 : i32
        %add3A_241 = arith.addi %mul3A_239, %add3A_240 : i32
        %lt3A_242 = arith.constant 102 : i32
        %lt3A_243 = arith.cmpi slt, %add3A_174, %lt3A_242 : i32
        %convert_element_type3A_244 = arith.extui %lt3A_243 : i1 to i32
        %cond3A_245 = arith.constant 0 : i32
        %cond3A_246 = arith.cmpi ne, %convert_element_type3A_244, %cond3A_245 : i32
        scf.if %cond3A_246 {
          %dma_start3A_265 = arith.constant 0 : i32
          %dma_start3A_266 = arith.constant 0 : i32
          %dma_start3A_267 = arith.constant 0 : i32
          %dma_start3A_268 = arith.constant 0 : i32
          %dma_start3A_269 = tpu.memref_slice %arg7[%dma_start3A_265, %dma_start3A_267, %dma_start3A_268] : memref<3x96x128xf32, #tpu.memory_space<vmem>> -> memref<1x96x128xf32, #tpu.memory_space<vmem>>
          %dma_start3A_270 = tpu.memref_squeeze %dma_start3A_269 : memref<1x96x128xf32, #tpu.memory_space<vmem>> -> memref<96x128xf32, #tpu.memory_space<vmem>>
          %dma_start3A_271 = arith.constant 0 : i32
          %dma_start3A_272 = tpu.memref_slice %arg6[%add3A_241, %dma_start3A_271] : memref<16x96xi32, #tpu.memory_space<vmem>> -> memref<1x96xi32, #tpu.memory_space<vmem>>
          %dma_start3A_273 = tpu.memref_squeeze %dma_start3A_272 : memref<1x96xi32, #tpu.memory_space<vmem>> -> memref<96xi32, #tpu.memory_space<vmem>>
          %dma_start3A_274 = arith.constant 0 : i32
          %dma_start3A_275 = arith.constant 0 : i32
          %dma_start3A_276 = tpu.memref_slice %arg8[%dma_start3A_274, %dma_start3A_275] : memref<10112x128xf32, #tpu.memory_space<vmem_shared>> -> memref<10112x128xf32, #tpu.memory_space<vmem_shared>>
          %dma_start3A_277 = tpu.memref_slice %arg11[%dma_start3A_266] : memref<3x!tpu.dma_semaphore, #tpu.memory_space<semaphore_mem>> -> memref<1x!tpu.dma_semaphore, #tpu.memory_space<semaphore_mem>>
          %dma_start3A_278 = tpu.memref_squeeze %dma_start3A_277 : memref<1x!tpu.dma_semaphore, #tpu.memory_space<semaphore_mem>> -> memref<!tpu.dma_semaphore, #tpu.memory_space<semaphore_mem>>
          tpu.enqueue_indirect_dma source(%dma_start3A_270 : memref<96x128xf32, #tpu.memory_space<vmem>>) target(%dma_start3A_276 : memref<10112x128xf32, #tpu.memory_space<vmem_shared>>) offsets(%dma_start3A_273 : memref<96xi32, #tpu.memory_space<vmem>>) semaphore(%dma_start3A_278 : memref<!tpu.dma_semaphore, #tpu.memory_space<semaphore_mem>>) {add = true}
        } else {
        }
        %ge3A = arith.constant 102 : i32
        %ge3A_247 = arith.cmpi sge, %add3A_174, %ge3A : i32
        %convert_element_type3A_248 = arith.extui %ge3A_247 : i1 to i32
        %cond3A_249 = arith.constant 0 : i32
        %cond3A_250 = arith.cmpi ne, %convert_element_type3A_248, %cond3A_249 : i32
        scf.if %cond3A_250 {
          %run_scoped3A = arith.constant 0 : i32
          "tpu.region"() ({
            %run_scoped3A_265 = tpu.sem_alloc : memref<!tpu.dma_semaphore, #tpu.memory_space<semaphore_mem>>
            %dma_start3A_266 = arith.constant 0 : i32
            %dma_start3A_267 = arith.constant 0 : i32
            %dma_start3A_268 = tpu.memref_slice %arg7[%run_scoped3A, %dma_start3A_266, %dma_start3A_267] : memref<3x96x128xf32, #tpu.memory_space<vmem>> -> memref<1x96x128xf32, #tpu.memory_space<vmem>>
            %dma_start3A_269 = tpu.memref_squeeze %dma_start3A_268 : memref<1x96x128xf32, #tpu.memory_space<vmem>> -> memref<96x128xf32, #tpu.memory_space<vmem>>
            %dma_start3A_270 = arith.constant 0 : i32
            %dma_start3A_271 = tpu.memref_slice %arg6[%add3A_241, %dma_start3A_270] : memref<16x96xi32, #tpu.memory_space<vmem>> -> memref<1x96xi32, #tpu.memory_space<vmem>>
            %dma_start3A_272 = tpu.memref_squeeze %dma_start3A_271 : memref<1x96xi32, #tpu.memory_space<vmem>> -> memref<96xi32, #tpu.memory_space<vmem>>
            %dma_start3A_273 = arith.constant 0 : i32
            %dma_start3A_274 = arith.constant 0 : i32
            %dma_start3A_275 = tpu.memref_slice %arg8[%dma_start3A_273, %dma_start3A_274] : memref<10112x128xf32, #tpu.memory_space<vmem_shared>> -> memref<10112x128xf32, #tpu.memory_space<vmem_shared>>
            tpu.enqueue_indirect_dma source(%dma_start3A_269 : memref<96x128xf32, #tpu.memory_space<vmem>>) target(%dma_start3A_275 : memref<10112x128xf32, #tpu.memory_space<vmem_shared>>) offsets(%dma_start3A_272 : memref<96xi32, #tpu.memory_space<vmem>>) semaphore(%run_scoped3A_265 : memref<!tpu.dma_semaphore, #tpu.memory_space<semaphore_mem>>) {add = true}
            %dma_wait3A_276 = arith.constant 0 : i32
            %dma_wait3A_277 = arith.constant 0 : i32
            %dma_wait3A_278 = tpu.memref_slice %arg7[%run_scoped3A, %dma_wait3A_276, %dma_wait3A_277] : memref<3x96x128xf32, #tpu.memory_space<vmem>> -> memref<1x96x128xf32, #tpu.memory_space<vmem>>
            %dma_wait3A_279 = tpu.memref_squeeze %dma_wait3A_278 : memref<1x96x128xf32, #tpu.memory_space<vmem>> -> memref<96x128xf32, #tpu.memory_space<vmem>>
            %dma_wait3A_280 = arith.constant 0 : i32
            %dma_wait3A_281 = tpu.memref_slice %arg6[%add3A_241, %dma_wait3A_280] : memref<16x96xi32, #tpu.memory_space<vmem>> -> memref<1x96xi32, #tpu.memory_space<vmem>>
            %dma_wait3A_282 = tpu.memref_squeeze %dma_wait3A_281 : memref<1x96xi32, #tpu.memory_space<vmem>> -> memref<96xi32, #tpu.memory_space<vmem>>
            %dma_wait3A_283 = arith.constant 0 : i32
            %dma_wait3A_284 = arith.constant 0 : i32
            %dma_wait3A_285 = tpu.memref_slice %arg8[%dma_wait3A_283, %dma_wait3A_284] : memref<10112x128xf32, #tpu.memory_space<vmem_shared>> -> memref<10112x128xf32, #tpu.memory_space<vmem_shared>>
            tpu.wait_indirect_dma semaphore(%run_scoped3A_265 : memref<!tpu.dma_semaphore, #tpu.memory_space<semaphore_mem>>) src(%dma_wait3A_279 : memref<96x128xf32, #tpu.memory_space<vmem>>) dst(%dma_wait3A_285 : memref<10112x128xf32, #tpu.memory_space<vmem_shared>>)
            tpu.yield
          }) : () -> ()
        } else {
        }
        %add3A_251 = arith.constant 5 : i32
        %add3A_252 = arith.addi %add3A_174, %add3A_251 : i32
        %lt3A_253 = arith.constant 105 : i32
        %lt3A_254 = arith.cmpi slt, %add3A_252, %lt3A_253 : i32
        %convert_element_type3A_255 = arith.extui %lt3A_254 : i1 to i32
        %cond3A_256 = arith.constant 0 : i32
        %cond3A_257 = arith.cmpi ne, %convert_element_type3A_255, %cond3A_256 : i32
        scf.if %cond3A_257 {
          %jit3A_265 = arith.constant 8 : i32
          %eq3A_266 = arith.constant 0 : i32
          %eq3A_267 = arith.cmpi eq, %jit3A_265, %eq3A_266 : i32
          %jit3A_268 = arith.constant 1 : i32
          %select_n3A_269 = arith.select %eq3A_267, %jit3A_268, %jit3A_265 : i32
          %rem3A_270 = arith.remsi %add3A_252, %select_n3A_269 : i32
          %ne3A_271 = arith.constant 0 : i32
          %ne3A_272 = arith.cmpi ne, %rem3A_270, %ne3A_271 : i32
          %lt3A_273 = arith.constant 0 : i32
          %lt3A_274 = arith.cmpi slt, %rem3A_270, %lt3A_273 : i32
          %lt3A_275 = arith.constant 0 : i32
          %lt3A_276 = arith.cmpi slt, %select_n3A_269, %lt3A_275 : i32
          %ne3A_277 = arith.xori %lt3A_274, %lt3A_276 : i1
          %and3A_278 = arith.andi %ne3A_277, %ne3A_272 : i1
          %add3A_279 = arith.addi %rem3A_270, %select_n3A_269 : i32
          %select_n3A_280 = arith.select %and3A_278, %add3A_279, %rem3A_270 : i32
          %mul3A_281 = arith.constant 2 : i32
          %mul3A_282 = arith.muli %select_n3A_280, %mul3A_281 : i32
          %multiple_of3A_283 = tpu.assume_multiple %mul3A_282, 2 : i32
          %jit3A_284 = arith.constant 8 : i32
          %eq3A_285 = arith.constant 0 : i32
          %eq3A_286 = arith.cmpi eq, %jit3A_284, %eq3A_285 : i32
          %jit3A_287 = arith.constant 1 : i32
          %select_n3A_288 = arith.select %eq3A_286, %jit3A_287, %jit3A_284 : i32
          %rem3A_289 = arith.remsi %add3A_252, %select_n3A_288 : i32
          %ne3A_290 = arith.constant 0 : i32
          %ne3A_291 = arith.cmpi ne, %rem3A_289, %ne3A_290 : i32
          %lt3A_292 = arith.constant 0 : i32
          %lt3A_293 = arith.cmpi slt, %rem3A_289, %lt3A_292 : i32
          %lt3A_294 = arith.constant 0 : i32
          %lt3A_295 = arith.cmpi slt, %select_n3A_288, %lt3A_294 : i32
          %ne3A_296 = arith.xori %lt3A_293, %lt3A_295 : i1
          %and3A_297 = arith.andi %ne3A_296, %ne3A_291 : i1
          %add3A_298 = arith.addi %rem3A_289, %select_n3A_288 : i32
          %select_n3A_299 = arith.select %and3A_297, %add3A_298, %rem3A_289 : i32
          %dma_start3A_300 = arith.constant 0 : i32
          %dma_start3A_301 = tpu.memref_slice %arg6[%multiple_of3A_283, %dma_start3A_300] : memref<16x96xi32, #tpu.memory_space<vmem>> -> memref<2x96xi32, #tpu.memory_space<vmem>>
          %dma_start3A_302 = arith.constant 0 : i32
          %dma_start3A_303 = arith.constant 0 : i32
          %dma_start3A_304 = tpu.memref_slice %arg3[%add3A, %add3A_252, %dma_start3A_302, %dma_start3A_303] : memref<32x105x2x96xi32, #tpu.memory_space<hbm>> -> memref<1x1x2x96xi32, #tpu.memory_space<hbm>>
          %dma_start3A_305 = tpu.memref_squeeze %dma_start3A_304 : memref<1x1x2x96xi32, #tpu.memory_space<hbm>> -> memref<2x96xi32, #tpu.memory_space<hbm>>
          %dma_start3A_306 = tpu.memref_slice %arg9[%select_n3A_299] : memref<8x!tpu.dma_semaphore, #tpu.memory_space<semaphore_mem>> -> memref<1x!tpu.dma_semaphore, #tpu.memory_space<semaphore_mem>>
          %dma_start3A_307 = tpu.memref_squeeze %dma_start3A_306 : memref<1x!tpu.dma_semaphore, #tpu.memory_space<semaphore_mem>> -> memref<!tpu.dma_semaphore, #tpu.memory_space<semaphore_mem>>
          %dma_start3A_308 = arith.constant 0 : i32
          %dma_start3A_309 = tpu.memref_slice %arg6[%multiple_of3A_283, %dma_start3A_308] : memref<16x96xi32, #tpu.memory_space<vmem>> -> memref<2x96xi32, #tpu.memory_space<vmem>>
          %dma_start3A_310 = arith.constant 0 : i32
          %dma_start3A_311 = arith.constant 0 : i32
          %dma_start3A_312 = tpu.memref_slice %arg3[%add3A, %add3A_252, %dma_start3A_310, %dma_start3A_311] : memref<32x105x2x96xi32, #tpu.memory_space<hbm>> -> memref<1x1x2x96xi32, #tpu.memory_space<hbm>>
          %dma_start3A_313 = tpu.memref_squeeze %dma_start3A_312 : memref<1x1x2x96xi32, #tpu.memory_space<hbm>> -> memref<2x96xi32, #tpu.memory_space<hbm>>
          tpu.enqueue_dma source(%dma_start3A_313 : memref<2x96xi32, #tpu.memory_space<hbm>>) target(%dma_start3A_309 : memref<2x96xi32, #tpu.memory_space<vmem>>) target_semaphore(%dma_start3A_307 : memref<!tpu.dma_semaphore, #tpu.memory_space<semaphore_mem>>)
        } else {
        }
        %add3A_258 = arith.constant 2 : i32
        %add3A_259 = arith.addi %add3A_174, %add3A_258 : i32
        %lt3A_260 = arith.constant 105 : i32
        %lt3A_261 = arith.cmpi slt, %add3A_259, %lt3A_260 : i32
        %convert_element_type3A_262 = arith.extui %lt3A_261 : i1 to i32
        %cond3A_263 = arith.constant 0 : i32
        %cond3A_264 = arith.cmpi ne, %convert_element_type3A_262, %cond3A_263 : i32
        scf.if %cond3A_264 {
          %ge3A_265 = arith.constant 3 : i32
          %ge3A_266 = arith.cmpi sge, %add3A_259, %ge3A_265 : i32
          %convert_element_type3A_267 = arith.extui %ge3A_266 : i1 to i32
          %cond3A_268 = arith.constant 0 : i32
          %cond3A_269 = arith.cmpi ne, %convert_element_type3A_267, %cond3A_268 : i32
          scf.if %cond3A_269 {
            %sub3A = arith.constant 3 : i32
            %sub3A_351 = arith.subi %add3A_259, %sub3A : i32
            %jit3A_352 = arith.constant 8 : i32
            %eq3A_353 = arith.constant 0 : i32
            %eq3A_354 = arith.cmpi eq, %jit3A_352, %eq3A_353 : i32
            %jit3A_355 = arith.constant 1 : i32
            %select_n3A_356 = arith.select %eq3A_354, %jit3A_355, %jit3A_352 : i32
            %rem3A_357 = arith.remsi %sub3A_351, %select_n3A_356 : i32
            %ne3A_358 = arith.constant 0 : i32
            %ne3A_359 = arith.cmpi ne, %rem3A_357, %ne3A_358 : i32
            %lt3A_360 = arith.constant 0 : i32
            %lt3A_361 = arith.cmpi slt, %rem3A_357, %lt3A_360 : i32
            %lt3A_362 = arith.constant 0 : i32
            %lt3A_363 = arith.cmpi slt, %select_n3A_356, %lt3A_362 : i32
            %ne3A_364 = arith.xori %lt3A_361, %lt3A_363 : i1
            %and3A_365 = arith.andi %ne3A_364, %ne3A_359 : i1
            %add3A_366 = arith.addi %rem3A_357, %select_n3A_356 : i32
            %select_n3A_367 = arith.select %and3A_365, %add3A_366, %rem3A_357 : i32
            %mul3A_368 = arith.constant 2 : i32
            %mul3A_369 = arith.muli %select_n3A_367, %mul3A_368 : i32
            %add3A_370 = arith.constant 1 : i32
            %add3A_371 = arith.addi %mul3A_369, %add3A_370 : i32
            %dma_wait3A_372 = arith.constant 2 : i32
            %dma_wait3A_373 = arith.constant 2 : i32
            %dma_wait3A_374 = arith.constant 0 : i32
            %dma_wait3A_375 = arith.constant 0 : i32
            %dma_wait3A_376 = tpu.memref_slice %arg7[%dma_wait3A_372, %dma_wait3A_374, %dma_wait3A_375] : memref<3x96x128xf32, #tpu.memory_space<vmem>> -> memref<1x96x128xf32, #tpu.memory_space<vmem>>
            %dma_wait3A_377 = tpu.memref_squeeze %dma_wait3A_376 : memref<1x96x128xf32, #tpu.memory_space<vmem>> -> memref<96x128xf32, #tpu.memory_space<vmem>>
            %dma_wait3A_378 = arith.constant 0 : i32
            %dma_wait3A_379 = tpu.memref_slice %arg6[%add3A_371, %dma_wait3A_378] : memref<16x96xi32, #tpu.memory_space<vmem>> -> memref<1x96xi32, #tpu.memory_space<vmem>>
            %dma_wait3A_380 = tpu.memref_squeeze %dma_wait3A_379 : memref<1x96xi32, #tpu.memory_space<vmem>> -> memref<96xi32, #tpu.memory_space<vmem>>
            %dma_wait3A_381 = arith.constant 0 : i32
            %dma_wait3A_382 = arith.constant 0 : i32
            %dma_wait3A_383 = tpu.memref_slice %arg8[%dma_wait3A_381, %dma_wait3A_382] : memref<10112x128xf32, #tpu.memory_space<vmem_shared>> -> memref<10112x128xf32, #tpu.memory_space<vmem_shared>>
            %dma_wait3A_384 = tpu.memref_slice %arg11[%dma_wait3A_373] : memref<3x!tpu.dma_semaphore, #tpu.memory_space<semaphore_mem>> -> memref<1x!tpu.dma_semaphore, #tpu.memory_space<semaphore_mem>>
            %dma_wait3A_385 = tpu.memref_squeeze %dma_wait3A_384 : memref<1x!tpu.dma_semaphore, #tpu.memory_space<semaphore_mem>> -> memref<!tpu.dma_semaphore, #tpu.memory_space<semaphore_mem>>
            tpu.wait_indirect_dma semaphore(%dma_wait3A_385 : memref<!tpu.dma_semaphore, #tpu.memory_space<semaphore_mem>>) src(%dma_wait3A_377 : memref<96x128xf32, #tpu.memory_space<vmem>>) dst(%dma_wait3A_383 : memref<10112x128xf32, #tpu.memory_space<vmem_shared>>)
          } else {
          }
          %jit3A_270 = arith.constant 8 : i32
          %eq3A_271 = arith.constant 0 : i32
          %eq3A_272 = arith.cmpi eq, %jit3A_270, %eq3A_271 : i32
          %jit3A_273 = arith.constant 1 : i32
          %select_n3A_274 = arith.select %eq3A_272, %jit3A_273, %jit3A_270 : i32
          %rem3A_275 = arith.remsi %add3A_259, %select_n3A_274 : i32
          %ne3A_276 = arith.constant 0 : i32
          %ne3A_277 = arith.cmpi ne, %rem3A_275, %ne3A_276 : i32
          %lt3A_278 = arith.constant 0 : i32
          %lt3A_279 = arith.cmpi slt, %rem3A_275, %lt3A_278 : i32
          %lt3A_280 = arith.constant 0 : i32
          %lt3A_281 = arith.cmpi slt, %select_n3A_274, %lt3A_280 : i32
          %ne3A_282 = arith.xori %lt3A_279, %lt3A_281 : i1
          %and3A_283 = arith.andi %ne3A_282, %ne3A_277 : i1
          %add3A_284 = arith.addi %rem3A_275, %select_n3A_274 : i32
          %select_n3A_285 = arith.select %and3A_283, %add3A_284, %rem3A_275 : i32
          %mul3A_286 = arith.constant 2 : i32
          %mul3A_287 = arith.muli %select_n3A_285, %mul3A_286 : i32
          %multiple_of3A_288 = tpu.assume_multiple %mul3A_287, 2 : i32
          %jit3A_289 = arith.constant 8 : i32
          %eq3A_290 = arith.constant 0 : i32
          %eq3A_291 = arith.cmpi eq, %jit3A_289, %eq3A_290 : i32
          %jit3A_292 = arith.constant 1 : i32
          %select_n3A_293 = arith.select %eq3A_291, %jit3A_292, %jit3A_289 : i32
          %rem3A_294 = arith.remsi %add3A_259, %select_n3A_293 : i32
          %ne3A_295 = arith.constant 0 : i32
          %ne3A_296 = arith.cmpi ne, %rem3A_294, %ne3A_295 : i32
          %lt3A_297 = arith.constant 0 : i32
          %lt3A_298 = arith.cmpi slt, %rem3A_294, %lt3A_297 : i32
          %lt3A_299 = arith.constant 0 : i32
          %lt3A_300 = arith.cmpi slt, %select_n3A_293, %lt3A_299 : i32
          %ne3A_301 = arith.xori %lt3A_298, %lt3A_300 : i1
          %and3A_302 = arith.andi %ne3A_301, %ne3A_296 : i1
          %add3A_303 = arith.addi %rem3A_294, %select_n3A_293 : i32
          %select_n3A_304 = arith.select %and3A_302, %add3A_303, %rem3A_294 : i32
          %dma_wait3A_305 = arith.constant 0 : i32
          %dma_wait3A_306 = tpu.memref_slice %arg6[%multiple_of3A_288, %dma_wait3A_305] : memref<16x96xi32, #tpu.memory_space<vmem>> -> memref<2x96xi32, #tpu.memory_space<vmem>>
          %dma_wait3A_307 = arith.constant 0 : i32
          %dma_wait3A_308 = arith.constant 0 : i32
          %dma_wait3A_309 = tpu.memref_slice %arg3[%add3A, %add3A_259, %dma_wait3A_307, %dma_wait3A_308] : memref<32x105x2x96xi32, #tpu.memory_space<hbm>> -> memref<1x1x2x96xi32, #tpu.memory_space<hbm>>
          %dma_wait3A_310 = tpu.memref_squeeze %dma_wait3A_309 : memref<1x1x2x96xi32, #tpu.memory_space<hbm>> -> memref<2x96xi32, #tpu.memory_space<hbm>>
          %dma_wait3A_311 = tpu.memref_slice %arg9[%select_n3A_304] : memref<8x!tpu.dma_semaphore, #tpu.memory_space<semaphore_mem>> -> memref<1x!tpu.dma_semaphore, #tpu.memory_space<semaphore_mem>>
          %dma_wait3A_312 = tpu.memref_squeeze %dma_wait3A_311 : memref<1x!tpu.dma_semaphore, #tpu.memory_space<semaphore_mem>> -> memref<!tpu.dma_semaphore, #tpu.memory_space<semaphore_mem>>
          %dma_wait3A_313 = arith.constant 0 : i32
          %dma_wait3A_314 = tpu.memref_slice %arg6[%multiple_of3A_288, %dma_wait3A_313] : memref<16x96xi32, #tpu.memory_space<vmem>> -> memref<2x96xi32, #tpu.memory_space<vmem>>
          %dma_wait3A_315 = arith.constant 0 : i32
          %dma_wait3A_316 = arith.constant 0 : i32
          %dma_wait3A_317 = tpu.memref_slice %arg3[%add3A, %add3A_259, %dma_wait3A_315, %dma_wait3A_316] : memref<32x105x2x96xi32, #tpu.memory_space<hbm>> -> memref<1x1x2x96xi32, #tpu.memory_space<hbm>>
          %dma_wait3A_318 = tpu.memref_squeeze %dma_wait3A_317 : memref<1x1x2x96xi32, #tpu.memory_space<hbm>> -> memref<2x96xi32, #tpu.memory_space<hbm>>
          tpu.wait_dma2 semaphore(%dma_wait3A_312 : memref<!tpu.dma_semaphore, #tpu.memory_space<semaphore_mem>>) src(%dma_wait3A_318 : memref<2x96xi32, #tpu.memory_space<hbm>>) dst(%dma_wait3A_314 : memref<2x96xi32, #tpu.memory_space<vmem>>)
          %jit3A_319 = arith.constant 8 : i32
          %eq3A_320 = arith.constant 0 : i32
          %eq3A_321 = arith.cmpi eq, %jit3A_319, %eq3A_320 : i32
          %jit3A_322 = arith.constant 1 : i32
          %select_n3A_323 = arith.select %eq3A_321, %jit3A_322, %jit3A_319 : i32
          %rem3A_324 = arith.remsi %add3A_259, %select_n3A_323 : i32
          %ne3A_325 = arith.constant 0 : i32
          %ne3A_326 = arith.cmpi ne, %rem3A_324, %ne3A_325 : i32
          %lt3A_327 = arith.constant 0 : i32
          %lt3A_328 = arith.cmpi slt, %rem3A_324, %lt3A_327 : i32
          %lt3A_329 = arith.constant 0 : i32
          %lt3A_330 = arith.cmpi slt, %select_n3A_323, %lt3A_329 : i32
          %ne3A_331 = arith.xori %lt3A_328, %lt3A_330 : i1
          %and3A_332 = arith.andi %ne3A_331, %ne3A_326 : i1
          %add3A_333 = arith.addi %rem3A_324, %select_n3A_323 : i32
          %select_n3A_334 = arith.select %and3A_332, %add3A_333, %rem3A_324 : i32
          %mul3A_335 = arith.constant 2 : i32
          %mul3A_336 = arith.muli %select_n3A_334, %mul3A_335 : i32
          %dma_start3A_337 = arith.constant 2 : i32
          %dma_start3A_338 = arith.constant 2 : i32
          %dma_start3A_339 = arith.constant 0 : i32
          %dma_start3A_340 = arith.constant 0 : i32
          %dma_start3A_341 = tpu.memref_slice %arg7[%dma_start3A_337, %dma_start3A_339, %dma_start3A_340] : memref<3x96x128xf32, #tpu.memory_space<vmem>> -> memref<1x96x128xf32, #tpu.memory_space<vmem>>
          %dma_start3A_342 = tpu.memref_squeeze %dma_start3A_341 : memref<1x96x128xf32, #tpu.memory_space<vmem>> -> memref<96x128xf32, #tpu.memory_space<vmem>>
          %dma_start3A_343 = arith.constant 0 : i32
          %dma_start3A_344 = tpu.memref_slice %arg6[%mul3A_336, %dma_start3A_343] : memref<16x96xi32, #tpu.memory_space<vmem>> -> memref<1x96xi32, #tpu.memory_space<vmem>>
          %dma_start3A_345 = tpu.memref_squeeze %dma_start3A_344 : memref<1x96xi32, #tpu.memory_space<vmem>> -> memref<96xi32, #tpu.memory_space<vmem>>
          %dma_start3A_346 = arith.constant 0 : i32
          %dma_start3A_347 = arith.constant 0 : i32
          %dma_start3A_348 = tpu.memref_slice %arg2[%dma_start3A_346, %dma_start3A_347] : memref<10000x128xf32, #tpu.memory_space<hbm>> -> memref<10000x128xf32, #tpu.memory_space<hbm>>
          %dma_start3A_349 = tpu.memref_slice %arg10[%dma_start3A_338] : memref<3x!tpu.dma_semaphore, #tpu.memory_space<semaphore_mem>> -> memref<1x!tpu.dma_semaphore, #tpu.memory_space<semaphore_mem>>
          %dma_start3A_350 = tpu.memref_squeeze %dma_start3A_349 : memref<1x!tpu.dma_semaphore, #tpu.memory_space<semaphore_mem>> -> memref<!tpu.dma_semaphore, #tpu.memory_space<semaphore_mem>>
          tpu.enqueue_indirect_dma source(%dma_start3A_348 : memref<10000x128xf32, #tpu.memory_space<hbm>>) target(%dma_start3A_342 : memref<96x128xf32, #tpu.memory_space<vmem>>) offsets(%dma_start3A_345 : memref<96xi32, #tpu.memory_space<vmem>>) semaphore(%dma_start3A_350 : memref<!tpu.dma_semaphore, #tpu.memory_space<semaphore_mem>>)
        } else {
        }
      } else {
      }
      %mul3A_177 = arith.constant 3 : i32
      %mul3A_178 = arith.muli %scan3A_169, %mul3A_177 : i32
      %add3A_179 = arith.constant 1 : i32
      %add3A_180 = arith.addi %mul3A_178, %add3A_179 : i32
      %lt3A_181 = arith.constant 105 : i32
      %lt3A_182 = arith.cmpi slt, %add3A_180, %lt3A_181 : i32
      %convert_element_type3A_183 = arith.extui %lt3A_182 : i1 to i32
      %cond3A_184 = arith.constant 0 : i32
      %cond3A_185 = arith.cmpi ne, %convert_element_type3A_183, %cond3A_184 : i32
      scf.if %cond3A_185 {
        %jit3A = arith.constant 8 : i32
        %eq3A = arith.constant 0 : i32
        %eq3A_196 = arith.cmpi eq, %jit3A, %eq3A : i32
        %jit3A_197 = arith.constant 1 : i32
        %select_n3A = arith.select %eq3A_196, %jit3A_197, %jit3A : i32
        %rem3A = arith.remsi %add3A_180, %select_n3A : i32
        %ne3A = arith.constant 0 : i32
        %ne3A_198 = arith.cmpi ne, %rem3A, %ne3A : i32
        %lt3A_199 = arith.constant 0 : i32
        %lt3A_200 = arith.cmpi slt, %rem3A, %lt3A_199 : i32
        %lt3A_201 = arith.constant 0 : i32
        %lt3A_202 = arith.cmpi slt, %select_n3A, %lt3A_201 : i32
        %ne3A_203 = arith.xori %lt3A_200, %lt3A_202 : i1
        %and3A = arith.andi %ne3A_203, %ne3A_198 : i1
        %add3A_204 = arith.addi %rem3A, %select_n3A : i32
        %select_n3A_205 = arith.select %and3A, %add3A_204, %rem3A : i32
        %mul3A_206 = arith.constant 2 : i32
        %mul3A_207 = arith.muli %select_n3A_205, %mul3A_206 : i32
        %dma_wait3A_208 = arith.constant 1 : i32
        %dma_wait3A_209 = arith.constant 1 : i32
        %dma_wait3A_210 = arith.constant 0 : i32
        %dma_wait3A_211 = arith.constant 0 : i32
        %dma_wait3A_212 = tpu.memref_slice %arg7[%dma_wait3A_208, %dma_wait3A_210, %dma_wait3A_211] : memref<3x96x128xf32, #tpu.memory_space<vmem>> -> memref<1x96x128xf32, #tpu.memory_space<vmem>>
        %dma_wait3A_213 = tpu.memref_squeeze %dma_wait3A_212 : memref<1x96x128xf32, #tpu.memory_space<vmem>> -> memref<96x128xf32, #tpu.memory_space<vmem>>
        %dma_wait3A_214 = arith.constant 0 : i32
        %dma_wait3A_215 = tpu.memref_slice %arg6[%mul3A_207, %dma_wait3A_214] : memref<16x96xi32, #tpu.memory_space<vmem>> -> memref<1x96xi32, #tpu.memory_space<vmem>>
        %dma_wait3A_216 = tpu.memref_squeeze %dma_wait3A_215 : memref<1x96xi32, #tpu.memory_space<vmem>> -> memref<96xi32, #tpu.memory_space<vmem>>
        %dma_wait3A_217 = arith.constant 0 : i32
        %dma_wait3A_218 = arith.constant 0 : i32
        %dma_wait3A_219 = tpu.memref_slice %arg2[%dma_wait3A_217, %dma_wait3A_218] : memref<10000x128xf32, #tpu.memory_space<hbm>> -> memref<10000x128xf32, #tpu.memory_space<hbm>>
        %dma_wait3A_220 = tpu.memref_slice %arg10[%dma_wait3A_209] : memref<3x!tpu.dma_semaphore, #tpu.memory_space<semaphore_mem>> -> memref<1x!tpu.dma_semaphore, #tpu.memory_space<semaphore_mem>>
        %dma_wait3A_221 = tpu.memref_squeeze %dma_wait3A_220 : memref<1x!tpu.dma_semaphore, #tpu.memory_space<semaphore_mem>> -> memref<!tpu.dma_semaphore, #tpu.memory_space<semaphore_mem>>
        tpu.wait_indirect_dma semaphore(%dma_wait3A_221 : memref<!tpu.dma_semaphore, #tpu.memory_space<semaphore_mem>>) src(%dma_wait3A_219 : memref<10000x128xf32, #tpu.memory_space<hbm>>) dst(%dma_wait3A_213 : memref<96x128xf32, #tpu.memory_space<vmem>>)
        %jit3A_222 = arith.constant 8 : i32
        %eq3A_223 = arith.constant 0 : i32
        %eq3A_224 = arith.cmpi eq, %jit3A_222, %eq3A_223 : i32
        %jit3A_225 = arith.constant 1 : i32
        %select_n3A_226 = arith.select %eq3A_224, %jit3A_225, %jit3A_222 : i32
        %rem3A_227 = arith.remsi %add3A_180, %select_n3A_226 : i32
        %ne3A_228 = arith.constant 0 : i32
        %ne3A_229 = arith.cmpi ne, %rem3A_227, %ne3A_228 : i32
        %lt3A_230 = arith.constant 0 : i32
        %lt3A_231 = arith.cmpi slt, %rem3A_227, %lt3A_230 : i32
        %lt3A_232 = arith.constant 0 : i32
        %lt3A_233 = arith.cmpi slt, %select_n3A_226, %lt3A_232 : i32
        %ne3A_234 = arith.xori %lt3A_231, %lt3A_233 : i1
        %and3A_235 = arith.andi %ne3A_234, %ne3A_229 : i1
        %add3A_236 = arith.addi %rem3A_227, %select_n3A_226 : i32
        %select_n3A_237 = arith.select %and3A_235, %add3A_236, %rem3A_227 : i32
        %mul3A_238 = arith.constant 2 : i32
        %mul3A_239 = arith.muli %select_n3A_237, %mul3A_238 : i32
        %add3A_240 = arith.constant 1 : i32
        %add3A_241 = arith.addi %mul3A_239, %add3A_240 : i32
        %lt3A_242 = arith.constant 102 : i32
        %lt3A_243 = arith.cmpi slt, %add3A_180, %lt3A_242 : i32
        %convert_element_type3A_244 = arith.extui %lt3A_243 : i1 to i32
        %cond3A_245 = arith.constant 0 : i32
        %cond3A_246 = arith.cmpi ne, %convert_element_type3A_244, %cond3A_245 : i32
        scf.if %cond3A_246 {
          %dma_start3A_265 = arith.constant 1 : i32
          %dma_start3A_266 = arith.constant 1 : i32
          %dma_start3A_267 = arith.constant 0 : i32
          %dma_start3A_268 = arith.constant 0 : i32
          %dma_start3A_269 = tpu.memref_slice %arg7[%dma_start3A_265, %dma_start3A_267, %dma_start3A_268] : memref<3x96x128xf32, #tpu.memory_space<vmem>> -> memref<1x96x128xf32, #tpu.memory_space<vmem>>
          %dma_start3A_270 = tpu.memref_squeeze %dma_start3A_269 : memref<1x96x128xf32, #tpu.memory_space<vmem>> -> memref<96x128xf32, #tpu.memory_space<vmem>>
          %dma_start3A_271 = arith.constant 0 : i32
          %dma_start3A_272 = tpu.memref_slice %arg6[%add3A_241, %dma_start3A_271] : memref<16x96xi32, #tpu.memory_space<vmem>> -> memref<1x96xi32, #tpu.memory_space<vmem>>
          %dma_start3A_273 = tpu.memref_squeeze %dma_start3A_272 : memref<1x96xi32, #tpu.memory_space<vmem>> -> memref<96xi32, #tpu.memory_space<vmem>>
          %dma_start3A_274 = arith.constant 0 : i32
          %dma_start3A_275 = arith.constant 0 : i32
          %dma_start3A_276 = tpu.memref_slice %arg8[%dma_start3A_274, %dma_start3A_275] : memref<10112x128xf32, #tpu.memory_space<vmem_shared>> -> memref<10112x128xf32, #tpu.memory_space<vmem_shared>>
          %dma_start3A_277 = tpu.memref_slice %arg11[%dma_start3A_266] : memref<3x!tpu.dma_semaphore, #tpu.memory_space<semaphore_mem>> -> memref<1x!tpu.dma_semaphore, #tpu.memory_space<semaphore_mem>>
          %dma_start3A_278 = tpu.memref_squeeze %dma_start3A_277 : memref<1x!tpu.dma_semaphore, #tpu.memory_space<semaphore_mem>> -> memref<!tpu.dma_semaphore, #tpu.memory_space<semaphore_mem>>
          tpu.enqueue_indirect_dma source(%dma_start3A_270 : memref<96x128xf32, #tpu.memory_space<vmem>>) target(%dma_start3A_276 : memref<10112x128xf32, #tpu.memory_space<vmem_shared>>) offsets(%dma_start3A_273 : memref<96xi32, #tpu.memory_space<vmem>>) semaphore(%dma_start3A_278 : memref<!tpu.dma_semaphore, #tpu.memory_space<semaphore_mem>>) {add = true}
        } else {
        }
        %ge3A = arith.constant 102 : i32
        %ge3A_247 = arith.cmpi sge, %add3A_180, %ge3A : i32
        %convert_element_type3A_248 = arith.extui %ge3A_247 : i1 to i32
        %cond3A_249 = arith.constant 0 : i32
        %cond3A_250 = arith.cmpi ne, %convert_element_type3A_248, %cond3A_249 : i32
        scf.if %cond3A_250 {
          %run_scoped3A = arith.constant 1 : i32
          "tpu.region"() ({
            %run_scoped3A_265 = tpu.sem_alloc : memref<!tpu.dma_semaphore, #tpu.memory_space<semaphore_mem>>
            %dma_start3A_266 = arith.constant 0 : i32
            %dma_start3A_267 = arith.constant 0 : i32
            %dma_start3A_268 = tpu.memref_slice %arg7[%run_scoped3A, %dma_start3A_266, %dma_start3A_267] : memref<3x96x128xf32, #tpu.memory_space<vmem>> -> memref<1x96x128xf32, #tpu.memory_space<vmem>>
            %dma_start3A_269 = tpu.memref_squeeze %dma_start3A_268 : memref<1x96x128xf32, #tpu.memory_space<vmem>> -> memref<96x128xf32, #tpu.memory_space<vmem>>
            %dma_start3A_270 = arith.constant 0 : i32
            %dma_start3A_271 = tpu.memref_slice %arg6[%add3A_241, %dma_start3A_270] : memref<16x96xi32, #tpu.memory_space<vmem>> -> memref<1x96xi32, #tpu.memory_space<vmem>>
            %dma_start3A_272 = tpu.memref_squeeze %dma_start3A_271 : memref<1x96xi32, #tpu.memory_space<vmem>> -> memref<96xi32, #tpu.memory_space<vmem>>
            %dma_start3A_273 = arith.constant 0 : i32
            %dma_start3A_274 = arith.constant 0 : i32
            %dma_start3A_275 = tpu.memref_slice %arg8[%dma_start3A_273, %dma_start3A_274] : memref<10112x128xf32, #tpu.memory_space<vmem_shared>> -> memref<10112x128xf32, #tpu.memory_space<vmem_shared>>
            tpu.enqueue_indirect_dma source(%dma_start3A_269 : memref<96x128xf32, #tpu.memory_space<vmem>>) target(%dma_start3A_275 : memref<10112x128xf32, #tpu.memory_space<vmem_shared>>) offsets(%dma_start3A_272 : memref<96xi32, #tpu.memory_space<vmem>>) semaphore(%run_scoped3A_265 : memref<!tpu.dma_semaphore, #tpu.memory_space<semaphore_mem>>) {add = true}
            %dma_wait3A_276 = arith.constant 0 : i32
            %dma_wait3A_277 = arith.constant 0 : i32
            %dma_wait3A_278 = tpu.memref_slice %arg7[%run_scoped3A, %dma_wait3A_276, %dma_wait3A_277] : memref<3x96x128xf32, #tpu.memory_space<vmem>> -> memref<1x96x128xf32, #tpu.memory_space<vmem>>
            %dma_wait3A_279 = tpu.memref_squeeze %dma_wait3A_278 : memref<1x96x128xf32, #tpu.memory_space<vmem>> -> memref<96x128xf32, #tpu.memory_space<vmem>>
            %dma_wait3A_280 = arith.constant 0 : i32
            %dma_wait3A_281 = tpu.memref_slice %arg6[%add3A_241, %dma_wait3A_280] : memref<16x96xi32, #tpu.memory_space<vmem>> -> memref<1x96xi32, #tpu.memory_space<vmem>>
            %dma_wait3A_282 = tpu.memref_squeeze %dma_wait3A_281 : memref<1x96xi32, #tpu.memory_space<vmem>> -> memref<96xi32, #tpu.memory_space<vmem>>
            %dma_wait3A_283 = arith.constant 0 : i32
            %dma_wait3A_284 = arith.constant 0 : i32
            %dma_wait3A_285 = tpu.memref_slice %arg8[%dma_wait3A_283, %dma_wait3A_284] : memref<10112x128xf32, #tpu.memory_space<vmem_shared>> -> memref<10112x128xf32, #tpu.memory_space<vmem_shared>>
            tpu.wait_indirect_dma semaphore(%run_scoped3A_265 : memref<!tpu.dma_semaphore, #tpu.memory_space<semaphore_mem>>) src(%dma_wait3A_279 : memref<96x128xf32, #tpu.memory_space<vmem>>) dst(%dma_wait3A_285 : memref<10112x128xf32, #tpu.memory_space<vmem_shared>>)
            tpu.yield
          }) : () -> ()
        } else {
        }
        %add3A_251 = arith.constant 5 : i32
        %add3A_252 = arith.addi %add3A_180, %add3A_251 : i32
        %lt3A_253 = arith.constant 105 : i32
        %lt3A_254 = arith.cmpi slt, %add3A_252, %lt3A_253 : i32
        %convert_element_type3A_255 = arith.extui %lt3A_254 : i1 to i32
        %cond3A_256 = arith.constant 0 : i32
        %cond3A_257 = arith.cmpi ne, %convert_element_type3A_255, %cond3A_256 : i32
        scf.if %cond3A_257 {
          %jit3A_265 = arith.constant 8 : i32
          %eq3A_266 = arith.constant 0 : i32
          %eq3A_267 = arith.cmpi eq, %jit3A_265, %eq3A_266 : i32
          %jit3A_268 = arith.constant 1 : i32
          %select_n3A_269 = arith.select %eq3A_267, %jit3A_268, %jit3A_265 : i32
          %rem3A_270 = arith.remsi %add3A_252, %select_n3A_269 : i32
          %ne3A_271 = arith.constant 0 : i32
          %ne3A_272 = arith.cmpi ne, %rem3A_270, %ne3A_271 : i32
          %lt3A_273 = arith.constant 0 : i32
          %lt3A_274 = arith.cmpi slt, %rem3A_270, %lt3A_273 : i32
          %lt3A_275 = arith.constant 0 : i32
          %lt3A_276 = arith.cmpi slt, %select_n3A_269, %lt3A_275 : i32
          %ne3A_277 = arith.xori %lt3A_274, %lt3A_276 : i1
          %and3A_278 = arith.andi %ne3A_277, %ne3A_272 : i1
          %add3A_279 = arith.addi %rem3A_270, %select_n3A_269 : i32
          %select_n3A_280 = arith.select %and3A_278, %add3A_279, %rem3A_270 : i32
          %mul3A_281 = arith.constant 2 : i32
          %mul3A_282 = arith.muli %select_n3A_280, %mul3A_281 : i32
          %multiple_of3A_283 = tpu.assume_multiple %mul3A_282, 2 : i32
          %jit3A_284 = arith.constant 8 : i32
          %eq3A_285 = arith.constant 0 : i32
          %eq3A_286 = arith.cmpi eq, %jit3A_284, %eq3A_285 : i32
          %jit3A_287 = arith.constant 1 : i32
          %select_n3A_288 = arith.select %eq3A_286, %jit3A_287, %jit3A_284 : i32
          %rem3A_289 = arith.remsi %add3A_252, %select_n3A_288 : i32
          %ne3A_290 = arith.constant 0 : i32
          %ne3A_291 = arith.cmpi ne, %rem3A_289, %ne3A_290 : i32
          %lt3A_292 = arith.constant 0 : i32
          %lt3A_293 = arith.cmpi slt, %rem3A_289, %lt3A_292 : i32
          %lt3A_294 = arith.constant 0 : i32
          %lt3A_295 = arith.cmpi slt, %select_n3A_288, %lt3A_294 : i32
          %ne3A_296 = arith.xori %lt3A_293, %lt3A_295 : i1
          %and3A_297 = arith.andi %ne3A_296, %ne3A_291 : i1
          %add3A_298 = arith.addi %rem3A_289, %select_n3A_288 : i32
          %select_n3A_299 = arith.select %and3A_297, %add3A_298, %rem3A_289 : i32
          %dma_start3A_300 = arith.constant 0 : i32
          %dma_start3A_301 = tpu.memref_slice %arg6[%multiple_of3A_283, %dma_start3A_300] : memref<16x96xi32, #tpu.memory_space<vmem>> -> memref<2x96xi32, #tpu.memory_space<vmem>>
          %dma_start3A_302 = arith.constant 0 : i32
          %dma_start3A_303 = arith.constant 0 : i32
          %dma_start3A_304 = tpu.memref_slice %arg3[%add3A, %add3A_252, %dma_start3A_302, %dma_start3A_303] : memref<32x105x2x96xi32, #tpu.memory_space<hbm>> -> memref<1x1x2x96xi32, #tpu.memory_space<hbm>>
          %dma_start3A_305 = tpu.memref_squeeze %dma_start3A_304 : memref<1x1x2x96xi32, #tpu.memory_space<hbm>> -> memref<2x96xi32, #tpu.memory_space<hbm>>
          %dma_start3A_306 = tpu.memref_slice %arg9[%select_n3A_299] : memref<8x!tpu.dma_semaphore, #tpu.memory_space<semaphore_mem>> -> memref<1x!tpu.dma_semaphore, #tpu.memory_space<semaphore_mem>>
          %dma_start3A_307 = tpu.memref_squeeze %dma_start3A_306 : memref<1x!tpu.dma_semaphore, #tpu.memory_space<semaphore_mem>> -> memref<!tpu.dma_semaphore, #tpu.memory_space<semaphore_mem>>
          %dma_start3A_308 = arith.constant 0 : i32
          %dma_start3A_309 = tpu.memref_slice %arg6[%multiple_of3A_283, %dma_start3A_308] : memref<16x96xi32, #tpu.memory_space<vmem>> -> memref<2x96xi32, #tpu.memory_space<vmem>>
          %dma_start3A_310 = arith.constant 0 : i32
          %dma_start3A_311 = arith.constant 0 : i32
          %dma_start3A_312 = tpu.memref_slice %arg3[%add3A, %add3A_252, %dma_start3A_310, %dma_start3A_311] : memref<32x105x2x96xi32, #tpu.memory_space<hbm>> -> memref<1x1x2x96xi32, #tpu.memory_space<hbm>>
          %dma_start3A_313 = tpu.memref_squeeze %dma_start3A_312 : memref<1x1x2x96xi32, #tpu.memory_space<hbm>> -> memref<2x96xi32, #tpu.memory_space<hbm>>
          tpu.enqueue_dma source(%dma_start3A_313 : memref<2x96xi32, #tpu.memory_space<hbm>>) target(%dma_start3A_309 : memref<2x96xi32, #tpu.memory_space<vmem>>) target_semaphore(%dma_start3A_307 : memref<!tpu.dma_semaphore, #tpu.memory_space<semaphore_mem>>)
        } else {
        }
        %add3A_258 = arith.constant 2 : i32
        %add3A_259 = arith.addi %add3A_180, %add3A_258 : i32
        %lt3A_260 = arith.constant 105 : i32
        %lt3A_261 = arith.cmpi slt, %add3A_259, %lt3A_260 : i32
        %convert_element_type3A_262 = arith.extui %lt3A_261 : i1 to i32
        %cond3A_263 = arith.constant 0 : i32
        %cond3A_264 = arith.cmpi ne, %convert_element_type3A_262, %cond3A_263 : i32
        scf.if %cond3A_264 {
          %ge3A_265 = arith.constant 3 : i32
          %ge3A_266 = arith.cmpi sge, %add3A_259, %ge3A_265 : i32
          %convert_element_type3A_267 = arith.extui %ge3A_266 : i1 to i32
          %cond3A_268 = arith.constant 0 : i32
          %cond3A_269 = arith.cmpi ne, %convert_element_type3A_267, %cond3A_268 : i32
          scf.if %cond3A_269 {
            %sub3A = arith.constant 3 : i32
            %sub3A_351 = arith.subi %add3A_259, %sub3A : i32
            %jit3A_352 = arith.constant 8 : i32
            %eq3A_353 = arith.constant 0 : i32
            %eq3A_354 = arith.cmpi eq, %jit3A_352, %eq3A_353 : i32
            %jit3A_355 = arith.constant 1 : i32
            %select_n3A_356 = arith.select %eq3A_354, %jit3A_355, %jit3A_352 : i32
            %rem3A_357 = arith.remsi %sub3A_351, %select_n3A_356 : i32
            %ne3A_358 = arith.constant 0 : i32
            %ne3A_359 = arith.cmpi ne, %rem3A_357, %ne3A_358 : i32
            %lt3A_360 = arith.constant 0 : i32
            %lt3A_361 = arith.cmpi slt, %rem3A_357, %lt3A_360 : i32
            %lt3A_362 = arith.constant 0 : i32
            %lt3A_363 = arith.cmpi slt, %select_n3A_356, %lt3A_362 : i32
            %ne3A_364 = arith.xori %lt3A_361, %lt3A_363 : i1
            %and3A_365 = arith.andi %ne3A_364, %ne3A_359 : i1
            %add3A_366 = arith.addi %rem3A_357, %select_n3A_356 : i32
            %select_n3A_367 = arith.select %and3A_365, %add3A_366, %rem3A_357 : i32
            %mul3A_368 = arith.constant 2 : i32
            %mul3A_369 = arith.muli %select_n3A_367, %mul3A_368 : i32
            %add3A_370 = arith.constant 1 : i32
            %add3A_371 = arith.addi %mul3A_369, %add3A_370 : i32
            %dma_wait3A_372 = arith.constant 0 : i32
            %dma_wait3A_373 = arith.constant 0 : i32
            %dma_wait3A_374 = arith.constant 0 : i32
            %dma_wait3A_375 = arith.constant 0 : i32
            %dma_wait3A_376 = tpu.memref_slice %arg7[%dma_wait3A_372, %dma_wait3A_374, %dma_wait3A_375] : memref<3x96x128xf32, #tpu.memory_space<vmem>> -> memref<1x96x128xf32, #tpu.memory_space<vmem>>
            %dma_wait3A_377 = tpu.memref_squeeze %dma_wait3A_376 : memref<1x96x128xf32, #tpu.memory_space<vmem>> -> memref<96x128xf32, #tpu.memory_space<vmem>>
            %dma_wait3A_378 = arith.constant 0 : i32
            %dma_wait3A_379 = tpu.memref_slice %arg6[%add3A_371, %dma_wait3A_378] : memref<16x96xi32, #tpu.memory_space<vmem>> -> memref<1x96xi32, #tpu.memory_space<vmem>>
            %dma_wait3A_380 = tpu.memref_squeeze %dma_wait3A_379 : memref<1x96xi32, #tpu.memory_space<vmem>> -> memref<96xi32, #tpu.memory_space<vmem>>
            %dma_wait3A_381 = arith.constant 0 : i32
            %dma_wait3A_382 = arith.constant 0 : i32
            %dma_wait3A_383 = tpu.memref_slice %arg8[%dma_wait3A_381, %dma_wait3A_382] : memref<10112x128xf32, #tpu.memory_space<vmem_shared>> -> memref<10112x128xf32, #tpu.memory_space<vmem_shared>>
            %dma_wait3A_384 = tpu.memref_slice %arg11[%dma_wait3A_373] : memref<3x!tpu.dma_semaphore, #tpu.memory_space<semaphore_mem>> -> memref<1x!tpu.dma_semaphore, #tpu.memory_space<semaphore_mem>>
            %dma_wait3A_385 = tpu.memref_squeeze %dma_wait3A_384 : memref<1x!tpu.dma_semaphore, #tpu.memory_space<semaphore_mem>> -> memref<!tpu.dma_semaphore, #tpu.memory_space<semaphore_mem>>
            tpu.wait_indirect_dma semaphore(%dma_wait3A_385 : memref<!tpu.dma_semaphore, #tpu.memory_space<semaphore_mem>>) src(%dma_wait3A_377 : memref<96x128xf32, #tpu.memory_space<vmem>>) dst(%dma_wait3A_383 : memref<10112x128xf32, #tpu.memory_space<vmem_shared>>)
          } else {
          }
          %jit3A_270 = arith.constant 8 : i32
          %eq3A_271 = arith.constant 0 : i32
          %eq3A_272 = arith.cmpi eq, %jit3A_270, %eq3A_271 : i32
          %jit3A_273 = arith.constant 1 : i32
          %select_n3A_274 = arith.select %eq3A_272, %jit3A_273, %jit3A_270 : i32
          %rem3A_275 = arith.remsi %add3A_259, %select_n3A_274 : i32
          %ne3A_276 = arith.constant 0 : i32
          %ne3A_277 = arith.cmpi ne, %rem3A_275, %ne3A_276 : i32
          %lt3A_278 = arith.constant 0 : i32
          %lt3A_279 = arith.cmpi slt, %rem3A_275, %lt3A_278 : i32
          %lt3A_280 = arith.constant 0 : i32
          %lt3A_281 = arith.cmpi slt, %select_n3A_274, %lt3A_280 : i32
          %ne3A_282 = arith.xori %lt3A_279, %lt3A_281 : i1
          %and3A_283 = arith.andi %ne3A_282, %ne3A_277 : i1
          %add3A_284 = arith.addi %rem3A_275, %select_n3A_274 : i32
          %select_n3A_285 = arith.select %and3A_283, %add3A_284, %rem3A_275 : i32
          %mul3A_286 = arith.constant 2 : i32
          %mul3A_287 = arith.muli %select_n3A_285, %mul3A_286 : i32
          %multiple_of3A_288 = tpu.assume_multiple %mul3A_287, 2 : i32
          %jit3A_289 = arith.constant 8 : i32
          %eq3A_290 = arith.constant 0 : i32
          %eq3A_291 = arith.cmpi eq, %jit3A_289, %eq3A_290 : i32
          %jit3A_292 = arith.constant 1 : i32
          %select_n3A_293 = arith.select %eq3A_291, %jit3A_292, %jit3A_289 : i32
          %rem3A_294 = arith.remsi %add3A_259, %select_n3A_293 : i32
          %ne3A_295 = arith.constant 0 : i32
          %ne3A_296 = arith.cmpi ne, %rem3A_294, %ne3A_295 : i32
          %lt3A_297 = arith.constant 0 : i32
          %lt3A_298 = arith.cmpi slt, %rem3A_294, %lt3A_297 : i32
          %lt3A_299 = arith.constant 0 : i32
          %lt3A_300 = arith.cmpi slt, %select_n3A_293, %lt3A_299 : i32
          %ne3A_301 = arith.xori %lt3A_298, %lt3A_300 : i1
          %and3A_302 = arith.andi %ne3A_301, %ne3A_296 : i1
          %add3A_303 = arith.addi %rem3A_294, %select_n3A_293 : i32
          %select_n3A_304 = arith.select %and3A_302, %add3A_303, %rem3A_294 : i32
          %dma_wait3A_305 = arith.constant 0 : i32
          %dma_wait3A_306 = tpu.memref_slice %arg6[%multiple_of3A_288, %dma_wait3A_305] : memref<16x96xi32, #tpu.memory_space<vmem>> -> memref<2x96xi32, #tpu.memory_space<vmem>>
          %dma_wait3A_307 = arith.constant 0 : i32
          %dma_wait3A_308 = arith.constant 0 : i32
          %dma_wait3A_309 = tpu.memref_slice %arg3[%add3A, %add3A_259, %dma_wait3A_307, %dma_wait3A_308] : memref<32x105x2x96xi32, #tpu.memory_space<hbm>> -> memref<1x1x2x96xi32, #tpu.memory_space<hbm>>
          %dma_wait3A_310 = tpu.memref_squeeze %dma_wait3A_309 : memref<1x1x2x96xi32, #tpu.memory_space<hbm>> -> memref<2x96xi32, #tpu.memory_space<hbm>>
          %dma_wait3A_311 = tpu.memref_slice %arg9[%select_n3A_304] : memref<8x!tpu.dma_semaphore, #tpu.memory_space<semaphore_mem>> -> memref<1x!tpu.dma_semaphore, #tpu.memory_space<semaphore_mem>>
          %dma_wait3A_312 = tpu.memref_squeeze %dma_wait3A_311 : memref<1x!tpu.dma_semaphore, #tpu.memory_space<semaphore_mem>> -> memref<!tpu.dma_semaphore, #tpu.memory_space<semaphore_mem>>
          %dma_wait3A_313 = arith.constant 0 : i32
          %dma_wait3A_314 = tpu.memref_slice %arg6[%multiple_of3A_288, %dma_wait3A_313] : memref<16x96xi32, #tpu.memory_space<vmem>> -> memref<2x96xi32, #tpu.memory_space<vmem>>
          %dma_wait3A_315 = arith.constant 0 : i32
          %dma_wait3A_316 = arith.constant 0 : i32
          %dma_wait3A_317 = tpu.memref_slice %arg3[%add3A, %add3A_259, %dma_wait3A_315, %dma_wait3A_316] : memref<32x105x2x96xi32, #tpu.memory_space<hbm>> -> memref<1x1x2x96xi32, #tpu.memory_space<hbm>>
          %dma_wait3A_318 = tpu.memref_squeeze %dma_wait3A_317 : memref<1x1x2x96xi32, #tpu.memory_space<hbm>> -> memref<2x96xi32, #tpu.memory_space<hbm>>
          tpu.wait_dma2 semaphore(%dma_wait3A_312 : memref<!tpu.dma_semaphore, #tpu.memory_space<semaphore_mem>>) src(%dma_wait3A_318 : memref<2x96xi32, #tpu.memory_space<hbm>>) dst(%dma_wait3A_314 : memref<2x96xi32, #tpu.memory_space<vmem>>)
          %jit3A_319 = arith.constant 8 : i32
          %eq3A_320 = arith.constant 0 : i32
          %eq3A_321 = arith.cmpi eq, %jit3A_319, %eq3A_320 : i32
          %jit3A_322 = arith.constant 1 : i32
          %select_n3A_323 = arith.select %eq3A_321, %jit3A_322, %jit3A_319 : i32
          %rem3A_324 = arith.remsi %add3A_259, %select_n3A_323 : i32
          %ne3A_325 = arith.constant 0 : i32
          %ne3A_326 = arith.cmpi ne, %rem3A_324, %ne3A_325 : i32
          %lt3A_327 = arith.constant 0 : i32
          %lt3A_328 = arith.cmpi slt, %rem3A_324, %lt3A_327 : i32
          %lt3A_329 = arith.constant 0 : i32
          %lt3A_330 = arith.cmpi slt, %select_n3A_323, %lt3A_329 : i32
          %ne3A_331 = arith.xori %lt3A_328, %lt3A_330 : i1
          %and3A_332 = arith.andi %ne3A_331, %ne3A_326 : i1
          %add3A_333 = arith.addi %rem3A_324, %select_n3A_323 : i32
          %select_n3A_334 = arith.select %and3A_332, %add3A_333, %rem3A_324 : i32
          %mul3A_335 = arith.constant 2 : i32
          %mul3A_336 = arith.muli %select_n3A_334, %mul3A_335 : i32
          %dma_start3A_337 = arith.constant 0 : i32
          %dma_start3A_338 = arith.constant 0 : i32
          %dma_start3A_339 = arith.constant 0 : i32
          %dma_start3A_340 = arith.constant 0 : i32
          %dma_start3A_341 = tpu.memref_slice %arg7[%dma_start3A_337, %dma_start3A_339, %dma_start3A_340] : memref<3x96x128xf32, #tpu.memory_space<vmem>> -> memref<1x96x128xf32, #tpu.memory_space<vmem>>
          %dma_start3A_342 = tpu.memref_squeeze %dma_start3A_341 : memref<1x96x128xf32, #tpu.memory_space<vmem>> -> memref<96x128xf32, #tpu.memory_space<vmem>>
          %dma_start3A_343 = arith.constant 0 : i32
          %dma_start3A_344 = tpu.memref_slice %arg6[%mul3A_336, %dma_start3A_343] : memref<16x96xi32, #tpu.memory_space<vmem>> -> memref<1x96xi32, #tpu.memory_space<vmem>>
          %dma_start3A_345 = tpu.memref_squeeze %dma_start3A_344 : memref<1x96xi32, #tpu.memory_space<vmem>> -> memref<96xi32, #tpu.memory_space<vmem>>
          %dma_start3A_346 = arith.constant 0 : i32
          %dma_start3A_347 = arith.constant 0 : i32
          %dma_start3A_348 = tpu.memref_slice %arg2[%dma_start3A_346, %dma_start3A_347] : memref<10000x128xf32, #tpu.memory_space<hbm>> -> memref<10000x128xf32, #tpu.memory_space<hbm>>
          %dma_start3A_349 = tpu.memref_slice %arg10[%dma_start3A_338] : memref<3x!tpu.dma_semaphore, #tpu.memory_space<semaphore_mem>> -> memref<1x!tpu.dma_semaphore, #tpu.memory_space<semaphore_mem>>
          %dma_start3A_350 = tpu.memref_squeeze %dma_start3A_349 : memref<1x!tpu.dma_semaphore, #tpu.memory_space<semaphore_mem>> -> memref<!tpu.dma_semaphore, #tpu.memory_space<semaphore_mem>>
          tpu.enqueue_indirect_dma source(%dma_start3A_348 : memref<10000x128xf32, #tpu.memory_space<hbm>>) target(%dma_start3A_342 : memref<96x128xf32, #tpu.memory_space<vmem>>) offsets(%dma_start3A_345 : memref<96xi32, #tpu.memory_space<vmem>>) semaphore(%dma_start3A_350 : memref<!tpu.dma_semaphore, #tpu.memory_space<semaphore_mem>>)
        } else {
        }
      } else {
      }
      %mul3A_186 = arith.constant 3 : i32
      %mul3A_187 = arith.muli %scan3A_169, %mul3A_186 : i32
      %add3A_188 = arith.constant 2 : i32
      %add3A_189 = arith.addi %mul3A_187, %add3A_188 : i32
      %lt3A_190 = arith.constant 105 : i32
      %lt3A_191 = arith.cmpi slt, %add3A_189, %lt3A_190 : i32
      %convert_element_type3A_192 = arith.extui %lt3A_191 : i1 to i32
      %cond3A_193 = arith.constant 0 : i32
      %cond3A_194 = arith.cmpi ne, %convert_element_type3A_192, %cond3A_193 : i32
      scf.if %cond3A_194 {
        %jit3A = arith.constant 8 : i32
        %eq3A = arith.constant 0 : i32
        %eq3A_196 = arith.cmpi eq, %jit3A, %eq3A : i32
        %jit3A_197 = arith.constant 1 : i32
        %select_n3A = arith.select %eq3A_196, %jit3A_197, %jit3A : i32
        %rem3A = arith.remsi %add3A_189, %select_n3A : i32
        %ne3A = arith.constant 0 : i32
        %ne3A_198 = arith.cmpi ne, %rem3A, %ne3A : i32
        %lt3A_199 = arith.constant 0 : i32
        %lt3A_200 = arith.cmpi slt, %rem3A, %lt3A_199 : i32
        %lt3A_201 = arith.constant 0 : i32
        %lt3A_202 = arith.cmpi slt, %select_n3A, %lt3A_201 : i32
        %ne3A_203 = arith.xori %lt3A_200, %lt3A_202 : i1
        %and3A = arith.andi %ne3A_203, %ne3A_198 : i1
        %add3A_204 = arith.addi %rem3A, %select_n3A : i32
        %select_n3A_205 = arith.select %and3A, %add3A_204, %rem3A : i32
        %mul3A_206 = arith.constant 2 : i32
        %mul3A_207 = arith.muli %select_n3A_205, %mul3A_206 : i32
        %dma_wait3A_208 = arith.constant 2 : i32
        %dma_wait3A_209 = arith.constant 2 : i32
        %dma_wait3A_210 = arith.constant 0 : i32
        %dma_wait3A_211 = arith.constant 0 : i32
        %dma_wait3A_212 = tpu.memref_slice %arg7[%dma_wait3A_208, %dma_wait3A_210, %dma_wait3A_211] : memref<3x96x128xf32, #tpu.memory_space<vmem>> -> memref<1x96x128xf32, #tpu.memory_space<vmem>>
        %dma_wait3A_213 = tpu.memref_squeeze %dma_wait3A_212 : memref<1x96x128xf32, #tpu.memory_space<vmem>> -> memref<96x128xf32, #tpu.memory_space<vmem>>
        %dma_wait3A_214 = arith.constant 0 : i32
        %dma_wait3A_215 = tpu.memref_slice %arg6[%mul3A_207, %dma_wait3A_214] : memref<16x96xi32, #tpu.memory_space<vmem>> -> memref<1x96xi32, #tpu.memory_space<vmem>>
        %dma_wait3A_216 = tpu.memref_squeeze %dma_wait3A_215 : memref<1x96xi32, #tpu.memory_space<vmem>> -> memref<96xi32, #tpu.memory_space<vmem>>
        %dma_wait3A_217 = arith.constant 0 : i32
        %dma_wait3A_218 = arith.constant 0 : i32
        %dma_wait3A_219 = tpu.memref_slice %arg2[%dma_wait3A_217, %dma_wait3A_218] : memref<10000x128xf32, #tpu.memory_space<hbm>> -> memref<10000x128xf32, #tpu.memory_space<hbm>>
        %dma_wait3A_220 = tpu.memref_slice %arg10[%dma_wait3A_209] : memref<3x!tpu.dma_semaphore, #tpu.memory_space<semaphore_mem>> -> memref<1x!tpu.dma_semaphore, #tpu.memory_space<semaphore_mem>>
        %dma_wait3A_221 = tpu.memref_squeeze %dma_wait3A_220 : memref<1x!tpu.dma_semaphore, #tpu.memory_space<semaphore_mem>> -> memref<!tpu.dma_semaphore, #tpu.memory_space<semaphore_mem>>
        tpu.wait_indirect_dma semaphore(%dma_wait3A_221 : memref<!tpu.dma_semaphore, #tpu.memory_space<semaphore_mem>>) src(%dma_wait3A_219 : memref<10000x128xf32, #tpu.memory_space<hbm>>) dst(%dma_wait3A_213 : memref<96x128xf32, #tpu.memory_space<vmem>>)
        %jit3A_222 = arith.constant 8 : i32
        %eq3A_223 = arith.constant 0 : i32
        %eq3A_224 = arith.cmpi eq, %jit3A_222, %eq3A_223 : i32
        %jit3A_225 = arith.constant 1 : i32
        %select_n3A_226 = arith.select %eq3A_224, %jit3A_225, %jit3A_222 : i32
        %rem3A_227 = arith.remsi %add3A_189, %select_n3A_226 : i32
        %ne3A_228 = arith.constant 0 : i32
        %ne3A_229 = arith.cmpi ne, %rem3A_227, %ne3A_228 : i32
        %lt3A_230 = arith.constant 0 : i32
        %lt3A_231 = arith.cmpi slt, %rem3A_227, %lt3A_230 : i32
        %lt3A_232 = arith.constant 0 : i32
        %lt3A_233 = arith.cmpi slt, %select_n3A_226, %lt3A_232 : i32
        %ne3A_234 = arith.xori %lt3A_231, %lt3A_233 : i1
        %and3A_235 = arith.andi %ne3A_234, %ne3A_229 : i1
        %add3A_236 = arith.addi %rem3A_227, %select_n3A_226 : i32
        %select_n3A_237 = arith.select %and3A_235, %add3A_236, %rem3A_227 : i32
        %mul3A_238 = arith.constant 2 : i32
        %mul3A_239 = arith.muli %select_n3A_237, %mul3A_238 : i32
        %add3A_240 = arith.constant 1 : i32
        %add3A_241 = arith.addi %mul3A_239, %add3A_240 : i32
        %lt3A_242 = arith.constant 102 : i32
        %lt3A_243 = arith.cmpi slt, %add3A_189, %lt3A_242 : i32
        %convert_element_type3A_244 = arith.extui %lt3A_243 : i1 to i32
        %cond3A_245 = arith.constant 0 : i32
        %cond3A_246 = arith.cmpi ne, %convert_element_type3A_244, %cond3A_245 : i32
        scf.if %cond3A_246 {
          %dma_start3A_265 = arith.constant 2 : i32
          %dma_start3A_266 = arith.constant 2 : i32
          %dma_start3A_267 = arith.constant 0 : i32
          %dma_start3A_268 = arith.constant 0 : i32
          %dma_start3A_269 = tpu.memref_slice %arg7[%dma_start3A_265, %dma_start3A_267, %dma_start3A_268] : memref<3x96x128xf32, #tpu.memory_space<vmem>> -> memref<1x96x128xf32, #tpu.memory_space<vmem>>
          %dma_start3A_270 = tpu.memref_squeeze %dma_start3A_269 : memref<1x96x128xf32, #tpu.memory_space<vmem>> -> memref<96x128xf32, #tpu.memory_space<vmem>>
          %dma_start3A_271 = arith.constant 0 : i32
          %dma_start3A_272 = tpu.memref_slice %arg6[%add3A_241, %dma_start3A_271] : memref<16x96xi32, #tpu.memory_space<vmem>> -> memref<1x96xi32, #tpu.memory_space<vmem>>
          %dma_start3A_273 = tpu.memref_squeeze %dma_start3A_272 : memref<1x96xi32, #tpu.memory_space<vmem>> -> memref<96xi32, #tpu.memory_space<vmem>>
          %dma_start3A_274 = arith.constant 0 : i32
          %dma_start3A_275 = arith.constant 0 : i32
          %dma_start3A_276 = tpu.memref_slice %arg8[%dma_start3A_274, %dma_start3A_275] : memref<10112x128xf32, #tpu.memory_space<vmem_shared>> -> memref<10112x128xf32, #tpu.memory_space<vmem_shared>>
          %dma_start3A_277 = tpu.memref_slice %arg11[%dma_start3A_266] : memref<3x!tpu.dma_semaphore, #tpu.memory_space<semaphore_mem>> -> memref<1x!tpu.dma_semaphore, #tpu.memory_space<semaphore_mem>>
          %dma_start3A_278 = tpu.memref_squeeze %dma_start3A_277 : memref<1x!tpu.dma_semaphore, #tpu.memory_space<semaphore_mem>> -> memref<!tpu.dma_semaphore, #tpu.memory_space<semaphore_mem>>
          tpu.enqueue_indirect_dma source(%dma_start3A_270 : memref<96x128xf32, #tpu.memory_space<vmem>>) target(%dma_start3A_276 : memref<10112x128xf32, #tpu.memory_space<vmem_shared>>) offsets(%dma_start3A_273 : memref<96xi32, #tpu.memory_space<vmem>>) semaphore(%dma_start3A_278 : memref<!tpu.dma_semaphore, #tpu.memory_space<semaphore_mem>>) {add = true}
        } else {
        }
        %ge3A = arith.constant 102 : i32
        %ge3A_247 = arith.cmpi sge, %add3A_189, %ge3A : i32
        %convert_element_type3A_248 = arith.extui %ge3A_247 : i1 to i32
        %cond3A_249 = arith.constant 0 : i32
        %cond3A_250 = arith.cmpi ne, %convert_element_type3A_248, %cond3A_249 : i32
        scf.if %cond3A_250 {
          %run_scoped3A = arith.constant 2 : i32
          "tpu.region"() ({
            %run_scoped3A_265 = tpu.sem_alloc : memref<!tpu.dma_semaphore, #tpu.memory_space<semaphore_mem>>
            %dma_start3A_266 = arith.constant 0 : i32
            %dma_start3A_267 = arith.constant 0 : i32
            %dma_start3A_268 = tpu.memref_slice %arg7[%run_scoped3A, %dma_start3A_266, %dma_start3A_267] : memref<3x96x128xf32, #tpu.memory_space<vmem>> -> memref<1x96x128xf32, #tpu.memory_space<vmem>>
            %dma_start3A_269 = tpu.memref_squeeze %dma_start3A_268 : memref<1x96x128xf32, #tpu.memory_space<vmem>> -> memref<96x128xf32, #tpu.memory_space<vmem>>
            %dma_start3A_270 = arith.constant 0 : i32
            %dma_start3A_271 = tpu.memref_slice %arg6[%add3A_241, %dma_start3A_270] : memref<16x96xi32, #tpu.memory_space<vmem>> -> memref<1x96xi32, #tpu.memory_space<vmem>>
            %dma_start3A_272 = tpu.memref_squeeze %dma_start3A_271 : memref<1x96xi32, #tpu.memory_space<vmem>> -> memref<96xi32, #tpu.memory_space<vmem>>
            %dma_start3A_273 = arith.constant 0 : i32
            %dma_start3A_274 = arith.constant 0 : i32
            %dma_start3A_275 = tpu.memref_slice %arg8[%dma_start3A_273, %dma_start3A_274] : memref<10112x128xf32, #tpu.memory_space<vmem_shared>> -> memref<10112x128xf32, #tpu.memory_space<vmem_shared>>
            tpu.enqueue_indirect_dma source(%dma_start3A_269 : memref<96x128xf32, #tpu.memory_space<vmem>>) target(%dma_start3A_275 : memref<10112x128xf32, #tpu.memory_space<vmem_shared>>) offsets(%dma_start3A_272 : memref<96xi32, #tpu.memory_space<vmem>>) semaphore(%run_scoped3A_265 : memref<!tpu.dma_semaphore, #tpu.memory_space<semaphore_mem>>) {add = true}
            %dma_wait3A_276 = arith.constant 0 : i32
            %dma_wait3A_277 = arith.constant 0 : i32
            %dma_wait3A_278 = tpu.memref_slice %arg7[%run_scoped3A, %dma_wait3A_276, %dma_wait3A_277] : memref<3x96x128xf32, #tpu.memory_space<vmem>> -> memref<1x96x128xf32, #tpu.memory_space<vmem>>
            %dma_wait3A_279 = tpu.memref_squeeze %dma_wait3A_278 : memref<1x96x128xf32, #tpu.memory_space<vmem>> -> memref<96x128xf32, #tpu.memory_space<vmem>>
            %dma_wait3A_280 = arith.constant 0 : i32
            %dma_wait3A_281 = tpu.memref_slice %arg6[%add3A_241, %dma_wait3A_280] : memref<16x96xi32, #tpu.memory_space<vmem>> -> memref<1x96xi32, #tpu.memory_space<vmem>>
            %dma_wait3A_282 = tpu.memref_squeeze %dma_wait3A_281 : memref<1x96xi32, #tpu.memory_space<vmem>> -> memref<96xi32, #tpu.memory_space<vmem>>
            %dma_wait3A_283 = arith.constant 0 : i32
            %dma_wait3A_284 = arith.constant 0 : i32
            %dma_wait3A_285 = tpu.memref_slice %arg8[%dma_wait3A_283, %dma_wait3A_284] : memref<10112x128xf32, #tpu.memory_space<vmem_shared>> -> memref<10112x128xf32, #tpu.memory_space<vmem_shared>>
            tpu.wait_indirect_dma semaphore(%run_scoped3A_265 : memref<!tpu.dma_semaphore, #tpu.memory_space<semaphore_mem>>) src(%dma_wait3A_279 : memref<96x128xf32, #tpu.memory_space<vmem>>) dst(%dma_wait3A_285 : memref<10112x128xf32, #tpu.memory_space<vmem_shared>>)
            tpu.yield
          }) : () -> ()
        } else {
        }
        %add3A_251 = arith.constant 5 : i32
        %add3A_252 = arith.addi %add3A_189, %add3A_251 : i32
        %lt3A_253 = arith.constant 105 : i32
        %lt3A_254 = arith.cmpi slt, %add3A_252, %lt3A_253 : i32
        %convert_element_type3A_255 = arith.extui %lt3A_254 : i1 to i32
        %cond3A_256 = arith.constant 0 : i32
        %cond3A_257 = arith.cmpi ne, %convert_element_type3A_255, %cond3A_256 : i32
        scf.if %cond3A_257 {
          %jit3A_265 = arith.constant 8 : i32
          %eq3A_266 = arith.constant 0 : i32
          %eq3A_267 = arith.cmpi eq, %jit3A_265, %eq3A_266 : i32
          %jit3A_268 = arith.constant 1 : i32
          %select_n3A_269 = arith.select %eq3A_267, %jit3A_268, %jit3A_265 : i32
          %rem3A_270 = arith.remsi %add3A_252, %select_n3A_269 : i32
          %ne3A_271 = arith.constant 0 : i32
          %ne3A_272 = arith.cmpi ne, %rem3A_270, %ne3A_271 : i32
          %lt3A_273 = arith.constant 0 : i32
          %lt3A_274 = arith.cmpi slt, %rem3A_270, %lt3A_273 : i32
          %lt3A_275 = arith.constant 0 : i32
          %lt3A_276 = arith.cmpi slt, %select_n3A_269, %lt3A_275 : i32
          %ne3A_277 = arith.xori %lt3A_274, %lt3A_276 : i1
          %and3A_278 = arith.andi %ne3A_277, %ne3A_272 : i1
          %add3A_279 = arith.addi %rem3A_270, %select_n3A_269 : i32
          %select_n3A_280 = arith.select %and3A_278, %add3A_279, %rem3A_270 : i32
          %mul3A_281 = arith.constant 2 : i32
          %mul3A_282 = arith.muli %select_n3A_280, %mul3A_281 : i32
          %multiple_of3A_283 = tpu.assume_multiple %mul3A_282, 2 : i32
          %jit3A_284 = arith.constant 8 : i32
          %eq3A_285 = arith.constant 0 : i32
          %eq3A_286 = arith.cmpi eq, %jit3A_284, %eq3A_285 : i32
          %jit3A_287 = arith.constant 1 : i32
          %select_n3A_288 = arith.select %eq3A_286, %jit3A_287, %jit3A_284 : i32
          %rem3A_289 = arith.remsi %add3A_252, %select_n3A_288 : i32
          %ne3A_290 = arith.constant 0 : i32
          %ne3A_291 = arith.cmpi ne, %rem3A_289, %ne3A_290 : i32
          %lt3A_292 = arith.constant 0 : i32
          %lt3A_293 = arith.cmpi slt, %rem3A_289, %lt3A_292 : i32
          %lt3A_294 = arith.constant 0 : i32
          %lt3A_295 = arith.cmpi slt, %select_n3A_288, %lt3A_294 : i32
          %ne3A_296 = arith.xori %lt3A_293, %lt3A_295 : i1
          %and3A_297 = arith.andi %ne3A_296, %ne3A_291 : i1
          %add3A_298 = arith.addi %rem3A_289, %select_n3A_288 : i32
          %select_n3A_299 = arith.select %and3A_297, %add3A_298, %rem3A_289 : i32
          %dma_start3A_300 = arith.constant 0 : i32
          %dma_start3A_301 = tpu.memref_slice %arg6[%multiple_of3A_283, %dma_start3A_300] : memref<16x96xi32, #tpu.memory_space<vmem>> -> memref<2x96xi32, #tpu.memory_space<vmem>>
          %dma_start3A_302 = arith.constant 0 : i32
          %dma_start3A_303 = arith.constant 0 : i32
          %dma_start3A_304 = tpu.memref_slice %arg3[%add3A, %add3A_252, %dma_start3A_302, %dma_start3A_303] : memref<32x105x2x96xi32, #tpu.memory_space<hbm>> -> memref<1x1x2x96xi32, #tpu.memory_space<hbm>>
          %dma_start3A_305 = tpu.memref_squeeze %dma_start3A_304 : memref<1x1x2x96xi32, #tpu.memory_space<hbm>> -> memref<2x96xi32, #tpu.memory_space<hbm>>
          %dma_start3A_306 = tpu.memref_slice %arg9[%select_n3A_299] : memref<8x!tpu.dma_semaphore, #tpu.memory_space<semaphore_mem>> -> memref<1x!tpu.dma_semaphore, #tpu.memory_space<semaphore_mem>>
          %dma_start3A_307 = tpu.memref_squeeze %dma_start3A_306 : memref<1x!tpu.dma_semaphore, #tpu.memory_space<semaphore_mem>> -> memref<!tpu.dma_semaphore, #tpu.memory_space<semaphore_mem>>
          %dma_start3A_308 = arith.constant 0 : i32
          %dma_start3A_309 = tpu.memref_slice %arg6[%multiple_of3A_283, %dma_start3A_308] : memref<16x96xi32, #tpu.memory_space<vmem>> -> memref<2x96xi32, #tpu.memory_space<vmem>>
          %dma_start3A_310 = arith.constant 0 : i32
          %dma_start3A_311 = arith.constant 0 : i32
          %dma_start3A_312 = tpu.memref_slice %arg3[%add3A, %add3A_252, %dma_start3A_310, %dma_start3A_311] : memref<32x105x2x96xi32, #tpu.memory_space<hbm>> -> memref<1x1x2x96xi32, #tpu.memory_space<hbm>>
          %dma_start3A_313 = tpu.memref_squeeze %dma_start3A_312 : memref<1x1x2x96xi32, #tpu.memory_space<hbm>> -> memref<2x96xi32, #tpu.memory_space<hbm>>
          tpu.enqueue_dma source(%dma_start3A_313 : memref<2x96xi32, #tpu.memory_space<hbm>>) target(%dma_start3A_309 : memref<2x96xi32, #tpu.memory_space<vmem>>) target_semaphore(%dma_start3A_307 : memref<!tpu.dma_semaphore, #tpu.memory_space<semaphore_mem>>)
        } else {
        }
        %add3A_258 = arith.constant 2 : i32
        %add3A_259 = arith.addi %add3A_189, %add3A_258 : i32
        %lt3A_260 = arith.constant 105 : i32
        %lt3A_261 = arith.cmpi slt, %add3A_259, %lt3A_260 : i32
        %convert_element_type3A_262 = arith.extui %lt3A_261 : i1 to i32
        %cond3A_263 = arith.constant 0 : i32
        %cond3A_264 = arith.cmpi ne, %convert_element_type3A_262, %cond3A_263 : i32
        scf.if %cond3A_264 {
          %ge3A_265 = arith.constant 3 : i32
          %ge3A_266 = arith.cmpi sge, %add3A_259, %ge3A_265 : i32
          %convert_element_type3A_267 = arith.extui %ge3A_266 : i1 to i32
          %cond3A_268 = arith.constant 0 : i32
          %cond3A_269 = arith.cmpi ne, %convert_element_type3A_267, %cond3A_268 : i32
          scf.if %cond3A_269 {
            %sub3A = arith.constant 3 : i32
            %sub3A_351 = arith.subi %add3A_259, %sub3A : i32
            %jit3A_352 = arith.constant 8 : i32
            %eq3A_353 = arith.constant 0 : i32
            %eq3A_354 = arith.cmpi eq, %jit3A_352, %eq3A_353 : i32
            %jit3A_355 = arith.constant 1 : i32
            %select_n3A_356 = arith.select %eq3A_354, %jit3A_355, %jit3A_352 : i32
            %rem3A_357 = arith.remsi %sub3A_351, %select_n3A_356 : i32
            %ne3A_358 = arith.constant 0 : i32
            %ne3A_359 = arith.cmpi ne, %rem3A_357, %ne3A_358 : i32
            %lt3A_360 = arith.constant 0 : i32
            %lt3A_361 = arith.cmpi slt, %rem3A_357, %lt3A_360 : i32
            %lt3A_362 = arith.constant 0 : i32
            %lt3A_363 = arith.cmpi slt, %select_n3A_356, %lt3A_362 : i32
            %ne3A_364 = arith.xori %lt3A_361, %lt3A_363 : i1
            %and3A_365 = arith.andi %ne3A_364, %ne3A_359 : i1
            %add3A_366 = arith.addi %rem3A_357, %select_n3A_356 : i32
            %select_n3A_367 = arith.select %and3A_365, %add3A_366, %rem3A_357 : i32
            %mul3A_368 = arith.constant 2 : i32
            %mul3A_369 = arith.muli %select_n3A_367, %mul3A_368 : i32
            %add3A_370 = arith.constant 1 : i32
            %add3A_371 = arith.addi %mul3A_369, %add3A_370 : i32
            %dma_wait3A_372 = arith.constant 1 : i32
            %dma_wait3A_373 = arith.constant 1 : i32
            %dma_wait3A_374 = arith.constant 0 : i32
            %dma_wait3A_375 = arith.constant 0 : i32
            %dma_wait3A_376 = tpu.memref_slice %arg7[%dma_wait3A_372, %dma_wait3A_374, %dma_wait3A_375] : memref<3x96x128xf32, #tpu.memory_space<vmem>> -> memref<1x96x128xf32, #tpu.memory_space<vmem>>
            %dma_wait3A_377 = tpu.memref_squeeze %dma_wait3A_376 : memref<1x96x128xf32, #tpu.memory_space<vmem>> -> memref<96x128xf32, #tpu.memory_space<vmem>>
            %dma_wait3A_378 = arith.constant 0 : i32
            %dma_wait3A_379 = tpu.memref_slice %arg6[%add3A_371, %dma_wait3A_378] : memref<16x96xi32, #tpu.memory_space<vmem>> -> memref<1x96xi32, #tpu.memory_space<vmem>>
            %dma_wait3A_380 = tpu.memref_squeeze %dma_wait3A_379 : memref<1x96xi32, #tpu.memory_space<vmem>> -> memref<96xi32, #tpu.memory_space<vmem>>
            %dma_wait3A_381 = arith.constant 0 : i32
            %dma_wait3A_382 = arith.constant 0 : i32
            %dma_wait3A_383 = tpu.memref_slice %arg8[%dma_wait3A_381, %dma_wait3A_382] : memref<10112x128xf32, #tpu.memory_space<vmem_shared>> -> memref<10112x128xf32, #tpu.memory_space<vmem_shared>>
            %dma_wait3A_384 = tpu.memref_slice %arg11[%dma_wait3A_373] : memref<3x!tpu.dma_semaphore, #tpu.memory_space<semaphore_mem>> -> memref<1x!tpu.dma_semaphore, #tpu.memory_space<semaphore_mem>>
            %dma_wait3A_385 = tpu.memref_squeeze %dma_wait3A_384 : memref<1x!tpu.dma_semaphore, #tpu.memory_space<semaphore_mem>> -> memref<!tpu.dma_semaphore, #tpu.memory_space<semaphore_mem>>
            tpu.wait_indirect_dma semaphore(%dma_wait3A_385 : memref<!tpu.dma_semaphore, #tpu.memory_space<semaphore_mem>>) src(%dma_wait3A_377 : memref<96x128xf32, #tpu.memory_space<vmem>>) dst(%dma_wait3A_383 : memref<10112x128xf32, #tpu.memory_space<vmem_shared>>)
          } else {
          }
          %jit3A_270 = arith.constant 8 : i32
          %eq3A_271 = arith.constant 0 : i32
          %eq3A_272 = arith.cmpi eq, %jit3A_270, %eq3A_271 : i32
          %jit3A_273 = arith.constant 1 : i32
          %select_n3A_274 = arith.select %eq3A_272, %jit3A_273, %jit3A_270 : i32
          %rem3A_275 = arith.remsi %add3A_259, %select_n3A_274 : i32
          %ne3A_276 = arith.constant 0 : i32
          %ne3A_277 = arith.cmpi ne, %rem3A_275, %ne3A_276 : i32
          %lt3A_278 = arith.constant 0 : i32
          %lt3A_279 = arith.cmpi slt, %rem3A_275, %lt3A_278 : i32
          %lt3A_280 = arith.constant 0 : i32
          %lt3A_281 = arith.cmpi slt, %select_n3A_274, %lt3A_280 : i32
          %ne3A_282 = arith.xori %lt3A_279, %lt3A_281 : i1
          %and3A_283 = arith.andi %ne3A_282, %ne3A_277 : i1
          %add3A_284 = arith.addi %rem3A_275, %select_n3A_274 : i32
          %select_n3A_285 = arith.select %and3A_283, %add3A_284, %rem3A_275 : i32
          %mul3A_286 = arith.constant 2 : i32
          %mul3A_287 = arith.muli %select_n3A_285, %mul3A_286 : i32
          %multiple_of3A_288 = tpu.assume_multiple %mul3A_287, 2 : i32
          %jit3A_289 = arith.constant 8 : i32
          %eq3A_290 = arith.constant 0 : i32
          %eq3A_291 = arith.cmpi eq, %jit3A_289, %eq3A_290 : i32
          %jit3A_292 = arith.constant 1 : i32
          %select_n3A_293 = arith.select %eq3A_291, %jit3A_292, %jit3A_289 : i32
          %rem3A_294 = arith.remsi %add3A_259, %select_n3A_293 : i32
          %ne3A_295 = arith.constant 0 : i32
          %ne3A_296 = arith.cmpi ne, %rem3A_294, %ne3A_295 : i32
          %lt3A_297 = arith.constant 0 : i32
          %lt3A_298 = arith.cmpi slt, %rem3A_294, %lt3A_297 : i32
          %lt3A_299 = arith.constant 0 : i32
          %lt3A_300 = arith.cmpi slt, %select_n3A_293, %lt3A_299 : i32
          %ne3A_301 = arith.xori %lt3A_298, %lt3A_300 : i1
          %and3A_302 = arith.andi %ne3A_301, %ne3A_296 : i1
          %add3A_303 = arith.addi %rem3A_294, %select_n3A_293 : i32
          %select_n3A_304 = arith.select %and3A_302, %add3A_303, %rem3A_294 : i32
          %dma_wait3A_305 = arith.constant 0 : i32
          %dma_wait3A_306 = tpu.memref_slice %arg6[%multiple_of3A_288, %dma_wait3A_305] : memref<16x96xi32, #tpu.memory_space<vmem>> -> memref<2x96xi32, #tpu.memory_space<vmem>>
          %dma_wait3A_307 = arith.constant 0 : i32
          %dma_wait3A_308 = arith.constant 0 : i32
          %dma_wait3A_309 = tpu.memref_slice %arg3[%add3A, %add3A_259, %dma_wait3A_307, %dma_wait3A_308] : memref<32x105x2x96xi32, #tpu.memory_space<hbm>> -> memref<1x1x2x96xi32, #tpu.memory_space<hbm>>
          %dma_wait3A_310 = tpu.memref_squeeze %dma_wait3A_309 : memref<1x1x2x96xi32, #tpu.memory_space<hbm>> -> memref<2x96xi32, #tpu.memory_space<hbm>>
          %dma_wait3A_311 = tpu.memref_slice %arg9[%select_n3A_304] : memref<8x!tpu.dma_semaphore, #tpu.memory_space<semaphore_mem>> -> memref<1x!tpu.dma_semaphore, #tpu.memory_space<semaphore_mem>>
          %dma_wait3A_312 = tpu.memref_squeeze %dma_wait3A_311 : memref<1x!tpu.dma_semaphore, #tpu.memory_space<semaphore_mem>> -> memref<!tpu.dma_semaphore, #tpu.memory_space<semaphore_mem>>
          %dma_wait3A_313 = arith.constant 0 : i32
          %dma_wait3A_314 = tpu.memref_slice %arg6[%multiple_of3A_288, %dma_wait3A_313] : memref<16x96xi32, #tpu.memory_space<vmem>> -> memref<2x96xi32, #tpu.memory_space<vmem>>
          %dma_wait3A_315 = arith.constant 0 : i32
          %dma_wait3A_316 = arith.constant 0 : i32
          %dma_wait3A_317 = tpu.memref_slice %arg3[%add3A, %add3A_259, %dma_wait3A_315, %dma_wait3A_316] : memref<32x105x2x96xi32, #tpu.memory_space<hbm>> -> memref<1x1x2x96xi32, #tpu.memory_space<hbm>>
          %dma_wait3A_318 = tpu.memref_squeeze %dma_wait3A_317 : memref<1x1x2x96xi32, #tpu.memory_space<hbm>> -> memref<2x96xi32, #tpu.memory_space<hbm>>
          tpu.wait_dma2 semaphore(%dma_wait3A_312 : memref<!tpu.dma_semaphore, #tpu.memory_space<semaphore_mem>>) src(%dma_wait3A_318 : memref<2x96xi32, #tpu.memory_space<hbm>>) dst(%dma_wait3A_314 : memref<2x96xi32, #tpu.memory_space<vmem>>)
          %jit3A_319 = arith.constant 8 : i32
          %eq3A_320 = arith.constant 0 : i32
          %eq3A_321 = arith.cmpi eq, %jit3A_319, %eq3A_320 : i32
          %jit3A_322 = arith.constant 1 : i32
          %select_n3A_323 = arith.select %eq3A_321, %jit3A_322, %jit3A_319 : i32
          %rem3A_324 = arith.remsi %add3A_259, %select_n3A_323 : i32
          %ne3A_325 = arith.constant 0 : i32
          %ne3A_326 = arith.cmpi ne, %rem3A_324, %ne3A_325 : i32
          %lt3A_327 = arith.constant 0 : i32
          %lt3A_328 = arith.cmpi slt, %rem3A_324, %lt3A_327 : i32
          %lt3A_329 = arith.constant 0 : i32
          %lt3A_330 = arith.cmpi slt, %select_n3A_323, %lt3A_329 : i32
          %ne3A_331 = arith.xori %lt3A_328, %lt3A_330 : i1
          %and3A_332 = arith.andi %ne3A_331, %ne3A_326 : i1
          %add3A_333 = arith.addi %rem3A_324, %select_n3A_323 : i32
          %select_n3A_334 = arith.select %and3A_332, %add3A_333, %rem3A_324 : i32
          %mul3A_335 = arith.constant 2 : i32
          %mul3A_336 = arith.muli %select_n3A_334, %mul3A_335 : i32
          %dma_start3A_337 = arith.constant 1 : i32
          %dma_start3A_338 = arith.constant 1 : i32
          %dma_start3A_339 = arith.constant 0 : i32
          %dma_start3A_340 = arith.constant 0 : i32
          %dma_start3A_341 = tpu.memref_slice %arg7[%dma_start3A_337, %dma_start3A_339, %dma_start3A_340] : memref<3x96x128xf32, #tpu.memory_space<vmem>> -> memref<1x96x128xf32, #tpu.memory_space<vmem>>
          %dma_start3A_342 = tpu.memref_squeeze %dma_start3A_341 : memref<1x96x128xf32, #tpu.memory_space<vmem>> -> memref<96x128xf32, #tpu.memory_space<vmem>>
          %dma_start3A_343 = arith.constant 0 : i32
          %dma_start3A_344 = tpu.memref_slice %arg6[%mul3A_336, %dma_start3A_343] : memref<16x96xi32, #tpu.memory_space<vmem>> -> memref<1x96xi32, #tpu.memory_space<vmem>>
          %dma_start3A_345 = tpu.memref_squeeze %dma_start3A_344 : memref<1x96xi32, #tpu.memory_space<vmem>> -> memref<96xi32, #tpu.memory_space<vmem>>
          %dma_start3A_346 = arith.constant 0 : i32
          %dma_start3A_347 = arith.constant 0 : i32
          %dma_start3A_348 = tpu.memref_slice %arg2[%dma_start3A_346, %dma_start3A_347] : memref<10000x128xf32, #tpu.memory_space<hbm>> -> memref<10000x128xf32, #tpu.memory_space<hbm>>
          %dma_start3A_349 = tpu.memref_slice %arg10[%dma_start3A_338] : memref<3x!tpu.dma_semaphore, #tpu.memory_space<semaphore_mem>> -> memref<1x!tpu.dma_semaphore, #tpu.memory_space<semaphore_mem>>
          %dma_start3A_350 = tpu.memref_squeeze %dma_start3A_349 : memref<1x!tpu.dma_semaphore, #tpu.memory_space<semaphore_mem>> -> memref<!tpu.dma_semaphore, #tpu.memory_space<semaphore_mem>>
          tpu.enqueue_indirect_dma source(%dma_start3A_348 : memref<10000x128xf32, #tpu.memory_space<hbm>>) target(%dma_start3A_342 : memref<96x128xf32, #tpu.memory_space<vmem>>) offsets(%dma_start3A_345 : memref<96xi32, #tpu.memory_space<vmem>>) semaphore(%dma_start3A_350 : memref<!tpu.dma_semaphore, #tpu.memory_space<semaphore_mem>>)
        } else {
        }
      } else {
      }
      %scan3A_195 = arith.constant 0 : i32
      scf.yield %scan3A_195 : i32
    }
    %scan3A_163 = arith.constant 35 : i32
    %barrier3A_164 = arith.constant 0 : index
    tpu.barrier barrier_id(%barrier3A_164)
    %mul3A_165 = arith.constant 632 : i32
    %mul3A_166 = arith.muli %arg1, %mul3A_165 : i32
    %mul3A_167 = arith.constant 632 : i32
    %mul3A_168 = arith.muli %arg1, %mul3A_167 : i32
    "tpu.region"() ({
      %run_scoped3A = tpu.sem_alloc : memref<!tpu.dma_semaphore, #tpu.memory_space<semaphore_mem>>
      %dma_start3A_169 = arith.constant 0 : i32
      %dma_start3A_170 = tpu.memref_slice %arg5[%arg0, %mul3A_168, %dma_start3A_169] : memref<2x10112x128xf32, #tpu.memory_space<hbm>> -> memref<1x632x128xf32, #tpu.memory_space<hbm>>
      %dma_start3A_171 = tpu.memref_squeeze %dma_start3A_170 : memref<1x632x128xf32, #tpu.memory_space<hbm>> -> memref<632x128xf32, #tpu.memory_space<hbm>>
      %dma_start3A_172 = arith.constant 0 : i32
      %dma_start3A_173 = tpu.memref_slice %arg8[%mul3A_166, %dma_start3A_172] : memref<10112x128xf32, #tpu.memory_space<vmem_shared>> -> memref<632x128xf32, #tpu.memory_space<vmem_shared>>
      tpu.enqueue_dma source(%dma_start3A_173 : memref<632x128xf32, #tpu.memory_space<vmem_shared>>) target(%dma_start3A_171 : memref<632x128xf32, #tpu.memory_space<hbm>>) target_semaphore(%run_scoped3A : memref<!tpu.dma_semaphore, #tpu.memory_space<semaphore_mem>>)
      %dma_wait3A_174 = arith.constant 0 : i32
      %dma_wait3A_175 = tpu.memref_slice %arg5[%arg0, %mul3A_168, %dma_wait3A_174] : memref<2x10112x128xf32, #tpu.memory_space<hbm>> -> memref<1x632x128xf32, #tpu.memory_space<hbm>>
      %dma_wait3A_176 = tpu.memref_squeeze %dma_wait3A_175 : memref<1x632x128xf32, #tpu.memory_space<hbm>> -> memref<632x128xf32, #tpu.memory_space<hbm>>
      %dma_wait3A_177 = arith.constant 0 : i32
      %dma_wait3A_178 = tpu.memref_slice %arg8[%mul3A_166, %dma_wait3A_177] : memref<10112x128xf32, #tpu.memory_space<vmem_shared>> -> memref<632x128xf32, #tpu.memory_space<vmem_shared>>
      tpu.wait_dma2 semaphore(%run_scoped3A : memref<!tpu.dma_semaphore, #tpu.memory_space<semaphore_mem>>) src(%dma_wait3A_178 : memref<632x128xf32, #tpu.memory_space<vmem_shared>>) dst(%dma_wait3A_176 : memref<632x128xf32, #tpu.memory_space<hbm>>)
      tpu.yield
    }) : () -> ()
    return
  }
}

module attributes {stable_mosaic.version = 14 : i64} {
  func.func @_mm_scale_body(%arg0: i32, %arg1: memref<2000x128xf32, #tpu.memory_space<vmem>>, %arg2: memref<128x128xf32, #tpu.memory_space<vmem>>, %arg3: memref<1x2x2000xf32, #tpu.memory_space<vmem>>, %arg4: memref<2000x128xf32, #tpu.memory_space<vmem>>) attributes {dimension_semantics = [#tpu.dimension_semantics<arbitrary>], iteration_bounds = array<i64: 5>, scalar_prefetch = 0 : i64, scratch_operands = 0 : i64, tpu.core_type = #tpu.core_type<tc>, window_params = [{transform_indices = @transform_0, window_bounds = array<i64: 2000, 128>}, {pipeline_mode = #tpu.pipeline_mode<synchronous>, transform_indices = @transform_1, window_bounds = array<i64: 128, 128>}, {transform_indices = @transform_2, window_bounds = array<i64: 1, 2, 2000>}, {transform_indices = @transform_3, window_bounds = array<i64: 2000, 128>}]} {
    %get3A = arith.constant 0 : index
    %get3A_0 = arith.constant 0 : index
    %get3A_1 = vector.load %arg1[%get3A, %get3A_0] : memref<2000x128xf32, #tpu.memory_space<vmem>>, vector<2000x128xf32>
    %get3A_2 = arith.constant 0 : index
    %get3A_3 = arith.constant 0 : index
    %get3A_4 = vector.load %arg2[%get3A_2, %get3A_3] : memref<128x128xf32, #tpu.memory_space<vmem>>, vector<128x128xf32>
    %dot_general3A = arith.constant dense<0.000000e+00> : vector<2000x128xf32>
    %dot_general3A_5 = tpu.matmul %get3A_1, %get3A_4, %dot_general3A {dimension_numbers = #tpu.dot_dimension_numbers<[1], [0], [0], [1], [0, 0, 1, 1], [], []>, transpose_lhs_hint = false} : vector<2000x128xf32>, vector<128x128xf32>, vector<2000x128xf32> -> vector<2000x128xf32>
    %get3A_6 = arith.constant 0 : index
    %get3A_7 = arith.constant 0 : index
    %get3A_8 = arith.constant 0 : index
    %get3A_9 = vector.load %arg3[%get3A_6, %get3A_7, %get3A_8] : memref<1x2x2000xf32, #tpu.memory_space<vmem>>, vector<1x1x2000xf32>
    %get3A_10 = vector.shape_cast %get3A_9 : vector<1x1x2000xf32> to vector<2000xf32>
    %get3A_11 = arith.constant 0 : index
    %get3A_12 = arith.constant 1 : index
    %get3A_13 = arith.constant 0 : index
    %get3A_14 = vector.load %arg3[%get3A_11, %get3A_12, %get3A_13] : memref<1x2x2000xf32, #tpu.memory_space<vmem>>, vector<1x1x2000xf32>
    %get3A_15 = vector.shape_cast %get3A_14 : vector<1x1x2000xf32> to vector<2000xf32>
    %add3A = arith.addf %get3A_10, %get3A_15 : vector<2000xf32>
    %add3A_16 = arith.constant 1.000000e+00 : f32
    %add3A_17 = vector.broadcast %add3A_16 : f32 to vector<2000xf32>
    %add3A_18 = arith.addf %add3A, %add3A_17 : vector<2000xf32>
    %rsqrt3A = math.rsqrt %add3A_18 : vector<2000xf32>
    %broadcast_in_dim3A = vector.shape_cast %rsqrt3A : vector<2000xf32> to vector<2000x1xf32>
    %mul3A = vector.broadcast %broadcast_in_dim3A : vector<2000x1xf32> to vector<2000x128xf32>
    %mul3A_19 = arith.mulf %dot_general3A_5, %mul3A : vector<2000x128xf32>
    %swap3A = arith.constant 0 : index
    %swap3A_20 = arith.constant 0 : index
    %swap3A_21 = vector.load %arg4[%swap3A, %swap3A_20] : memref<2000x128xf32, #tpu.memory_space<vmem>>, vector<2000x128xf32>
    tpu.vector_store %arg4[%swap3A, %swap3A_20], %mul3A_19 {strides = array<i32>} : memref<2000x128xf32, #tpu.memory_space<vmem>>, vector<2000x128xf32>,
    return
  }
  func.func @transform_0(%arg0: i32) -> (i32, i32) {
    %c0_i32 = arith.constant 0 : i32
    %c0_i32_0 = arith.constant 0 : i32
    return %arg0, %c0_i32 : i32, i32
  }
  func.func @transform_1(%arg0: i32) -> (i32, i32) {
    %c0_i32 = arith.constant 0 : i32
    %c0_i32_0 = arith.constant 0 : i32
    %c0_i32_1 = arith.constant 0 : i32
    return %c0_i32, %c0_i32_0 : i32, i32
  }
  func.func @transform_2(%arg0: i32) -> (i32, i32, i32) {
    %c0_i32 = arith.constant 0 : i32
    %c0_i32_0 = arith.constant 0 : i32
    %c0_i32_1 = arith.constant 0 : i32
    return %arg0, %c0_i32, %c0_i32_0 : i32, i32, i32
  }
  func.func @transform_3(%arg0: i32) -> (i32, i32) {
    %c0_i32 = arith.constant 0 : i32
    %c0_i32_0 = arith.constant 0 : i32
    return %arg0, %c0_i32 : i32, i32
  }
}

module attributes {stable_mosaic.version = 14 : i64} {
  func.func @_layer2_body(%arg0: i32, %arg1: memref<2x2000x128xf32, #tpu.memory_space<vmem>>, %arg2: memref<2000x128xf32, #tpu.memory_space<vmem>>, %arg3: memref<1x2x2000xf32, #tpu.memory_space<vmem>>, %arg4: memref<128xf32, #tpu.memory_space<vmem>>, %arg5: memref<128x128xf32, #tpu.memory_space<vmem>>, %arg6: memref<2000x128xf32, #tpu.memory_space<vmem>>) attributes {dimension_semantics = [#tpu.dimension_semantics<arbitrary>], iteration_bounds = array<i64: 5>, scalar_prefetch = 0 : i64, scratch_operands = 0 : i64, tpu.core_type = #tpu.core_type<tc>, window_params = [{transform_indices = @transform_0, window_bounds = array<i64: 2, 2000, 128>}, {transform_indices = @transform_1, window_bounds = array<i64: 2000, 128>}, {transform_indices = @transform_2, window_bounds = array<i64: 1, 2, 2000>}, {pipeline_mode = #tpu.pipeline_mode<synchronous>, transform_indices = @transform_3, window_bounds = array<i64: 128>}, {pipeline_mode = #tpu.pipeline_mode<synchronous>, transform_indices = @transform_4, window_bounds = array<i64: 128, 128>}, {transform_indices = @transform_5, window_bounds = array<i64: 2000, 128>}]} {
    %get3A = arith.constant 0 : index
    %get3A_0 = arith.constant 0 : index
    %get3A_1 = arith.constant 0 : index
    %get3A_2 = vector.load %arg3[%get3A, %get3A_0, %get3A_1] : memref<1x2x2000xf32, #tpu.memory_space<vmem>>, vector<1x1x2000xf32>
    %get3A_3 = vector.shape_cast %get3A_2 : vector<1x1x2000xf32> to vector<2000xf32>
    %get3A_4 = arith.constant 0 : index
    %get3A_5 = arith.constant 1 : index
    %get3A_6 = arith.constant 0 : index
    %get3A_7 = vector.load %arg3[%get3A_4, %get3A_5, %get3A_6] : memref<1x2x2000xf32, #tpu.memory_space<vmem>>, vector<1x1x2000xf32>
    %get3A_8 = vector.shape_cast %get3A_7 : vector<1x1x2000xf32> to vector<2000xf32>
    %add3A = arith.addf %get3A_3, %get3A_8 : vector<2000xf32>
    %add3A_9 = arith.constant 1.000000e+00 : f32
    %add3A_10 = vector.broadcast %add3A_9 : f32 to vector<2000xf32>
    %add3A_11 = arith.addf %add3A, %add3A_10 : vector<2000xf32>
    %rsqrt3A = math.rsqrt %add3A_11 : vector<2000xf32>
    %broadcast_in_dim3A = vector.shape_cast %rsqrt3A : vector<2000xf32> to vector<2000x1xf32>
    %get3A_12 = arith.constant 0 : index
    %get3A_13 = arith.constant 0 : index
    %get3A_14 = arith.constant 0 : index
    %get3A_15 = vector.load %arg1[%get3A_12, %get3A_13, %get3A_14] : memref<2x2000x128xf32, #tpu.memory_space<vmem>>, vector<1x2000x128xf32>
    %get3A_16 = vector.shape_cast %get3A_15 : vector<1x2000x128xf32> to vector<2000x128xf32>
    %get3A_17 = arith.constant 1 : index
    %get3A_18 = arith.constant 0 : index
    %get3A_19 = arith.constant 0 : index
    %get3A_20 = vector.load %arg1[%get3A_17, %get3A_18, %get3A_19] : memref<2x2000x128xf32, #tpu.memory_space<vmem>>, vector<1x2000x128xf32>
    %get3A_21 = vector.shape_cast %get3A_20 : vector<1x2000x128xf32> to vector<2000x128xf32>
    %add3A_22 = arith.addf %get3A_16, %get3A_21 : vector<2000x128xf32>
    %get3A_23 = arith.constant 0 : index
    %get3A_24 = arith.constant 0 : index
    %get3A_25 = vector.load %arg2[%get3A_23, %get3A_24] : memref<2000x128xf32, #tpu.memory_space<vmem>>, vector<2000x128xf32>
    %add3A_26 = arith.addf %add3A_22, %get3A_25 : vector<2000x128xf32>
    %mul3A = vector.broadcast %broadcast_in_dim3A : vector<2000x1xf32> to vector<2000x128xf32>
    %mul3A_27 = arith.mulf %mul3A, %add3A_26 : vector<2000x128xf32>
    %get3A_28 = arith.constant 0 : index
    %get3A_29 = vector.load %arg4[%get3A_28] : memref<128xf32, #tpu.memory_space<vmem>>, vector<128xf32>
    %broadcast_in_dim3A_30 = vector.shape_cast %get3A_29 : vector<128xf32> to vector<1x128xf32>
    %add3A_31 = vector.broadcast %broadcast_in_dim3A_30 : vector<1x128xf32> to vector<2000x128xf32>
    %add3A_32 = arith.addf %mul3A_27, %add3A_31 : vector<2000x128xf32>
    %max3A = arith.constant 0.000000e+00 : f32
    %max3A_33 = vector.broadcast %max3A : f32 to vector<2000x128xf32>
    %max3A_34 = arith.maximumf %add3A_32, %max3A_33 : vector<2000x128xf32>
    %get3A_35 = arith.constant 0 : index
    %get3A_36 = arith.constant 0 : index
    %get3A_37 = vector.load %arg5[%get3A_35, %get3A_36] : memref<128x128xf32, #tpu.memory_space<vmem>>, vector<128x128xf32>
    %dot_general3A = arith.constant dense<0.000000e+00> : vector<2000x128xf32>
    %dot_general3A_38 = tpu.matmul %max3A_34, %get3A_37, %dot_general3A {dimension_numbers = #tpu.dot_dimension_numbers<[1], [0], [0], [1], [0, 0, 1, 1], [], []>, transpose_lhs_hint = false} : vector<2000x128xf32>, vector<128x128xf32>, vector<2000x128xf32> -> vector<2000x128xf32>
    %mul3A_39 = vector.broadcast %broadcast_in_dim3A : vector<2000x1xf32> to vector<2000x128xf32>
    %mul3A_40 = arith.mulf %dot_general3A_38, %mul3A_39 : vector<2000x128xf32>
    %swap3A = arith.constant 0 : index
    %swap3A_41 = arith.constant 0 : index
    %swap3A_42 = vector.load %arg6[%swap3A, %swap3A_41] : memref<2000x128xf32, #tpu.memory_space<vmem>>, vector<2000x128xf32>
    tpu.vector_store %arg6[%swap3A, %swap3A_41], %mul3A_40 {strides = array<i32>} : memref<2000x128xf32, #tpu.memory_space<vmem>>, vector<2000x128xf32>,
    return
  }
  func.func @transform_0(%arg0: i32) -> (i32, i32, i32) {
    %c0_i32 = arith.constant 0 : i32
    %c0_i32_0 = arith.constant 0 : i32
    %c0_i32_1 = arith.constant 0 : i32
    return %c0_i32, %arg0, %c0_i32_0 : i32, i32, i32
  }
  func.func @transform_1(%arg0: i32) -> (i32, i32) {
    %c0_i32 = arith.constant 0 : i32
    %c0_i32_0 = arith.constant 0 : i32
    return %arg0, %c0_i32 : i32, i32
  }
  func.func @transform_2(%arg0: i32) -> (i32, i32, i32) {
    %c0_i32 = arith.constant 0 : i32
    %c0_i32_0 = arith.constant 0 : i32
    %c0_i32_1 = arith.constant 0 : i32
    return %arg0, %c0_i32, %c0_i32_0 : i32, i32, i32
  }
  func.func @transform_3(%arg0: i32) -> i32 {
    %c0_i32 = arith.constant 0 : i32
    %c0_i32_0 = arith.constant 0 : i32
    return %c0_i32 : i32
  }
  func.func @transform_4(%arg0: i32) -> (i32, i32) {
    %c0_i32 = arith.constant 0 : i32
    %c0_i32_0 = arith.constant 0 : i32
    %c0_i32_1 = arith.constant 0 : i32
    return %c0_i32, %c0_i32_0 : i32, i32
  }
  func.func @transform_5(%arg0: i32) -> (i32, i32) {
    %c0_i32 = arith.constant 0 : i32
    %c0_i32_0 = arith.constant 0 : i32
    return %arg0, %c0_i32 : i32, i32
  }
}

module attributes {stable_mosaic.version = 14 : i64} {
  func.func @_final_body(%arg0: i32, %arg1: memref<2x2000x128xf32, #tpu.memory_space<vmem>>, %arg2: memref<2000x128xf32, #tpu.memory_space<vmem>>, %arg3: memref<1x2x2000xf32, #tpu.memory_space<vmem>>, %arg4: memref<128xf32, #tpu.memory_space<vmem>>, %arg5: memref<2000x64xf32, #tpu.memory_space<vmem>>, %arg6: memref<2000x64xf32, #tpu.memory_space<vmem>>) attributes {dimension_semantics = [#tpu.dimension_semantics<arbitrary>], iteration_bounds = array<i64: 5>, scalar_prefetch = 0 : i64, scratch_operands = 0 : i64, tpu.core_type = #tpu.core_type<tc>, window_params = [{transform_indices = @transform_0, window_bounds = array<i64: 2, 2000, 128>}, {transform_indices = @transform_1, window_bounds = array<i64: 2000, 128>}, {transform_indices = @transform_2, window_bounds = array<i64: 1, 2, 2000>}, {pipeline_mode = #tpu.pipeline_mode<synchronous>, transform_indices = @transform_3, window_bounds = array<i64: 128>}, {transform_indices = @transform_4, window_bounds = array<i64: 2000, 64>}, {transform_indices = @transform_5, window_bounds = array<i64: 2000, 64>}]} {
    %get3A = arith.constant 0 : index
    %get3A_0 = arith.constant 0 : index
    %get3A_1 = arith.constant 0 : index
    %get3A_2 = vector.load %arg3[%get3A, %get3A_0, %get3A_1] : memref<1x2x2000xf32, #tpu.memory_space<vmem>>, vector<1x1x2000xf32>
    %get3A_3 = vector.shape_cast %get3A_2 : vector<1x1x2000xf32> to vector<2000xf32>
    %get3A_4 = arith.constant 0 : index
    %get3A_5 = arith.constant 1 : index
    %get3A_6 = arith.constant 0 : index
    %get3A_7 = vector.load %arg3[%get3A_4, %get3A_5, %get3A_6] : memref<1x2x2000xf32, #tpu.memory_space<vmem>>, vector<1x1x2000xf32>
    %get3A_8 = vector.shape_cast %get3A_7 : vector<1x1x2000xf32> to vector<2000xf32>
    %add3A = arith.addf %get3A_3, %get3A_8 : vector<2000xf32>
    %add3A_9 = arith.constant 1.000000e+00 : f32
    %add3A_10 = vector.broadcast %add3A_9 : f32 to vector<2000xf32>
    %add3A_11 = arith.addf %add3A, %add3A_10 : vector<2000xf32>
    %rsqrt3A = math.rsqrt %add3A_11 : vector<2000xf32>
    %broadcast_in_dim3A = vector.shape_cast %rsqrt3A : vector<2000xf32> to vector<2000x1xf32>
    %get3A_12 = arith.constant 0 : index
    %get3A_13 = arith.constant 0 : index
    %get3A_14 = arith.constant 0 : index
    %get3A_15 = vector.load %arg1[%get3A_12, %get3A_13, %get3A_14] : memref<2x2000x128xf32, #tpu.memory_space<vmem>>, vector<1x2000x128xf32>
    %get3A_16 = vector.shape_cast %get3A_15 : vector<1x2000x128xf32> to vector<2000x128xf32>
    %get3A_17 = arith.constant 1 : index
    %get3A_18 = arith.constant 0 : index
    %get3A_19 = arith.constant 0 : index
    %get3A_20 = vector.load %arg1[%get3A_17, %get3A_18, %get3A_19] : memref<2x2000x128xf32, #tpu.memory_space<vmem>>, vector<1x2000x128xf32>
    %get3A_21 = vector.shape_cast %get3A_20 : vector<1x2000x128xf32> to vector<2000x128xf32>
    %add3A_22 = arith.addf %get3A_16, %get3A_21 : vector<2000x128xf32>
    %get3A_23 = arith.constant 0 : index
    %get3A_24 = arith.constant 0 : index
    %get3A_25 = vector.load %arg2[%get3A_23, %get3A_24] : memref<2000x128xf32, #tpu.memory_space<vmem>>, vector<2000x128xf32>
    %add3A_26 = arith.addf %add3A_22, %get3A_25 : vector<2000x128xf32>
    %mul3A = vector.broadcast %broadcast_in_dim3A : vector<2000x1xf32> to vector<2000x128xf32>
    %mul3A_27 = arith.mulf %mul3A, %add3A_26 : vector<2000x128xf32>
    %get3A_28 = arith.constant 0 : index
    %get3A_29 = vector.load %arg4[%get3A_28] : memref<128xf32, #tpu.memory_space<vmem>>, vector<128xf32>
    %broadcast_in_dim3A_30 = vector.shape_cast %get3A_29 : vector<128xf32> to vector<1x128xf32>
    %add3A_31 = vector.broadcast %broadcast_in_dim3A_30 : vector<1x128xf32> to vector<2000x128xf32>
    %add3A_32 = arith.addf %mul3A_27, %add3A_31 : vector<2000x128xf32>
    %slice3A = vector.extract_strided_slice %add3A_32 {offsets = [0, 0], sizes = [2000, 64], strides = [1, 1]} : vector<2000x128xf32> to vector<2000x64xf32>
    %swap3A = arith.constant 0 : index
    %swap3A_33 = arith.constant 0 : index
    %swap3A_34 = vector.load %arg5[%swap3A, %swap3A_33] : memref<2000x64xf32, #tpu.memory_space<vmem>>, vector<2000x64xf32>
    tpu.vector_store %arg5[%swap3A, %swap3A_33], %slice3A {strides = array<i32>} : memref<2000x64xf32, #tpu.memory_space<vmem>>, vector<2000x64xf32>,
    %slice3A_35 = vector.extract_strided_slice %add3A_32 {offsets = [0, 64], sizes = [2000, 64], strides = [1, 1]} : vector<2000x128xf32> to vector<2000x64xf32>
    %swap3A_36 = arith.constant 0 : index
    %swap3A_37 = arith.constant 0 : index
    %swap3A_38 = vector.load %arg6[%swap3A_36, %swap3A_37] : memref<2000x64xf32, #tpu.memory_space<vmem>>, vector<2000x64xf32>
    tpu.vector_store %arg6[%swap3A_36, %swap3A_37], %slice3A_35 {strides = array<i32>} : memref<2000x64xf32, #tpu.memory_space<vmem>>, vector<2000x64xf32>,
    return
  }
  func.func @transform_0(%arg0: i32) -> (i32, i32, i32) {
    %c0_i32 = arith.constant 0 : i32
    %c0_i32_0 = arith.constant 0 : i32
    %c0_i32_1 = arith.constant 0 : i32
    return %c0_i32, %arg0, %c0_i32_0 : i32, i32, i32
  }
  func.func @transform_1(%arg0: i32) -> (i32, i32) {
    %c0_i32 = arith.constant 0 : i32
    %c0_i32_0 = arith.constant 0 : i32
    return %arg0, %c0_i32 : i32, i32
  }
  func.func @transform_2(%arg0: i32) -> (i32, i32, i32) {
    %c0_i32 = arith.constant 0 : i32
    %c0_i32_0 = arith.constant 0 : i32
    %c0_i32_1 = arith.constant 0 : i32
    return %arg0, %c0_i32, %c0_i32_0 : i32, i32, i32
  }
  func.func @transform_3(%arg0: i32) -> i32 {
    %c0_i32 = arith.constant 0 : i32
    %c0_i32_0 = arith.constant 0 : i32
    return %c0_i32 : i32
  }
  func.func @transform_4(%arg0: i32) -> (i32, i32) {
    %c0_i32 = arith.constant 0 : i32
    %c0_i32_0 = arith.constant 0 : i32
    return %arg0, %c0_i32 : i32, i32
  }
  func.func @transform_5(%arg0: i32) -> (i32, i32) {
    %c0_i32 = arith.constant 0 : i32
    %c0_i32_0 = arith.constant 0 : i32
    return %arg0, %c0_i32 : i32, i32
  }
}

</mosaic_0001>

<sc_bundles>
// kernel: kernel.11.cloned.1.call-start
scs
__scs_entry_jumppad:
0x0: {  	(pc) =	sbr.rel $0x88, $3  }
0x1: {  	(tag) =	ssettag $0x0;
	lr =	simm.s32 $0x1  }
0x2: {  	[smem:$0x3F99] =	sst lr;
	_ =	strace $0xD0000000  }
0x3: {  	_ = 	snop  }
0x4: {  	_ = 	snop  }
0x5: {  	_ = 	snop  }
0x6: {  	_ = 	snop  }
0x7: {  	_ = 	snop  }
__scs_overlays_trampoline_lowered:
0x8: {  	[smem:$0x3FA8] =	sst s0  }
0x9: {  	[smem:$0x3FA9] =	sst s1  }
0xa: {  	[smem:$0x3FAA] =	sst s2  }
0xb: {  	[smem:$0x3FAB] =	sst s3  }
0xc: {  	[smem:$0x3FAC] =	sst s4  }
0xd: {  	[smem:$0x3FAD] =	sst s5  }
0xe: {  	[smem:$0x3FAE] =	sst s6  }
0xf: {  	[smem:$0x3FAF] =	sst s7  }
0x10: {  	[smem:$0x3FB0] =	sst s8  }
0x11: {  	[smem:$0x3FB1] =	sst s9;
	s0 =	simm.s32 @!p0 $0x0  }
0x12: {  	s1 =	sld [smem:$0x3F97];
	s0 =	simm.s32 @p0 $0x1  }
0x13: {  	[smem:$0x3FB2] =	sst s0;
	s0 =	simm.s32 @!p1 $0x0  }
0x14: {  	s2 =	sld [smem:$0x3F96];
	s0 =	simm.s32 @p1 $0x1  }
0x15: {  	[smem:$0x3FB3] =	sst s0;
	s0 =	simm.s32 @!p2 $0x0  }
0x16: {  	s3 =	sld [smem:$0x3FDB];
	s0 =	simm.s32 @p2 $0x1  }
0x17: {  	s4 =	simm.s32 $0x1BF5;
	[smem:$0x3FB5] =	sst s0  }
0x18: {  	s0 =	sld [smem:$0x3F98];
	_ =	swait.ge [sflag:s4], $0x0  }
0x19: {  	s7 =	sld [smem:$0x3F99]  }
0x1a: {  	s8 =	sadd.s32 $0xFFFFE003, lr  }
0x1b: {  	s9 =	sadd.s32 $0xFFFFFEF7, lr;
	s5 =	simm.s32 $0xFFFFFFFF;
	p2 =	slt.u32 s8, $0xFFFFF086  }
0x1c: {  	p1 =	slt.u32 s9, $0xF7A;
	s5 =	simm.s32 @!p2 $0x0  }
0x1d: {  	s5 =	simm.s32 @p1 $0x1;
	p0 =	seq.s32 s7, s2  }
0x1e: {  	s7 =	smul.u32 @!p0 $0xF7A, s2;
	p2 =	seq.s32 @!p0 s5, $0x0  }
0x1f: {  	s9 =	smul.u32 $0xF7A, s1;
	s8 =	simm.s32 @!p0 $0x1BF5;
	p2 =	por !p2, p0  }
0x20: {  	[sflag:s8] =	ssyncset.s32 @!p0 $0xFFFFF086;
	s6 =	sadd.s32 @!p0 s3, s7;
	s7 =	simm.s32 @!p0 $0x108  }
0x21: {  	s3 =	sadd.s32 s3, s9;
	s6 =	sadd.s32 @!p0 $0x88, s6;
	s7 =	simm.s32 @p2 $0x1082  }
0x22: {  	[simem:s7], [sflag:s8] =	dma.local @!p0 [hbm:s6], $0xF7A  }
0x23: {  	s9 =	sor.u32 $0xD0000000, s2;
	s6 =	simm.s32 $0x108;
	_ =	swait.ge @!p0 [sflag:s8], $0x0  }
0x24: {  	s3 =	sadd.s32 $0x88, s3;
	s6 =	simm.s32 @!p1 $0x1082;
	[sflag:s4] =	ssyncset.s32 $0xFFFFF086  }
0x25: {  	[simem:s6], [sflag:s4] =	dma.local [hbm:s3], $0xF7A  }
0x26: {  	[smem:$0x3F99] =	sst s1;
	(tag) =	ssettag s2;
	_ =	strace s9  }
0x27: {  	s1 =	sld [smem:$0x3FA9]  }
0x28: {  	s2 =	sld [smem:$0x3FAA]  }
0x29: {  	s4 =	sld [smem:$0x3FAC]  }
0x2a: {  	p0 =	seq.s32 s5, $0x0;
	s5 =	sld [smem:$0x3FAD]  }
0x2b: {  	s6 =	sld [smem:$0x3FAE]  }
0x2c: {  	s7 =	sld [smem:$0x3FAF]  }
0x2d: {  	s3 =	simm.s32 $0x108;
	s8 =	sld [smem:$0x3FB0]  }
0x2e: {  	s3 =	simm.s32 @!p0 $0x1082;
	s9 =	sld [smem:$0x3FB1]  }
0x2f: {  	lr =	sadd.s32 s0, s3;
	s0 =	sld [smem:$0x3FA8]  }
0x30: {  	s3 =	sld [smem:$0x3FAB]  }
0x31: {  	[smem:$0x3FB4] =	sst s10  }
0x32: {  	s10 =	sld [smem:$0x3FB2];
	_ =	sdelay $0x3  }
0x33: {  	p0 =	seq.s32 s10, $0x1;
	s10 =	sld [smem:$0x3FB4];
	_ =	sdelay $0x3  }
0x34: {  	[smem:$0x3FB4] =	sst s10  }
0x35: {  	s10 =	sld [smem:$0x3FB3];
	_ =	sdelay $0x3  }
0x36: {  	p1 =	seq.s32 s10, $0x1;
	s10 =	sld [smem:$0x3FB4];
	_ =	sdelay $0x3  }
0x37: {  	[smem:$0x3FB4] =	sst s10  }
0x38: {  	s10 =	sld [smem:$0x3FB5]  }
0x39: {  	_ = 	snop;
	(pc) =	sbr.ind lr, $3  }
0x3a: {  	_ = 	snop  }
0x3b: {  	_ = 	snop  }
0x3c: {  	p2 =	seq.s32 s10, $0x1;
	s10 =	sld [smem:$0x3FB4]  }
0x3d: {  	_ =	shalt  }
0x3e: {  	_ =	shalt  }
0x3f: {  	_ =	shalt  }
0x40: {  	_ =	shalt  }
0x41: {  	_ =	shalt  }
0x42: {  	_ =	shalt  }
0x43: {  	_ =	shalt  }
0x44: {  	_ =	shalt  }
0x45: {  	_ =	shalt  }
0x46: {  	_ =	shalt  }
0x47: {  	_ =	shalt  }
0x48: {  	_ =	shalt  }
0x49: {  	_ =	shalt  }
0x4a: {  	_ =	shalt  }
0x4b: {  	_ =	shalt  }
0x4c: {  	_ =	shalt  }
0x4d: {  	_ =	shalt  }
0x4e: {  	_ =	shalt  }
0x4f: {  	_ =	shalt  }
0x50: {  	_ =	shalt  }
0x51: {  	_ =	shalt  }
0x52: {  	_ =	shalt  }
0x53: {  	_ =	shalt  }
0x54: {  	_ =	shalt  }
0x55: {  	_ =	shalt  }
0x56: {  	_ =	shalt  }
0x57: {  	_ =	shalt  }
0x58: {  	_ =	shalt  }
0x59: {  	_ =	shalt  }
0x5a: {  	_ =	shalt  }
0x5b: {  	_ =	shalt  }
0x5c: {  	_ =	shalt  }
0x5d: {  	_ =	shalt  }
0x5e: {  	_ =	shalt  }
0x5f: {  	_ =	shalt  }
0x60: {  	_ =	shalt  }
0x61: {  	_ =	shalt  }
0x62: {  	_ =	shalt  }
0x63: {  	_ =	shalt  }
0x64: {  	_ =	shalt  }
0x65: {  	_ =	shalt  }
0x66: {  	_ =	shalt  }
0x67: {  	_ =	shalt  }
0x68: {  	_ =	shalt  }
0x69: {  	_ =	shalt  }
0x6a: {  	_ =	shalt  }
0x6b: {  	_ =	shalt  }
0x6c: {  	_ =	shalt  }
0x6d: {  	_ =	shalt  }
0x6e: {  	_ =	shalt  }
0x6f: {  	_ =	shalt  }
0x70: {  	_ =	shalt  }
0x71: {  	_ =	shalt  }
0x72: {  	_ =	shalt  }
0x73: {  	_ =	shalt  }
0x74: {  	_ =	shalt  }
0x75: {  	_ =	shalt  }
0x76: {  	_ =	shalt  }
0x77: {  	_ =	shalt  }
0x78: {  	_ =	shalt  }
0x79: {  	_ =	shalt  }
0x7a: {  	_ =	shalt  }
0x7b: {  	_ =	shalt  }
0x7c: {  	_ =	shalt  }
0x7d: {  	_ =	shalt  }
0x7e: {  	_ =	shalt  }
0x7f: {  	_ =	shalt  }
0x80: {  	_ =	shalt  }
0x81: {  	_ =	shalt  }
0x82: {  	_ =	shalt  }
0x83: {  	_ =	shalt  }
0x84: {  	_ =	shalt  }
0x85: {  	_ =	shalt  }
0x86: {  	_ =	shalt  }
0x87: {  	_ =	shalt  }
.Lfunc_end0:
.L_simem_size_0:
called_computation.1_lowered:
.L_overlay_start_0:
0x88: {  	s2 =	sld [smem:$0x3FD9]  }
0x89: {  	s3 =	sld [smem:$0x3FFE];
	_ =	sdelay $0x1  }
0x8a: {  	s1 =	srdreg.scid  }
0x8b: {  	s0 =	sand.u32 $0x1, s1  }
0x8c: {  	s16 =	sshll.u32 s0, $0xA;
	s2 =	sadd.s32 s3, s2  }
0x8d: {  	s2 =	sadd.s32 s2, s16  }
0x8e: {  	[smem:$0x3FC0] =	sst s2  }
0x8f: {  	_ = 	snop  }
0x90: {  	(tm) =	ssettm $0x1  }
0x91: {  	s17 =	sld [smem:$0x3FFB];
	_ =	sdelay $0x3  }
0x92: {  	_ =	strace s17  }
0x93: {  	s2 =	sld [smem:$0x3FFC];
	_ =	sdelay $0x3  }
0x94: {  	_ =	strace s2  }
0x95: {  	s2 =	sld [smem:$0x3FFD];
	_ =	sdelay $0x3  }
0x96: {  	_ =	strace s2  }
0x97: {  	_ =	strace $0x8FFFFFFF  }
0x98: {  	s18 =	sld [smem:$0x3FDB];
	_ =	sdelay $0x1  }
0x99: {  	s19 =	simm.s32 $_scs_section_size  }
0x9a: {  	s4 =	simm.s32 $_size__tile_overlayer_lowered;
	s5 =	simm.s32 $_tile_overlayer_lowered  }
0x9b: {  	s22 =	simm.s32 $0x1BFF;
	s21 =	sshll.u32 s5, $0x1;
	s2 =	sadd.s32 s19, s18  }
0x9c: {  	s6 =	simm.s32 $0x0;
	s20 =	sshll.u32 s4, $0x1;
	s4 =	sadd.s32 s21, s2  }
0x9d: {  	[timem:s6], [sflag:s22] =	dma.local [hbm:s4], s20  }
0x9e: {  	_ =	swait.ge [sflag:s22], s20  }
0x9f: {  	s3 =	ssub.s32 $0x0, s20;
	[sflag:s22] =	ssyncset.done $0x0  }
0xa0: {  	[sflag:s22] =	ssyncadd.s32 s3;
	_ =	sdelay $0x1  }
0xa1: {  	s23 =	simm.s32 $0x1B8B  }
0xa2: {  	_ =	swait.ge [sflag:s23], $0x1  }
0xa3: {  	[sflag:s23] =	ssyncset.done $0x0  }
0xa4: {  	s25 =	simm.s32 $0x1B8E;
	s24 =	sld [smem:$0x3FFE];
	[sflag:s23] =	ssyncadd.s32 $0xFFFFFFFF  }
0xa5: {  	s26 =	simm.s32 $execute0_lowered;
	[smem:$0x3FD2] =	sst s25  }
0xa6: {  	s4 =	sshll.u32 s26, $0x1;
	_ =	strace $0x80000049;
	[dreg:$0x1] =	wrdreg $0xFFFFFFFF  }
0xa7: {  	s28 =	simm.s32 $_size_execute0_lowered;
	s2 =	sadd.s32 s2, s4;
	[dreg:$0x0] =	wrdreg $0x0  }
0xa8: {  	s4 =	sshll.u32 s28, $0x1;
	[dreg:$0x2] =	wrdreg s2  }
0xa9: {  	[dreg:$0x3] =	wrdreg s4  }
0xaa: {  	[dreg:$0x4] =	wrdreg $0xC0  }
0xab: {  	_ =	task [dreg:s6], $0x5FFFF  }
0xac: {  	[dreg:$0x1] =	wrdreg $0xFFFFFFFF  }
0xad: {  	[dreg:$0x0] =	wrdreg $0x60  }
0xae: {  	[dreg:$0x2] =	wrdreg s24  }
0xaf: {  	[dreg:$0x3] =	wrdreg $0x98000  }
0xb0: {  	[dreg:$0x4] =	wrdreg $0x9  }
0xb1: {  	_ =	task.clear_ibuf [dreg:s6], $0x5FFFF;
	_ =	strace $0x90000049  }
0xb2: {  	s29 =	simm.s32 $0x9;
	_ =	strace $0x8000004B  }
0xb3: {  	_ =	swait.ge [sflag:s29], $0x1  }
0xb4: {  	[sflag:s29] =	ssyncadd.s32 $0xFFFFFFFF  }
0xb5: {  	_ =	strace $0x9000004B  }
0xb6: {  	_ =	sfence  }
0xb7: {  	s30 =	sld [smem:$0x0];
	_ =	sdelay $0x2  }
0xb8: {  	s31 =	sshll.u32 s1, $0xD;
	s1 =	sshrl.u32 s1, $0x2  }
0xb9: {  	s3 =	sand.u32 $0x4000, s31;
	s1 =	sadd.s32 s1, s30  }
0xba: {  	s0 =	sor.u32 s3, s0;
	s1 =	sshll.u32 s1, $0x11  }
0xbb: {  	s0 =	sor.u32 s1, s0  }
0xbc: {  	s0 =	sadd.s32 $0x8F2B, s0  }
0xbd: {  	[sflag:s0] =	ssyncadd.remote.s32 $0x1  }
0xbe: {  	_ =	sfence.sel $0xFFFF  }
0xbf: {  	[dreg:$0x0] =	wrdreg $0xFFFFFFFF;
	(pc) =	sbr.abs _section_cstart, $3  }
0xc0: {  	[dreg:$0x1] =	wrdreg $0xFFFFFFFF  }
0xc1: {  	_ =	task.clear_ibuf [dreg:s6], $0x2FFFF;
	_ =	strace $0x9FFFFFFF  }
0xc2: {  	(tm) =	ssettm $0x7FFFFFFF  }
0xc3: {  	_ =	shalt  }
tec
execute0_lowered:
.L_overlay_start_1:
0x0: {  	(tag) =	ssettag $0x1  }
0x1: {  	s0 =	rddreg [dreg:$0x0]  }
0x2: {  	s2 =	rddreg [dreg:$0x1];
	s12 =	stileid.u32;
	s3 =	simm.s32 $0x0  }
0x3: {  	s4 =	srdreg.scid;
	s28 =	simm.s32 $0x9;
	s29 =	simm.s32 $0x680  }
0x4: {  	s30 =	simm.s32 $0x800;
	s31 =	simm.s32 $0xE;
	s1 =	smul.u32 $0x13C00, s12  }
0x5: {  	[smem:$0x7FF] =	sst s3;
	s5 =	sand.u32 $0x1, s4;
	s4 =	sadd.s32 $0x1CA00, s0  }
0x6: {  	s8 =	sadd.s32 $0x2600, s0;
	s26 =	smul.u32 $0x4F000, s12;
	s9 =	sshll.u32 s12, $0x1  }
0x7: {  	s15 =	smul.u32 $0xD200, s12;
	s16 =	sshll.u32 s12, $0x6;
	_ =	strace $0x8000004A  }
0x8: {  	s7 =	smul.u32 $0x13C000, s5;
	s10 =	ssub.s32 $0x2, s5;
	s9 =	sor.u32 s5, s9  }
0x9: {  	s5 =	smul.u32 $0x6900, s5;
	s6 =	sshrl.u32 s1, $0x3;
	s11 =	sshrl.u32 s10, $0x1  }
0xa: {  	s9 =	smul.u32 $0x6900, s9;
	s6 =	sadd.s32 s6, s0;
	s1 =	sadd.s32 s1, s7  }
0xb: {  	s7 =	sshrl.u32 s26, $0x2;
	s10 =	ssub.s32 s10, s11;
	s5 =	sadd.s32 s5, s15  }
0xc: {  	s1 =	sshrl.u32 s1, $0x3;
	s13 =	sadd.s32 s7, s2;
	s6 =	sadd.s32 $0x43C00, s6  }
0xd: {  	s14 =	sshrl.u32 s9, $0x3;
	s7 =	sor.u32 $0x1C0F, s16;
	s21 =	smax.u32 s10, $0x1  }
0xe: {  	s22 =	sadd.s32 $0x500, s5;
	s23 =	sadd.s32 $0x700, s5;
	s5 =	sadd.s32 $0x600, s5  }
0xf: {  	s0 =	sadd.s32 s1, s0;
	[dreg:$0x3] =	wrdreg s6;
	s6 =	sadd.s32 s8, s14  }
0x10: {  	[dreg:$0x9] =	wrdreg s21;
	s24 =	sshrl.u32 s23, $0x3;
	s25 =	sshrl.u32 s5, $0x3  }
0x11: {  	s23 =	simm.s32 $0x1;
	s1 =	simm.s32 $0xA;
	s17 =	sadd.s32 $0x20, s6  }
0x12: {  	s21 =	simm.s32 $0xC;
	s18 =	sadd.s32 $0x40, s6;
	[dreg:$0x4] =	wrdreg s17  }
0x13: {  	s5 =	simm.s32 $0x0;
	s19 =	sadd.s32 $0x60, s6;
	[dreg:$0x5] =	wrdreg s18  }
0x14: {  	s20 =	sadd.s32 $0x80, s6;
	s0 =	sadd.s32 $0x6B400, s0;
	[dreg:$0x6] =	wrdreg s19  }
0x15: {  	s26 =	sadd.s32 s25, s8;
	s25 =	simm.s32 $0x2;
	[dreg:$0x7] =	wrdreg s20  }
.Ltmp0:
0x16: {  	[dreg:$0x8] =	wrdreg s0;
	s0 =	sshrl.u32 s22, $0x3;
	(pc) =	sbr.rel .LBB2_1-.Ltmp0, $4  }
0x17: {  	[dreg:$0xc] =	wrdreg s26;
	s17 =	sshrl.u32 s13, $0x3;
	s18 =	simm.s32 $0xF  }
0x18: {  	s26 =	simm.s32 $0x3800;
	s20 =	simm.s32 $0xB;
	s0 =	sadd.s32 s0, s8  }
0x19: {  	s22 =	simm.s32 $0xD;
	[dreg:$0xa] =	wrdreg s0;
	s0 =	sadd.s32 s24, s8  }
0x1a: {  	s24 =	simm.s32 $0x60;
	[dreg:$0xb] =	wrdreg s0;
	s0 =	simm.s32 $0x6800  }
.LBB2_10:
0x1b: {  	s8 =	simm.s32 $0x780  }
0x1c: {  	[spmem:s2] =	stream.indirect.scatter.add.f32 [tilespmem:s26], [sflag:$0xF], $0x80, s8, s24, $0xb8;
	[tilespmem:$0x1D400] =	vst v63  }
0x1d: {  	_ =	swait.ge [sflag:s18], $0x3000  }
0x1e: {  	[sflag:s18] =	ssyncset.done $0x0  }
0x1f: {  	[sflag:s18] =	ssyncadd.s32 $0xFFFFD000  }
0x20: {  	_ =	swait.ge [sflag:s20], $0x3000  }
0x21: {  	[sflag:s20] =	ssyncset.done $0x0  }
0x22: {  	s19 =	simm.s32 $0x80;
	[sflag:s20] =	ssyncadd.s32 $0xFFFFD000  }
0x23: {  	[spmem:s2] =	stream.indirect.scatter.add.f32 [tilespmem:s0], [sflag:$0xF], $0x80, s19, s24, $0xb8;
	[tilespmem:$0x1D400] =	vst v63  }
0x24: {  	_ =	swait.ge [sflag:s18], $0x3000  }
0x25: {  	[sflag:s18] =	ssyncset.done $0x0  }
0x26: {  	[sflag:s18] =	ssyncadd.s32 $0xFFFFD000  }
.LBB2_8:
0x27: {  	[bflag:$0x0] =	sbarrier.arrive $0xFFFF  }
0x28: {  	s8 =	rddreg [dreg:$0x8]  }
0x29: {  	[hbm:s8], [sflag:s7] =	dma.local [spmem:s17], $0x2780  }
0x2a: {  	_ =	swait.ge [sflag:s18], $0x2780  }
0x2b: {  	s5 =	sadd.s32 $0x1, s5;
	s19 =	rddreg [dreg:$0x9]  }
0x2c: {  	p0 =	sne.s32 s5, s19  }
.Ltmp1:
0x2d: {  	_ = 	snop;
	(pc) =	sbr.rel @!p0 .LBB2_9-.Ltmp1, $3  }
0x2e: {  	_ =	sdelay $0x1  }
0x2f: {  	[sflag:s18] =	ssyncset.done $0x0  }
0x30: {  	[sflag:s18] =	ssyncadd.s32 $0xFFFFD880  }
.LBB2_1:
0x31: {  	s8 =	rddreg [dreg:$0x3]  }
0x32: {  	[spmem:s17], [sflag:s7] =	dma.local [hbm:s8], $0x2780  }
0x33: {  	_ =	swait.ge [sflag:s18], $0x2780  }
0x34: {  	[sflag:s18] =	ssyncset.done $0x0  }
0x35: {  	[sflag:s18] =	ssyncadd.s32 $0xFFFFD880  }
0x36: {  	[tilespmem:s3], [sflag:$0x1] =	stream.linear.gather [hbm4b:s6+s3], $0x100, $0x38;
	[tilespmem:$0x1D400] =	vst v63  }
0x37: {  	s9 =	simm.s32 $0x100;
	s12 =	rddreg [dreg:$0x4]  }
0x38: {  	[tilespmem:s9], [sflag:$0x2] =	stream.linear.gather [hbm4b:s12+s3], $0x100, $0x38;
	[tilespmem:$0x1D400] =	vst v63  }
0x39: {  	s10 =	simm.s32 $0x200;
	s13 =	rddreg [dreg:$0x5]  }
0x3a: {  	[tilespmem:s10], [sflag:$0x3] =	stream.linear.gather [hbm4b:s13+s3], $0x100, $0x38;
	[tilespmem:$0x1D400] =	vst v63  }
0x3b: {  	s15 =	simm.s32 $0x300;
	s14 =	rddreg [dreg:$0x6]  }
0x3c: {  	[tilespmem:s15], [sflag:$0x4] =	stream.linear.gather [hbm4b:s14+s3], $0x100, $0x38;
	[tilespmem:$0x1D400] =	vst v63  }
0x3d: {  	s19 =	simm.s32 $0x400;
	s16 =	rddreg [dreg:$0x7]  }
0x3e: {  	[tilespmem:s19], [sflag:$0x5] =	stream.linear.gather [hbm4b:s16+s3], $0x100, $0x38;
	[tilespmem:$0x1D400] =	vst v63  }
0x3f: {  	_ =	swait.ge [sflag:s23], $0x100  }
0x40: {  	[sflag:s23] =	ssyncset.done $0x0  }
0x41: {  	[sflag:s23] =	ssyncadd.s32 $0xFFFFFF00  }
0x42: {  	[tilespmem:s30], [sflag:$0x9] =	stream.indirect.gather [hbm4b:s4+s24], $0x80, s3, s24, $0xb8;
	[tilespmem:$0x1D400] =	vst v63  }
0x43: {  	_ =	swait.ge [sflag:s25], $0x100  }
0x44: {  	[sflag:s25] =	ssyncset.done $0x0  }
0x45: {  	[sflag:s25] =	ssyncadd.s32 $0xFFFFFF00  }
0x46: {  	[tilespmem:s26], [sflag:$0xA] =	stream.indirect.gather [hbm4b:s4+s24], $0x80, s9, s24, $0xb8;
	[tilespmem:$0x1D400] =	vst v63  }
0x47: {  	[bflag:$0x0] =	sbarrier.arrive $0xFFFF  }
0x48: {  	s16 =	rddreg [dreg:$0xc]  }
0x49: {  	s11 =	simm.s32 $0x800;
	s15 =	rddreg [dreg:$0xb]  }
0x4a: {  	s12 =	simm.s32 $0x0;
	s13 =	simm.s32 $0x0;
	s14 =	rddreg [dreg:$0xa]  }
.LBB2_2:
0x4b: {  	p0 =	sne.s32 s13, $0x66  }
.Ltmp2:
0x4c: {  	_ = 	snop;
	(pc) =	sbr.rel @p0 .LBB2_4-.Ltmp2, $4  }
0x4d: {  	_ = 	snop  }
0x4e: {  	_ =	swait.ge [sflag:s28], $0x3000  }
0x4f: {  	[sflag:s28] =	ssyncset.done $0x0  }
0x50: {  	[sflag:s28] =	ssyncadd.s32 $0xFFFFD000  }
.Ltmp3:
0x51: {  	(pc) =	sbr.rel .LBB2_5-.Ltmp3, $4  }
0x52: {  	[spmem:s2] =	stream.indirect.scatter.add.f32 [tilespmem:s30], [sflag:$0xF], $0x80, s29, s24, $0xb8;
	[tilespmem:$0x1D400] =	vst v63  }
0x53: {  	_ =	swait.ge [sflag:s18], $0x3000  }
0x54: {  	[sflag:s18] =	ssyncset.done $0x0  }
0x55: {  	s10 =	simm.s32 $0x68;
	[sflag:s18] =	ssyncadd.s32 $0xFFFFD000  }
.LBB2_4:
0x56: {  	s10 =	sadd.s32 $0xFFFFF800, s11  }
0x57: {  	s10 =	sand.u32 $0x1C00, s10  }
0x58: {  	s10 =	sshrl.u32 s10, $0x2  }
0x59: {  	p0 =	seq.s32 s13, $0x0;
	s10 =	sor.u32 $0x80, s10  }
0x5a: {  	[spmem:s2] =	stream.indirect.scatter.add.f32 [tilespmem:s30], [sflag:$0xC], $0x80, s10, s24, $0xb8;
	[tilespmem:$0x1D400] =	vst v63  }
.Ltmp4:
0x5b: {  	s19 =	sadd.s32 $0x5, s13;
	(pc) =	sbr.rel @p0 .LBB2_6-.Ltmp4, $4  }
0x5c: {  	s10 =	sand.u32 $0x7, s19  }
0x5d: {  	s19 =	sshll.u32 s10, $0x8;
	s10 =	sadd.s32 $0x1, s10  }
0x5e: {  	[tilespmem:s19], [sflag:s10] =	stream.linear.gather [hbm4b:s14+s3], $0x100, $0x38;
	[tilespmem:$0x1D400] =	vst v63  }
0x5f: {  	s10 =	sadd.s32 $0x2, s13  }
.LBB2_5:
0x60: {  	_ =	swait.ge [sflag:s31], $0x3000  }
0x61: {  	[sflag:s31] =	ssyncset.done $0x0  }
0x62: {  	[sflag:s31] =	ssyncadd.s32 $0xFFFFD000  }
.LBB2_6:
0x63: {  	s10 =	sand.u32 $0x7, s10  }
0x64: {  	s19 =	sadd.s32 $0x1, s10  }
0x65: {  	_ =	swait.ge [sflag:s19], $0x100  }
0x66: {  	p0 =	seq.s32 s13, $0x66;
	[sflag:s19] =	ssyncset.done $0x0  }
.Ltmp5:
0x67: {  	s10 =	sshll.u32 s10, $0x8;
	[sflag:s19] =	ssyncadd.s32 $0xFFFFFF00;
	(pc) =	sbr.rel @p0 .LBB2_10-.Ltmp5, $4  }
0x68: {  	[tilespmem:s0], [sflag:$0xB] =	stream.indirect.gather [hbm4b:s4+s24], $0x80, s10, s24, $0xb8;
	[tilespmem:$0x1D400] =	vst v63  }
0x69: {  	_ =	swait.ge [sflag:s1], $0x3000  }
0x6a: {  	[sflag:s1] =	ssyncset.done $0x0  }
0x6b: {  	[sflag:s1] =	ssyncadd.s32 $0xFFFFD000  }
0x6c: {  	s10 =	sadd.s32 $0xFFFFFC00, s11  }
0x6d: {  	s10 =	sand.u32 $0x1C00, s10  }
0x6e: {  	s10 =	sshrl.u32 s10, $0x2  }
0x6f: {  	p0 =	sgt.u32 s12, $0x20;
	s10 =	sor.u32 $0x80, s10  }
0x70: {  	[spmem:s2] =	stream.indirect.scatter.add.f32 [tilespmem:s26], [sflag:$0xD], $0x80, s10, s24, $0xb8;
	[tilespmem:$0x1D400] =	vst v63  }
0x71: {  	s10 =	sadd.s32 @!p0 $0x6, s13  }
0x72: {  	s10 =	sand.u32 @!p0 $0x7, s10  }
0x73: {  	s9 =	simm.s32 @!p0 $0x0;
	s19 =	sshll.u32 @!p0 s10, $0x8;
	s10 =	sadd.s32 @!p0 $0x1, s10  }
0x74: {  	[tilespmem:s19], [sflag:s10] =	stream.linear.gather @!p0 [hbm4b:s16+s9], $0x100, $0x38;
	[tilespmem:$0x1D400] =	vst v63  }
0x75: {  	s10 =	sadd.s32 $0x3, s13;
	_ =	swait.ge [sflag:s21], $0x3000  }
0x76: {  	s19 =	sand.u32 $0x7, s10;
	[sflag:s21] =	ssyncset.done $0x0  }
0x77: {  	s8 =	sadd.s32 $0x1, s19;
	[sflag:s21] =	ssyncadd.s32 $0xFFFFD000  }
0x78: {  	_ =	swait.ge [sflag:s8], $0x100  }
0x79: {  	[sflag:s8] =	ssyncset.done $0x0  }
0x7a: {  	s19 =	sshll.u32 s19, $0x8;
	[sflag:s8] =	ssyncadd.s32 $0xFFFFFF00  }
0x7b: {  	[tilespmem:s30], [sflag:$0x9] =	stream.indirect.gather [hbm4b:s4+s24], $0x80, s19, s24, $0xb8;
	[tilespmem:$0x1D400] =	vst v63  }
0x7c: {  	s19 =	sand.u32 $0x1C00, s11;
	_ =	swait.ge [sflag:s20], $0x3000  }
0x7d: {  	s8 =	sshrl.u32 s19, $0x2;
	[sflag:s20] =	ssyncset.done $0x0  }
0x7e: {  	s8 =	sor.u32 $0x80, s8;
	[sflag:s20] =	ssyncadd.s32 $0xFFFFD000  }
0x7f: {  	[spmem:s2] =	stream.indirect.scatter.add.f32 [tilespmem:s0], [sflag:$0xE], $0x80, s8, s24, $0xb8;
	[tilespmem:$0x1D400] =	vst v63  }
0x80: {  	s8 =	sadd.s32 @!p0 $0xFFFFFFFF, s13  }
0x81: {  	s8 =	sand.u32 @!p0 $0x7, s8  }
0x82: {  	s12 =	sadd.s32 $0x1, s12;
	s19 =	sshll.u32 @!p0 s8, $0x8;
	s8 =	sadd.s32 @!p0 $0x1, s8  }
0x83: {  	[tilespmem:s19], [sflag:s8] =	stream.linear.gather @!p0 [hbm4b:s15+s9], $0x100, $0x38;
	[tilespmem:$0x1D400] =	vst v63  }
0x84: {  	s14 =	sadd.s32 $0x60, s14;
	s13 =	sand.u32 $0x7, s13;
	_ =	swait.ge [sflag:s22], $0x3000  }
0x85: {  	s8 =	sxor.u32 $0x4, s13;
	p0 =	sne.s32 s10, $0x69;
	[sflag:s22] =	ssyncset.done $0x0  }
.Ltmp6:
0x86: {  	s19 =	sadd.s32 $0x1, s8;
	[sflag:s22] =	ssyncadd.s32 $0xFFFFD000;
	(pc) =	sbr.rel @p0 .LBB2_2-.Ltmp6, $4  }
.Ltmp7:
0x87: {  	s16 =	sadd.s32 $0x60, s16;
	_ =	swait.ge [sflag:s19], $0x100;
	(pc) =	sbr.rel @!p0 .LBB2_8-.Ltmp7, $4  }
0x88: {  	s11 =	sadd.s32 $0xC00, s11;
	s15 =	sadd.s32 $0x60, s15;
	[sflag:s19] =	ssyncset.done $0x0  }
0x89: {  	s13 =	smov.u32 s10;
	s8 =	sshll.u32 s8, $0x8;
	[sflag:s19] =	ssyncadd.s32 $0xFFFFFF00  }
0x8a: {  	[tilespmem:s26], [sflag:$0xA] =	stream.indirect.gather [hbm4b:s4+s24], $0x80, s8, s24, $0xb8;
	[tilespmem:$0x1D400] =	vst v63  }
0x8b: {  	_ = 	snop  }
.LBB2_9:
0x8c: {  	_ =	sfence.sel $0x180000  }
0x8d: {  	[bflag:$0x0] =	sbarrier.arrive $0xFFFF  }
0x8e: {  	_ =	strace $0x9000004A  }
0x8f: {  	s0 =	stileid.u32;
	[bflag:$0x2] =	sbarrier.arrive $0xFFFF  }
0x90: {  	p0 =	sne.s32 s0, $0x0;
	s0 =	rddreg [dreg:$0x2]  }
0x91: {  	s0 =	sadd.s32 @!p0 $0x100000, s0  }
0x92: {  	[sflag:s0] =	ssyncadd.tile.s32 @!p0 $0x1;
	_ =	shalt  }
.Lfunc_end2:
_tile_overlayer_lowered:
.L_overlay_start_2:
0x93: {  	(tag) =	ssettag $0x2  }
0x94: {  	s0 =	rddreg [dreg:$0x0];
	s2 =	stileid.u32  }
0x95: {  	s1 =	rddreg [dreg:$0x1];
	p0 =	sne.s32 s2, $0x0  }
0x96: {  	s3 =	rddreg [dreg:$0x2];
	[bflag:$0x3] =	sbarrier.arrive $0xFFFF;
	s2 =	simm.s32 @!p0 $0x1C0F  }
0x97: {  	[timem:s3], [sflag:s2] =	dma.local @!p0 [hbm:s0], s1  }
0x98: {  	s0 =	simm.s32 @!p0 $0xF  }
0x99: {  	_ =	swait.ge @!p0 [sflag:s0], s1  }
0x9a: {  	s1 =	ssub.s32 @!p0 $0x0, s1;
	[sflag:s0] =	ssyncset.done @!p0 $0x0  }
0x9b: {  	[sflag:s0] =	ssyncadd.s32 @!p0 s1  }
0x9c: {  	[bflag:$0x3] =	sbarrier.arrive $0xFFFF  }
0x9d: {  	_ =	shalt  }

// kernel: kernel.14.cloned.1.call-start
scs
__scs_entry_jumppad:
0x0: {  	(pc) =	sbr.rel $0x88, $3  }
0x1: {  	(tag) =	ssettag $0x0;
	lr =	simm.s32 $0x1  }
0x2: {  	[smem:$0x3F99] =	sst lr;
	_ =	strace $0xD0000000  }
0x3: {  	_ = 	snop  }
0x4: {  	_ = 	snop  }
0x5: {  	_ = 	snop  }
0x6: {  	_ = 	snop  }
0x7: {  	_ = 	snop  }
__scs_overlays_trampoline_lowered:
0x8: {  	[smem:$0x3FA8] =	sst s0  }
0x9: {  	[smem:$0x3FA9] =	sst s1  }
0xa: {  	[smem:$0x3FAA] =	sst s2  }
0xb: {  	[smem:$0x3FAB] =	sst s3  }
0xc: {  	[smem:$0x3FAC] =	sst s4  }
0xd: {  	[smem:$0x3FAD] =	sst s5  }
0xe: {  	[smem:$0x3FAE] =	sst s6  }
0xf: {  	[smem:$0x3FAF] =	sst s7  }
0x10: {  	[smem:$0x3FB0] =	sst s8  }
0x11: {  	[smem:$0x3FB1] =	sst s9;
	s0 =	simm.s32 @!p0 $0x0  }
0x12: {  	s1 =	sld [smem:$0x3F97];
	s0 =	simm.s32 @p0 $0x1  }
0x13: {  	[smem:$0x3FB2] =	sst s0;
	s0 =	simm.s32 @!p1 $0x0  }
0x14: {  	s2 =	sld [smem:$0x3F96];
	s0 =	simm.s32 @p1 $0x1  }
0x15: {  	[smem:$0x3FB3] =	sst s0;
	s0 =	simm.s32 @!p2 $0x0  }
0x16: {  	s3 =	sld [smem:$0x3FDB];
	s0 =	simm.s32 @p2 $0x1  }
0x17: {  	s4 =	simm.s32 $0x1BF5;
	[smem:$0x3FB5] =	sst s0  }
0x18: {  	s0 =	sld [smem:$0x3F98];
	_ =	swait.ge [sflag:s4], $0x0  }
0x19: {  	s7 =	sld [smem:$0x3F99]  }
0x1a: {  	s8 =	sadd.s32 $0xFFFFE003, lr  }
0x1b: {  	s9 =	sadd.s32 $0xFFFFFEF7, lr;
	s5 =	simm.s32 $0xFFFFFFFF;
	p2 =	slt.u32 s8, $0xFFFFF086  }
0x1c: {  	p1 =	slt.u32 s9, $0xF7A;
	s5 =	simm.s32 @!p2 $0x0  }
0x1d: {  	s5 =	simm.s32 @p1 $0x1;
	p0 =	seq.s32 s7, s2  }
0x1e: {  	s7 =	smul.u32 @!p0 $0xF7A, s2;
	p2 =	seq.s32 @!p0 s5, $0x0  }
0x1f: {  	s9 =	smul.u32 $0xF7A, s1;
	s8 =	simm.s32 @!p0 $0x1BF5;
	p2 =	por !p2, p0  }
0x20: {  	[sflag:s8] =	ssyncset.s32 @!p0 $0xFFFFF086;
	s6 =	sadd.s32 @!p0 s3, s7;
	s7 =	simm.s32 @!p0 $0x108  }
0x21: {  	s3 =	sadd.s32 s3, s9;
	s6 =	sadd.s32 @!p0 $0x88, s6;
	s7 =	simm.s32 @p2 $0x1082  }
0x22: {  	[simem:s7], [sflag:s8] =	dma.local @!p0 [hbm:s6], $0xF7A  }
0x23: {  	s9 =	sor.u32 $0xD0000000, s2;
	s6 =	simm.s32 $0x108;
	_ =	swait.ge @!p0 [sflag:s8], $0x0  }
0x24: {  	s3 =	sadd.s32 $0x88, s3;
	s6 =	simm.s32 @!p1 $0x1082;
	[sflag:s4] =	ssyncset.s32 $0xFFFFF086  }
0x25: {  	[simem:s6], [sflag:s4] =	dma.local [hbm:s3], $0xF7A  }
0x26: {  	[smem:$0x3F99] =	sst s1;
	(tag) =	ssettag s2;
	_ =	strace s9  }
0x27: {  	s1 =	sld [smem:$0x3FA9]  }
0x28: {  	s2 =	sld [smem:$0x3FAA]  }
0x29: {  	s4 =	sld [smem:$0x3FAC]  }
0x2a: {  	p0 =	seq.s32 s5, $0x0;
	s5 =	sld [smem:$0x3FAD]  }
0x2b: {  	s6 =	sld [smem:$0x3FAE]  }
0x2c: {  	s7 =	sld [smem:$0x3FAF]  }
0x2d: {  	s3 =	simm.s32 $0x108;
	s8 =	sld [smem:$0x3FB0]  }
0x2e: {  	s3 =	simm.s32 @!p0 $0x1082;
	s9 =	sld [smem:$0x3FB1]  }
0x2f: {  	lr =	sadd.s32 s0, s3;
	s0 =	sld [smem:$0x3FA8]  }
0x30: {  	s3 =	sld [smem:$0x3FAB]  }
0x31: {  	[smem:$0x3FB4] =	sst s10  }
0x32: {  	s10 =	sld [smem:$0x3FB2];
	_ =	sdelay $0x3  }
0x33: {  	p0 =	seq.s32 s10, $0x1;
	s10 =	sld [smem:$0x3FB4];
	_ =	sdelay $0x3  }
0x34: {  	[smem:$0x3FB4] =	sst s10  }
0x35: {  	s10 =	sld [smem:$0x3FB3];
	_ =	sdelay $0x3  }
0x36: {  	p1 =	seq.s32 s10, $0x1;
	s10 =	sld [smem:$0x3FB4];
	_ =	sdelay $0x3  }
0x37: {  	[smem:$0x3FB4] =	sst s10  }
0x38: {  	s10 =	sld [smem:$0x3FB5]  }
0x39: {  	_ = 	snop;
	(pc) =	sbr.ind lr, $3  }
0x3a: {  	_ = 	snop  }
0x3b: {  	_ = 	snop  }
0x3c: {  	p2 =	seq.s32 s10, $0x1;
	s10 =	sld [smem:$0x3FB4]  }
0x3d: {  	_ =	shalt  }
0x3e: {  	_ =	shalt  }
0x3f: {  	_ =	shalt  }
0x40: {  	_ =	shalt  }
0x41: {  	_ =	shalt  }
0x42: {  	_ =	shalt  }
0x43: {  	_ =	shalt  }
0x44: {  	_ =	shalt  }
0x45: {  	_ =	shalt  }
0x46: {  	_ =	shalt  }
0x47: {  	_ =	shalt  }
0x48: {  	_ =	shalt  }
0x49: {  	_ =	shalt  }
0x4a: {  	_ =	shalt  }
0x4b: {  	_ =	shalt  }
0x4c: {  	_ =	shalt  }
0x4d: {  	_ =	shalt  }
0x4e: {  	_ =	shalt  }
0x4f: {  	_ =	shalt  }
0x50: {  	_ =	shalt  }
0x51: {  	_ =	shalt  }
0x52: {  	_ =	shalt  }
0x53: {  	_ =	shalt  }
0x54: {  	_ =	shalt  }
0x55: {  	_ =	shalt  }
0x56: {  	_ =	shalt  }
0x57: {  	_ =	shalt  }
0x58: {  	_ =	shalt  }
0x59: {  	_ =	shalt  }
0x5a: {  	_ =	shalt  }
0x5b: {  	_ =	shalt  }
0x5c: {  	_ =	shalt  }
0x5d: {  	_ =	shalt  }
0x5e: {  	_ =	shalt  }
0x5f: {  	_ =	shalt  }
0x60: {  	_ =	shalt  }
0x61: {  	_ =	shalt  }
0x62: {  	_ =	shalt  }
0x63: {  	_ =	shalt  }
0x64: {  	_ =	shalt  }
0x65: {  	_ =	shalt  }
0x66: {  	_ =	shalt  }
0x67: {  	_ =	shalt  }
0x68: {  	_ =	shalt  }
0x69: {  	_ =	shalt  }
0x6a: {  	_ =	shalt  }
0x6b: {  	_ =	shalt  }
0x6c: {  	_ =	shalt  }
0x6d: {  	_ =	shalt  }
0x6e: {  	_ =	shalt  }
0x6f: {  	_ =	shalt  }
0x70: {  	_ =	shalt  }
0x71: {  	_ =	shalt  }
0x72: {  	_ =	shalt  }
0x73: {  	_ =	shalt  }
0x74: {  	_ =	shalt  }
0x75: {  	_ =	shalt  }
0x76: {  	_ =	shalt  }
0x77: {  	_ =	shalt  }
0x78: {  	_ =	shalt  }
0x79: {  	_ =	shalt  }
0x7a: {  	_ =	shalt  }
0x7b: {  	_ =	shalt  }
0x7c: {  	_ =	shalt  }
0x7d: {  	_ =	shalt  }
0x7e: {  	_ =	shalt  }
0x7f: {  	_ =	shalt  }
0x80: {  	_ =	shalt  }
0x81: {  	_ =	shalt  }
0x82: {  	_ =	shalt  }
0x83: {  	_ =	shalt  }
0x84: {  	_ =	shalt  }
0x85: {  	_ =	shalt  }
0x86: {  	_ =	shalt  }
0x87: {  	_ =	shalt  }
.Lfunc_end0:
.L_simem_size_0:
called_computation.2_lowered:
.L_overlay_start_0:
0x88: {  	s2 =	sld [smem:$0x3FD9]  }
0x89: {  	s3 =	sld [smem:$0x3FFE];
	_ =	sdelay $0x1  }
0x8a: {  	s1 =	srdreg.scid  }
0x8b: {  	s0 =	sand.u32 $0x1, s1  }
0x8c: {  	s16 =	sshll.u32 s0, $0xA;
	s2 =	sadd.s32 s3, s2  }
0x8d: {  	s2 =	sadd.s32 s2, s16  }
0x8e: {  	[smem:$0x3FC0] =	sst s2  }
0x8f: {  	_ = 	snop  }
0x90: {  	(tm) =	ssettm $0x1  }
0x91: {  	s17 =	sld [smem:$0x3FFB];
	_ =	sdelay $0x3  }
0x92: {  	_ =	strace s17  }
0x93: {  	s2 =	sld [smem:$0x3FFC];
	_ =	sdelay $0x3  }
0x94: {  	_ =	strace s2  }
0x95: {  	s2 =	sld [smem:$0x3FFD];
	_ =	sdelay $0x3  }
0x96: {  	_ =	strace s2  }
0x97: {  	_ =	strace $0x8FFFFFFF  }
0x98: {  	s18 =	sld [smem:$0x3FDB];
	_ =	sdelay $0x1  }
0x99: {  	s19 =	simm.s32 $_scs_section_size  }
0x9a: {  	s4 =	simm.s32 $_size__tile_overlayer_lowered;
	s5 =	simm.s32 $_tile_overlayer_lowered  }
0x9b: {  	s22 =	simm.s32 $0x1BFF;
	s21 =	sshll.u32 s5, $0x1;
	s2 =	sadd.s32 s19, s18  }
0x9c: {  	s6 =	simm.s32 $0x0;
	s20 =	sshll.u32 s4, $0x1;
	s4 =	sadd.s32 s21, s2  }
0x9d: {  	[timem:s6], [sflag:s22] =	dma.local [hbm:s4], s20  }
0x9e: {  	_ =	swait.ge [sflag:s22], s20  }
0x9f: {  	s3 =	ssub.s32 $0x0, s20;
	[sflag:s22] =	ssyncset.done $0x0  }
0xa0: {  	[sflag:s22] =	ssyncadd.s32 s3;
	_ =	sdelay $0x1  }
0xa1: {  	s23 =	simm.s32 $0x1B8B  }
0xa2: {  	_ =	swait.ge [sflag:s23], $0x1  }
0xa3: {  	[sflag:s23] =	ssyncset.done $0x0  }
0xa4: {  	s25 =	simm.s32 $0x1B8E;
	s24 =	sld [smem:$0x3FFE];
	[sflag:s23] =	ssyncadd.s32 $0xFFFFFFFF  }
0xa5: {  	s26 =	simm.s32 $execute0_lowered;
	[smem:$0x3FD2] =	sst s25  }
0xa6: {  	s4 =	sshll.u32 s26, $0x1;
	_ =	strace $0x8000004C;
	[dreg:$0x1] =	wrdreg $0xFFFFFFFF  }
0xa7: {  	s28 =	simm.s32 $_size_execute0_lowered;
	s2 =	sadd.s32 s2, s4;
	[dreg:$0x0] =	wrdreg $0x0  }
0xa8: {  	s4 =	sshll.u32 s28, $0x1;
	[dreg:$0x2] =	wrdreg s2  }
0xa9: {  	[dreg:$0x3] =	wrdreg s4  }
0xaa: {  	[dreg:$0x4] =	wrdreg $0xC0  }
0xab: {  	_ =	task [dreg:s6], $0x5FFFF  }
0xac: {  	[dreg:$0x1] =	wrdreg $0xFFFFFFFF  }
0xad: {  	[dreg:$0x0] =	wrdreg $0x60  }
0xae: {  	[dreg:$0x2] =	wrdreg s24  }
0xaf: {  	[dreg:$0x3] =	wrdreg $0x98000  }
0xb0: {  	[dreg:$0x4] =	wrdreg $0x9  }
0xb1: {  	_ =	task.clear_ibuf [dreg:s6], $0x5FFFF;
	_ =	strace $0x9000004C  }
0xb2: {  	s29 =	simm.s32 $0x9;
	_ =	strace $0x8000004E  }
0xb3: {  	_ =	swait.ge [sflag:s29], $0x1  }
0xb4: {  	[sflag:s29] =	ssyncadd.s32 $0xFFFFFFFF  }
0xb5: {  	_ =	strace $0x9000004E  }
0xb6: {  	_ =	sfence  }
0xb7: {  	s30 =	sld [smem:$0x0];
	_ =	sdelay $0x2  }
0xb8: {  	s31 =	sshll.u32 s1, $0xD;
	s1 =	sshrl.u32 s1, $0x2  }
0xb9: {  	s3 =	sand.u32 $0x4000, s31;
	s1 =	sadd.s32 s1, s30  }
0xba: {  	s0 =	sor.u32 s3, s0;
	s1 =	sshll.u32 s1, $0x11  }
0xbb: {  	s0 =	sor.u32 s1, s0  }
0xbc: {  	s0 =	sadd.s32 $0x8F2B, s0  }
0xbd: {  	[sflag:s0] =	ssyncadd.remote.s32 $0x1  }
0xbe: {  	_ =	sfence.sel $0xFFFF  }
0xbf: {  	[dreg:$0x0] =	wrdreg $0xFFFFFFFF;
	(pc) =	sbr.abs _section_cstart, $3  }
0xc0: {  	[dreg:$0x1] =	wrdreg $0xFFFFFFFF  }
0xc1: {  	_ =	task.clear_ibuf [dreg:s6], $0x2FFFF;
	_ =	strace $0x9FFFFFFF  }
0xc2: {  	(tm) =	ssettm $0x7FFFFFFF  }
0xc3: {  	_ =	shalt  }
tec
execute0_lowered:
.L_overlay_start_1:
0x0: {  	(tag) =	ssettag $0x1  }
0x1: {  	s0 =	rddreg [dreg:$0x0]  }
0x2: {  	s2 =	rddreg [dreg:$0x1];
	s12 =	stileid.u32;
	s3 =	simm.s32 $0x0  }
0x3: {  	s4 =	srdreg.scid;
	s28 =	simm.s32 $0x9;
	s29 =	simm.s32 $0x680  }
0x4: {  	s30 =	simm.s32 $0x800;
	s31 =	simm.s32 $0xE;
	s1 =	smul.u32 $0x13C00, s12  }
0x5: {  	[smem:$0x7FF] =	sst s3;
	s5 =	sand.u32 $0x1, s4;
	s4 =	sadd.s32 $0x1CA00, s0  }
0x6: {  	s8 =	sadd.s32 $0x2600, s0;
	s26 =	smul.u32 $0x4F000, s12;
	s9 =	sshll.u32 s12, $0x1  }
0x7: {  	s15 =	smul.u32 $0xD200, s12;
	s16 =	sshll.u32 s12, $0x6;
	_ =	strace $0x8000004D  }
0x8: {  	s7 =	smul.u32 $0x13C000, s5;
	s10 =	ssub.s32 $0x2, s5;
	s9 =	sor.u32 s5, s9  }
0x9: {  	s5 =	smul.u32 $0x6900, s5;
	s6 =	sshrl.u32 s1, $0x3;
	s11 =	sshrl.u32 s10, $0x1  }
0xa: {  	s9 =	smul.u32 $0x6900, s9;
	s6 =	sadd.s32 s6, s0;
	s1 =	sadd.s32 s1, s7  }
0xb: {  	s7 =	sshrl.u32 s26, $0x2;
	s10 =	ssub.s32 s10, s11;
	s5 =	sadd.s32 s5, s15  }
0xc: {  	s1 =	sshrl.u32 s1, $0x3;
	s13 =	sadd.s32 s7, s2;
	s6 =	sadd.s32 $0x43C00, s6  }
0xd: {  	s14 =	sshrl.u32 s9, $0x3;
	s7 =	sor.u32 $0x1C0F, s16;
	s21 =	smax.u32 s10, $0x1  }
0xe: {  	s22 =	sadd.s32 $0x500, s5;
	s23 =	sadd.s32 $0x700, s5;
	s5 =	sadd.s32 $0x600, s5  }
0xf: {  	s0 =	sadd.s32 s1, s0;
	[dreg:$0x3] =	wrdreg s6;
	s6 =	sadd.s32 s8, s14  }
0x10: {  	[dreg:$0x9] =	wrdreg s21;
	s24 =	sshrl.u32 s23, $0x3;
	s25 =	sshrl.u32 s5, $0x3  }
0x11: {  	s23 =	simm.s32 $0x1;
	s1 =	simm.s32 $0xA;
	s17 =	sadd.s32 $0x20, s6  }
0x12: {  	s21 =	simm.s32 $0xC;
	s18 =	sadd.s32 $0x40, s6;
	[dreg:$0x4] =	wrdreg s17  }
0x13: {  	s5 =	simm.s32 $0x0;
	s19 =	sadd.s32 $0x60, s6;
	[dreg:$0x5] =	wrdreg s18  }
0x14: {  	s20 =	sadd.s32 $0x80, s6;
	s0 =	sadd.s32 $0x6B400, s0;
	[dreg:$0x6] =	wrdreg s19  }
0x15: {  	s26 =	sadd.s32 s25, s8;
	s25 =	simm.s32 $0x2;
	[dreg:$0x7] =	wrdreg s20  }
.Ltmp0:
0x16: {  	[dreg:$0x8] =	wrdreg s0;
	s0 =	sshrl.u32 s22, $0x3;
	(pc) =	sbr.rel .LBB2_1-.Ltmp0, $4  }
0x17: {  	[dreg:$0xc] =	wrdreg s26;
	s17 =	sshrl.u32 s13, $0x3;
	s18 =	simm.s32 $0xF  }
0x18: {  	s26 =	simm.s32 $0x3800;
	s20 =	simm.s32 $0xB;
	s0 =	sadd.s32 s0, s8  }
0x19: {  	s22 =	simm.s32 $0xD;
	[dreg:$0xa] =	wrdreg s0;
	s0 =	sadd.s32 s24, s8  }
0x1a: {  	s24 =	simm.s32 $0x60;
	[dreg:$0xb] =	wrdreg s0;
	s0 =	simm.s32 $0x6800  }
.LBB2_10:
0x1b: {  	s8 =	simm.s32 $0x780  }
0x1c: {  	[spmem:s2] =	stream.indirect.scatter.add.f32 [tilespmem:s26], [sflag:$0xF], $0x80, s8, s24, $0xb8;
	[tilespmem:$0x1D400] =	vst v63  }
0x1d: {  	_ =	swait.ge [sflag:s18], $0x3000  }
0x1e: {  	[sflag:s18] =	ssyncset.done $0x0  }
0x1f: {  	[sflag:s18] =	ssyncadd.s32 $0xFFFFD000  }
0x20: {  	_ =	swait.ge [sflag:s20], $0x3000  }
0x21: {  	[sflag:s20] =	ssyncset.done $0x0  }
0x22: {  	s19 =	simm.s32 $0x80;
	[sflag:s20] =	ssyncadd.s32 $0xFFFFD000  }
0x23: {  	[spmem:s2] =	stream.indirect.scatter.add.f32 [tilespmem:s0], [sflag:$0xF], $0x80, s19, s24, $0xb8;
	[tilespmem:$0x1D400] =	vst v63  }
0x24: {  	_ =	swait.ge [sflag:s18], $0x3000  }
0x25: {  	[sflag:s18] =	ssyncset.done $0x0  }
0x26: {  	[sflag:s18] =	ssyncadd.s32 $0xFFFFD000  }
.LBB2_8:
0x27: {  	[bflag:$0x0] =	sbarrier.arrive $0xFFFF  }
0x28: {  	s8 =	rddreg [dreg:$0x8]  }
0x29: {  	[hbm:s8], [sflag:s7] =	dma.local [spmem:s17], $0x2780  }
0x2a: {  	_ =	swait.ge [sflag:s18], $0x2780  }
0x2b: {  	s5 =	sadd.s32 $0x1, s5;
	s19 =	rddreg [dreg:$0x9]  }
0x2c: {  	p0 =	sne.s32 s5, s19  }
.Ltmp1:
0x2d: {  	_ = 	snop;
	(pc) =	sbr.rel @!p0 .LBB2_9-.Ltmp1, $3  }
0x2e: {  	_ =	sdelay $0x1  }
0x2f: {  	[sflag:s18] =	ssyncset.done $0x0  }
0x30: {  	[sflag:s18] =	ssyncadd.s32 $0xFFFFD880  }
.LBB2_1:
0x31: {  	s8 =	rddreg [dreg:$0x3]  }
0x32: {  	[spmem:s17], [sflag:s7] =	dma.local [hbm:s8], $0x2780  }
0x33: {  	_ =	swait.ge [sflag:s18], $0x2780  }
0x34: {  	[sflag:s18] =	ssyncset.done $0x0  }
0x35: {  	[sflag:s18] =	ssyncadd.s32 $0xFFFFD880  }
0x36: {  	[tilespmem:s3], [sflag:$0x1] =	stream.linear.gather [hbm4b:s6+s3], $0x100, $0x38;
	[tilespmem:$0x1D400] =	vst v63  }
0x37: {  	s9 =	simm.s32 $0x100;
	s12 =	rddreg [dreg:$0x4]  }
0x38: {  	[tilespmem:s9], [sflag:$0x2] =	stream.linear.gather [hbm4b:s12+s3], $0x100, $0x38;
	[tilespmem:$0x1D400] =	vst v63  }
0x39: {  	s10 =	simm.s32 $0x200;
	s13 =	rddreg [dreg:$0x5]  }
0x3a: {  	[tilespmem:s10], [sflag:$0x3] =	stream.linear.gather [hbm4b:s13+s3], $0x100, $0x38;
	[tilespmem:$0x1D400] =	vst v63  }
0x3b: {  	s15 =	simm.s32 $0x300;
	s14 =	rddreg [dreg:$0x6]  }
0x3c: {  	[tilespmem:s15], [sflag:$0x4] =	stream.linear.gather [hbm4b:s14+s3], $0x100, $0x38;
	[tilespmem:$0x1D400] =	vst v63  }
0x3d: {  	s19 =	simm.s32 $0x400;
	s16 =	rddreg [dreg:$0x7]  }
0x3e: {  	[tilespmem:s19], [sflag:$0x5] =	stream.linear.gather [hbm4b:s16+s3], $0x100, $0x38;
	[tilespmem:$0x1D400] =	vst v63  }
0x3f: {  	_ =	swait.ge [sflag:s23], $0x100  }
0x40: {  	[sflag:s23] =	ssyncset.done $0x0  }
0x41: {  	[sflag:s23] =	ssyncadd.s32 $0xFFFFFF00  }
0x42: {  	[tilespmem:s30], [sflag:$0x9] =	stream.indirect.gather [hbm4b:s4+s24], $0x80, s3, s24, $0xb8;
	[tilespmem:$0x1D400] =	vst v63  }
0x43: {  	_ =	swait.ge [sflag:s25], $0x100  }
0x44: {  	[sflag:s25] =	ssyncset.done $0x0  }
0x45: {  	[sflag:s25] =	ssyncadd.s32 $0xFFFFFF00  }
0x46: {  	[tilespmem:s26], [sflag:$0xA] =	stream.indirect.gather [hbm4b:s4+s24], $0x80, s9, s24, $0xb8;
	[tilespmem:$0x1D400] =	vst v63  }
0x47: {  	[bflag:$0x0] =	sbarrier.arrive $0xFFFF  }
0x48: {  	s16 =	rddreg [dreg:$0xc]  }
0x49: {  	s11 =	simm.s32 $0x800;
	s15 =	rddreg [dreg:$0xb]  }
0x4a: {  	s12 =	simm.s32 $0x0;
	s13 =	simm.s32 $0x0;
	s14 =	rddreg [dreg:$0xa]  }
.LBB2_2:
0x4b: {  	p0 =	sne.s32 s13, $0x66  }
.Ltmp2:
0x4c: {  	_ = 	snop;
	(pc) =	sbr.rel @p0 .LBB2_4-.Ltmp2, $4  }
0x4d: {  	_ = 	snop  }
0x4e: {  	_ =	swait.ge [sflag:s28], $0x3000  }
0x4f: {  	[sflag:s28] =	ssyncset.done $0x0  }
0x50: {  	[sflag:s28] =	ssyncadd.s32 $0xFFFFD000  }
.Ltmp3:
0x51: {  	(pc) =	sbr.rel .LBB2_5-.Ltmp3, $4  }
0x52: {  	[spmem:s2] =	stream.indirect.scatter.add.f32 [tilespmem:s30], [sflag:$0xF], $0x80, s29, s24, $0xb8;
	[tilespmem:$0x1D400] =	vst v63  }
0x53: {  	_ =	swait.ge [sflag:s18], $0x3000  }
0x54: {  	[sflag:s18] =	ssyncset.done $0x0  }
0x55: {  	s10 =	simm.s32 $0x68;
	[sflag:s18] =	ssyncadd.s32 $0xFFFFD000  }
.LBB2_4:
0x56: {  	s10 =	sadd.s32 $0xFFFFF800, s11  }
0x57: {  	s10 =	sand.u32 $0x1C00, s10  }
0x58: {  	s10 =	sshrl.u32 s10, $0x2  }
0x59: {  	p0 =	seq.s32 s13, $0x0;
	s10 =	sor.u32 $0x80, s10  }
0x5a: {  	[spmem:s2] =	stream.indirect.scatter.add.f32 [tilespmem:s30], [sflag:$0xC], $0x80, s10, s24, $0xb8;
	[tilespmem:$0x1D400] =	vst v63  }
.Ltmp4:
0x5b: {  	s19 =	sadd.s32 $0x5, s13;
	(pc) =	sbr.rel @p0 .LBB2_6-.Ltmp4, $4  }
0x5c: {  	s10 =	sand.u32 $0x7, s19  }
0x5d: {  	s19 =	sshll.u32 s10, $0x8;
	s10 =	sadd.s32 $0x1, s10  }
0x5e: {  	[tilespmem:s19], [sflag:s10] =	stream.linear.gather [hbm4b:s14+s3], $0x100, $0x38;
	[tilespmem:$0x1D400] =	vst v63  }
0x5f: {  	s10 =	sadd.s32 $0x2, s13  }
.LBB2_5:
0x60: {  	_ =	swait.ge [sflag:s31], $0x3000  }
0x61: {  	[sflag:s31] =	ssyncset.done $0x0  }
0x62: {  	[sflag:s31] =	ssyncadd.s32 $0xFFFFD000  }
.LBB2_6:
0x63: {  	s10 =	sand.u32 $0x7, s10  }
0x64: {  	s19 =	sadd.s32 $0x1, s10  }
0x65: {  	_ =	swait.ge [sflag:s19], $0x100  }
0x66: {  	p0 =	seq.s32 s13, $0x66;
	[sflag:s19] =	ssyncset.done $0x0  }
.Ltmp5:
0x67: {  	s10 =	sshll.u32 s10, $0x8;
	[sflag:s19] =	ssyncadd.s32 $0xFFFFFF00;
	(pc) =	sbr.rel @p0 .LBB2_10-.Ltmp5, $4  }
0x68: {  	[tilespmem:s0], [sflag:$0xB] =	stream.indirect.gather [hbm4b:s4+s24], $0x80, s10, s24, $0xb8;
	[tilespmem:$0x1D400] =	vst v63  }
0x69: {  	_ =	swait.ge [sflag:s1], $0x3000  }
0x6a: {  	[sflag:s1] =	ssyncset.done $0x0  }
0x6b: {  	[sflag:s1] =	ssyncadd.s32 $0xFFFFD000  }
0x6c: {  	s10 =	sadd.s32 $0xFFFFFC00, s11  }
0x6d: {  	s10 =	sand.u32 $0x1C00, s10  }
0x6e: {  	s10 =	sshrl.u32 s10, $0x2  }
0x6f: {  	p0 =	sgt.u32 s12, $0x20;
	s10 =	sor.u32 $0x80, s10  }
0x70: {  	[spmem:s2] =	stream.indirect.scatter.add.f32 [tilespmem:s26], [sflag:$0xD], $0x80, s10, s24, $0xb8;
	[tilespmem:$0x1D400] =	vst v63  }
0x71: {  	s10 =	sadd.s32 @!p0 $0x6, s13  }
0x72: {  	s10 =	sand.u32 @!p0 $0x7, s10  }
0x73: {  	s9 =	simm.s32 @!p0 $0x0;
	s19 =	sshll.u32 @!p0 s10, $0x8;
	s10 =	sadd.s32 @!p0 $0x1, s10  }
0x74: {  	[tilespmem:s19], [sflag:s10] =	stream.linear.gather @!p0 [hbm4b:s16+s9], $0x100, $0x38;
	[tilespmem:$0x1D400] =	vst v63  }
0x75: {  	s10 =	sadd.s32 $0x3, s13;
	_ =	swait.ge [sflag:s21], $0x3000  }
0x76: {  	s19 =	sand.u32 $0x7, s10;
	[sflag:s21] =	ssyncset.done $0x0  }
0x77: {  	s8 =	sadd.s32 $0x1, s19;
	[sflag:s21] =	ssyncadd.s32 $0xFFFFD000  }
0x78: {  	_ =	swait.ge [sflag:s8], $0x100  }
0x79: {  	[sflag:s8] =	ssyncset.done $0x0  }
0x7a: {  	s19 =	sshll.u32 s19, $0x8;
	[sflag:s8] =	ssyncadd.s32 $0xFFFFFF00  }
0x7b: {  	[tilespmem:s30], [sflag:$0x9] =	stream.indirect.gather [hbm4b:s4+s24], $0x80, s19, s24, $0xb8;
	[tilespmem:$0x1D400] =	vst v63  }
0x7c: {  	s19 =	sand.u32 $0x1C00, s11;
	_ =	swait.ge [sflag:s20], $0x3000  }
0x7d: {  	s8 =	sshrl.u32 s19, $0x2;
	[sflag:s20] =	ssyncset.done $0x0  }
0x7e: {  	s8 =	sor.u32 $0x80, s8;
	[sflag:s20] =	ssyncadd.s32 $0xFFFFD000  }
0x7f: {  	[spmem:s2] =	stream.indirect.scatter.add.f32 [tilespmem:s0], [sflag:$0xE], $0x80, s8, s24, $0xb8;
	[tilespmem:$0x1D400] =	vst v63  }
0x80: {  	s8 =	sadd.s32 @!p0 $0xFFFFFFFF, s13  }
0x81: {  	s8 =	sand.u32 @!p0 $0x7, s8  }
0x82: {  	s12 =	sadd.s32 $0x1, s12;
	s19 =	sshll.u32 @!p0 s8, $0x8;
	s8 =	sadd.s32 @!p0 $0x1, s8  }
0x83: {  	[tilespmem:s19], [sflag:s8] =	stream.linear.gather @!p0 [hbm4b:s15+s9], $0x100, $0x38;
	[tilespmem:$0x1D400] =	vst v63  }
0x84: {  	s14 =	sadd.s32 $0x60, s14;
	s13 =	sand.u32 $0x7, s13;
	_ =	swait.ge [sflag:s22], $0x3000  }
0x85: {  	s8 =	sxor.u32 $0x4, s13;
	p0 =	sne.s32 s10, $0x69;
	[sflag:s22] =	ssyncset.done $0x0  }
.Ltmp6:
0x86: {  	s19 =	sadd.s32 $0x1, s8;
	[sflag:s22] =	ssyncadd.s32 $0xFFFFD000;
	(pc) =	sbr.rel @p0 .LBB2_2-.Ltmp6, $4  }
.Ltmp7:
0x87: {  	s16 =	sadd.s32 $0x60, s16;
	_ =	swait.ge [sflag:s19], $0x100;
	(pc) =	sbr.rel @!p0 .LBB2_8-.Ltmp7, $4  }
0x88: {  	s11 =	sadd.s32 $0xC00, s11;
	s15 =	sadd.s32 $0x60, s15;
	[sflag:s19] =	ssyncset.done $0x0  }
0x89: {  	s13 =	smov.u32 s10;
	s8 =	sshll.u32 s8, $0x8;
	[sflag:s19] =	ssyncadd.s32 $0xFFFFFF00  }
0x8a: {  	[tilespmem:s26], [sflag:$0xA] =	stream.indirect.gather [hbm4b:s4+s24], $0x80, s8, s24, $0xb8;
	[tilespmem:$0x1D400] =	vst v63  }
0x8b: {  	_ = 	snop  }
.LBB2_9:
0x8c: {  	_ =	sfence.sel $0x180000  }
0x8d: {  	[bflag:$0x0] =	sbarrier.arrive $0xFFFF  }
0x8e: {  	_ =	strace $0x9000004D  }
0x8f: {  	s0 =	stileid.u32;
	[bflag:$0x2] =	sbarrier.arrive $0xFFFF  }
0x90: {  	p0 =	sne.s32 s0, $0x0;
	s0 =	rddreg [dreg:$0x2]  }
0x91: {  	s0 =	sadd.s32 @!p0 $0x100000, s0  }
0x92: {  	[sflag:s0] =	ssyncadd.tile.s32 @!p0 $0x1;
	_ =	shalt  }
.Lfunc_end2:
_tile_overlayer_lowered:
.L_overlay_start_2:
0x93: {  	(tag) =	ssettag $0x2  }
0x94: {  	s0 =	rddreg [dreg:$0x0];
	s2 =	stileid.u32  }
0x95: {  	s1 =	rddreg [dreg:$0x1];
	p0 =	sne.s32 s2, $0x0  }
0x96: {  	s3 =	rddreg [dreg:$0x2];
	[bflag:$0x3] =	sbarrier.arrive $0xFFFF;
	s2 =	simm.s32 @!p0 $0x1C0F  }
0x97: {  	[timem:s3], [sflag:s2] =	dma.local @!p0 [hbm:s0], s1  }
0x98: {  	s0 =	simm.s32 @!p0 $0xF  }
0x99: {  	_ =	swait.ge @!p0 [sflag:s0], s1  }
0x9a: {  	s1 =	ssub.s32 @!p0 $0x0, s1;
	[sflag:s0] =	ssyncset.done @!p0 $0x0  }
0x9b: {  	[sflag:s0] =	ssyncadd.s32 @!p0 s1  }
0x9c: {  	[bflag:$0x3] =	sbarrier.arrive $0xFFFF  }
0x9d: {  	_ =	shalt  }

// kernel: kernel.8.cloned.1.call-start
scs
__scs_entry_jumppad:
0x0: {  	(pc) =	sbr.rel $0x88, $3  }
0x1: {  	(tag) =	ssettag $0x0;
	lr =	simm.s32 $0x1  }
0x2: {  	[smem:$0x3F99] =	sst lr;
	_ =	strace $0xD0000000  }
0x3: {  	_ = 	snop  }
0x4: {  	_ = 	snop  }
0x5: {  	_ = 	snop  }
0x6: {  	_ = 	snop  }
0x7: {  	_ = 	snop  }
__scs_overlays_trampoline_lowered:
0x8: {  	[smem:$0x3FA8] =	sst s0  }
0x9: {  	[smem:$0x3FA9] =	sst s1  }
0xa: {  	[smem:$0x3FAA] =	sst s2  }
0xb: {  	[smem:$0x3FAB] =	sst s3  }
0xc: {  	[smem:$0x3FAC] =	sst s4  }
0xd: {  	[smem:$0x3FAD] =	sst s5  }
0xe: {  	[smem:$0x3FAE] =	sst s6  }
0xf: {  	[smem:$0x3FAF] =	sst s7  }
0x10: {  	[smem:$0x3FB0] =	sst s8  }
0x11: {  	[smem:$0x3FB1] =	sst s9;
	s0 =	simm.s32 @!p0 $0x0  }
0x12: {  	s1 =	sld [smem:$0x3F97];
	s0 =	simm.s32 @p0 $0x1  }
0x13: {  	[smem:$0x3FB2] =	sst s0;
	s0 =	simm.s32 @!p1 $0x0  }
0x14: {  	s2 =	sld [smem:$0x3F96];
	s0 =	simm.s32 @p1 $0x1  }
0x15: {  	[smem:$0x3FB3] =	sst s0;
	s0 =	simm.s32 @!p2 $0x0  }
0x16: {  	s3 =	sld [smem:$0x3FDB];
	s0 =	simm.s32 @p2 $0x1  }
0x17: {  	s4 =	simm.s32 $0x1BF5;
	[smem:$0x3FB5] =	sst s0  }
0x18: {  	s0 =	sld [smem:$0x3F98];
	_ =	swait.ge [sflag:s4], $0x0  }
0x19: {  	s7 =	sld [smem:$0x3F99]  }
0x1a: {  	s8 =	sadd.s32 $0xFFFFE003, lr  }
0x1b: {  	s9 =	sadd.s32 $0xFFFFFEF7, lr;
	s5 =	simm.s32 $0xFFFFFFFF;
	p2 =	slt.u32 s8, $0xFFFFF086  }
0x1c: {  	p1 =	slt.u32 s9, $0xF7A;
	s5 =	simm.s32 @!p2 $0x0  }
0x1d: {  	s5 =	simm.s32 @p1 $0x1;
	p0 =	seq.s32 s7, s2  }
0x1e: {  	s7 =	smul.u32 @!p0 $0xF7A, s2;
	p2 =	seq.s32 @!p0 s5, $0x0  }
0x1f: {  	s9 =	smul.u32 $0xF7A, s1;
	s8 =	simm.s32 @!p0 $0x1BF5;
	p2 =	por !p2, p0  }
0x20: {  	[sflag:s8] =	ssyncset.s32 @!p0 $0xFFFFF086;
	s6 =	sadd.s32 @!p0 s3, s7;
	s7 =	simm.s32 @!p0 $0x108  }
0x21: {  	s3 =	sadd.s32 s3, s9;
	s6 =	sadd.s32 @!p0 $0x88, s6;
	s7 =	simm.s32 @p2 $0x1082  }
0x22: {  	[simem:s7], [sflag:s8] =	dma.local @!p0 [hbm:s6], $0xF7A  }
0x23: {  	s9 =	sor.u32 $0xD0000000, s2;
	s6 =	simm.s32 $0x108;
	_ =	swait.ge @!p0 [sflag:s8], $0x0  }
0x24: {  	s3 =	sadd.s32 $0x88, s3;
	s6 =	simm.s32 @!p1 $0x1082;
	[sflag:s4] =	ssyncset.s32 $0xFFFFF086  }
0x25: {  	[simem:s6], [sflag:s4] =	dma.local [hbm:s3], $0xF7A  }
0x26: {  	[smem:$0x3F99] =	sst s1;
	(tag) =	ssettag s2;
	_ =	strace s9  }
0x27: {  	s1 =	sld [smem:$0x3FA9]  }
0x28: {  	s2 =	sld [smem:$0x3FAA]  }
0x29: {  	s4 =	sld [smem:$0x3FAC]  }
0x2a: {  	p0 =	seq.s32 s5, $0x0;
	s5 =	sld [smem:$0x3FAD]  }
0x2b: {  	s6 =	sld [smem:$0x3FAE]  }
0x2c: {  	s7 =	sld [smem:$0x3FAF]  }
0x2d: {  	s3 =	simm.s32 $0x108;
	s8 =	sld [smem:$0x3FB0]  }
0x2e: {  	s3 =	simm.s32 @!p0 $0x1082;
	s9 =	sld [smem:$0x3FB1]  }
0x2f: {  	lr =	sadd.s32 s0, s3;
	s0 =	sld [smem:$0x3FA8]  }
0x30: {  	s3 =	sld [smem:$0x3FAB]  }
0x31: {  	[smem:$0x3FB4] =	sst s10  }
0x32: {  	s10 =	sld [smem:$0x3FB2];
	_ =	sdelay $0x3  }
0x33: {  	p0 =	seq.s32 s10, $0x1;
	s10 =	sld [smem:$0x3FB4];
	_ =	sdelay $0x3  }
0x34: {  	[smem:$0x3FB4] =	sst s10  }
0x35: {  	s10 =	sld [smem:$0x3FB3];
	_ =	sdelay $0x3  }
0x36: {  	p1 =	seq.s32 s10, $0x1;
	s10 =	sld [smem:$0x3FB4];
	_ =	sdelay $0x3  }
0x37: {  	[smem:$0x3FB4] =	sst s10  }
0x38: {  	s10 =	sld [smem:$0x3FB5]  }
0x39: {  	_ = 	snop;
	(pc) =	sbr.ind lr, $3  }
0x3a: {  	_ = 	snop  }
0x3b: {  	_ = 	snop  }
0x3c: {  	p2 =	seq.s32 s10, $0x1;
	s10 =	sld [smem:$0x3FB4]  }
0x3d: {  	_ =	shalt  }
0x3e: {  	_ =	shalt  }
0x3f: {  	_ =	shalt  }
0x40: {  	_ =	shalt  }
0x41: {  	_ =	shalt  }
0x42: {  	_ =	shalt  }
0x43: {  	_ =	shalt  }
0x44: {  	_ =	shalt  }
0x45: {  	_ =	shalt  }
0x46: {  	_ =	shalt  }
0x47: {  	_ =	shalt  }
0x48: {  	_ =	shalt  }
0x49: {  	_ =	shalt  }
0x4a: {  	_ =	shalt  }
0x4b: {  	_ =	shalt  }
0x4c: {  	_ =	shalt  }
0x4d: {  	_ =	shalt  }
0x4e: {  	_ =	shalt  }
0x4f: {  	_ =	shalt  }
0x50: {  	_ =	shalt  }
0x51: {  	_ =	shalt  }
0x52: {  	_ =	shalt  }
0x53: {  	_ =	shalt  }
0x54: {  	_ =	shalt  }
0x55: {  	_ =	shalt  }
0x56: {  	_ =	shalt  }
0x57: {  	_ =	shalt  }
0x58: {  	_ =	shalt  }
0x59: {  	_ =	shalt  }
0x5a: {  	_ =	shalt  }
0x5b: {  	_ =	shalt  }
0x5c: {  	_ =	shalt  }
0x5d: {  	_ =	shalt  }
0x5e: {  	_ =	shalt  }
0x5f: {  	_ =	shalt  }
0x60: {  	_ =	shalt  }
0x61: {  	_ =	shalt  }
0x62: {  	_ =	shalt  }
0x63: {  	_ =	shalt  }
0x64: {  	_ =	shalt  }
0x65: {  	_ =	shalt  }
0x66: {  	_ =	shalt  }
0x67: {  	_ =	shalt  }
0x68: {  	_ =	shalt  }
0x69: {  	_ =	shalt  }
0x6a: {  	_ =	shalt  }
0x6b: {  	_ =	shalt  }
0x6c: {  	_ =	shalt  }
0x6d: {  	_ =	shalt  }
0x6e: {  	_ =	shalt  }
0x6f: {  	_ =	shalt  }
0x70: {  	_ =	shalt  }
0x71: {  	_ =	shalt  }
0x72: {  	_ =	shalt  }
0x73: {  	_ =	shalt  }
0x74: {  	_ =	shalt  }
0x75: {  	_ =	shalt  }
0x76: {  	_ =	shalt  }
0x77: {  	_ =	shalt  }
0x78: {  	_ =	shalt  }
0x79: {  	_ =	shalt  }
0x7a: {  	_ =	shalt  }
0x7b: {  	_ =	shalt  }
0x7c: {  	_ =	shalt  }
0x7d: {  	_ =	shalt  }
0x7e: {  	_ =	shalt  }
0x7f: {  	_ =	shalt  }
0x80: {  	_ =	shalt  }
0x81: {  	_ =	shalt  }
0x82: {  	_ =	shalt  }
0x83: {  	_ =	shalt  }
0x84: {  	_ =	shalt  }
0x85: {  	_ =	shalt  }
0x86: {  	_ =	shalt  }
0x87: {  	_ =	shalt  }
.Lfunc_end0:
.L_simem_size_0:
called_computation_lowered:
.L_overlay_start_0:
0x88: {  	s2 =	sld [smem:$0x3FD9]  }
0x89: {  	s3 =	sld [smem:$0x3FFE];
	_ =	sdelay $0x1  }
0x8a: {  	s1 =	srdreg.scid  }
0x8b: {  	s0 =	sand.u32 $0x1, s1  }
0x8c: {  	s14 =	sshll.u32 s0, $0xA;
	s2 =	sadd.s32 s3, s2  }
0x8d: {  	s2 =	sadd.s32 s2, s14  }
0x8e: {  	[smem:$0x3FC0] =	sst s2  }
0x8f: {  	_ = 	snop  }
0x90: {  	s2 =	sld [smem:$0x3FD0];
	_ =	sdelay $0x2  }
0x91: {  	s15 =	simm.s32 $0xA;
	s4 =	simm.s32 $0x10  }
0x92: {  	[smem:s4], [sflag:s15] =	dma.local [hbm:s2], $0x1  }
0x93: {  	_ =	swait.eq [sflag:s15], $0x1  }
0x94: {  	[sflag:s15] =	ssyncset.done $0x0  }
0x95: {  	s16 =	sld [smem:$0x10];
	[sflag:s15] =	ssyncadd.s32 $0xFFFFFFFF  }
0x96: {  	s17 =	sld [smem:$0x11];
	(tm) =	ssettm $0x1  }
0x97: {  	s18 =	sld [smem:$0x3FFB];
	_ =	sdelay $0x3  }
0x98: {  	_ =	strace s18  }
0x99: {  	s4 =	sld [smem:$0x3FFC];
	_ =	sdelay $0x3  }
0x9a: {  	_ =	strace s4  }
0x9b: {  	s4 =	sld [smem:$0x3FFD];
	_ =	sdelay $0x3  }
0x9c: {  	_ =	strace s4  }
0x9d: {  	_ =	strace $0x8FFFFFFF  }
0x9e: {  	s19 =	sld [smem:$0x3FDB];
	_ =	sdelay $0x1  }
0x9f: {  	s5 =	simm.s32 $_scs_section_size  }
0xa0: {  	s6 =	simm.s32 $_size__tile_overlayer_lowered;
	s7 =	simm.s32 $_tile_overlayer_lowered  }
0xa1: {  	s22 =	simm.s32 $0x1BFF;
	s21 =	sshll.u32 s7, $0x1;
	s4 =	sadd.s32 s5, s19  }
0xa2: {  	s8 =	simm.s32 $0x0;
	s20 =	sshll.u32 s6, $0x1;
	s6 =	sadd.s32 s21, s4  }
0xa3: {  	[timem:s8], [sflag:s22] =	dma.local [hbm:s6], s20  }
0xa4: {  	_ =	swait.ge [sflag:s22], s20  }
0xa5: {  	s5 =	ssub.s32 $0x0, s20;
	[sflag:s22] =	ssyncset.done $0x0  }
0xa6: {  	[sflag:s22] =	ssyncadd.s32 s5;
	_ =	sdelay $0x1  }
0xa7: {  	s23 =	simm.s32 $0x1B8B  }
0xa8: {  	_ =	swait.ge [sflag:s23], $0x1  }
0xa9: {  	[sflag:s23] =	ssyncset.done $0x0  }
0xaa: {  	s25 =	simm.s32 $0x1B8E;
	s24 =	sld [smem:$0x3FFE];
	[sflag:s23] =	ssyncadd.s32 $0xFFFFFFFF  }
0xab: {  	s26 =	simm.s32 $execute0_lowered;
	[smem:$0x3FD2] =	sst s25  }
0xac: {  	s6 =	sshll.u32 s26, $0x1;
	_ =	strace $0x80000046;
	[dreg:$0x1] =	wrdreg $0xFFFFFFFF  }
0xad: {  	s28 =	simm.s32 $_size_execute0_lowered;
	s4 =	sadd.s32 s4, s6;
	[dreg:$0x0] =	wrdreg $0x0  }
0xae: {  	s6 =	sshll.u32 s28, $0x1;
	[dreg:$0x2] =	wrdreg s4  }
0xaf: {  	[dreg:$0x3] =	wrdreg s6  }
0xb0: {  	[dreg:$0x4] =	wrdreg $0xC0  }
0xb1: {  	_ =	task [dreg:s8], $0x5FFFF  }
0xb2: {  	[dreg:$0x1] =	wrdreg $0xFFFFFFFF  }
0xb3: {  	[dreg:$0x0] =	wrdreg $0x60  }
0xb4: {  	[dreg:$0x2] =	wrdreg s24  }
0xb5: {  	[dreg:$0x3] =	wrdreg s16  }
0xb6: {  	[dreg:$0x4] =	wrdreg s17  }
0xb7: {  	[dreg:$0x5] =	wrdreg $0x69800  }
0xb8: {  	[dreg:$0x6] =	wrdreg $0x9  }
0xb9: {  	_ =	task.clear_ibuf [dreg:s8], $0x7FFFF;
	_ =	strace $0x90000046  }
0xba: {  	s29 =	simm.s32 $0x9;
	_ =	strace $0x80000048  }
0xbb: {  	_ =	swait.ge [sflag:s29], $0x1  }
0xbc: {  	[sflag:s29] =	ssyncadd.s32 $0xFFFFFFFF  }
0xbd: {  	_ =	strace $0x90000048  }
0xbe: {  	_ =	sfence  }
0xbf: {  	s30 =	sld [smem:$0x0];
	_ =	sdelay $0x2  }
0xc0: {  	s31 =	sshll.u32 s1, $0xD;
	s1 =	sshrl.u32 s1, $0x2  }
0xc1: {  	s3 =	sand.u32 $0x4000, s31;
	s1 =	sadd.s32 s1, s30  }
0xc2: {  	s0 =	sor.u32 s3, s0;
	s1 =	sshll.u32 s1, $0x11  }
0xc3: {  	s0 =	sor.u32 s1, s0  }
0xc4: {  	s0 =	sadd.s32 $0x8F2B, s0  }
0xc5: {  	[sflag:s0] =	ssyncadd.remote.s32 $0x1  }
0xc6: {  	_ =	sfence.sel $0xFFFF  }
0xc7: {  	[dreg:$0x0] =	wrdreg $0xFFFFFFFF;
	(pc) =	sbr.abs _section_cstart, $3  }
0xc8: {  	[dreg:$0x1] =	wrdreg $0xFFFFFFFF  }
0xc9: {  	_ =	task.clear_ibuf [dreg:s8], $0x2FFFF;
	_ =	strace $0x9FFFFFFF  }
0xca: {  	(tm) =	ssettm $0x7FFFFFFF  }
0xcb: {  	_ =	shalt  }
tec
execute0_lowered:
.L_overlay_start_1:
0x0: {  	(tag) =	ssettag $0x1  }
0x1: {  	s4 =	rddreg [dreg:$0x0]  }
0x2: {  	s5 =	rddreg [dreg:$0x1]  }
0x3: {  	s8 =	rddreg [dreg:$0x2];
	s1 =	srdreg.scid  }
0x4: {  	s0 =	stileid.u32;
	s2 =	rddreg [dreg:$0x3]  }
0x5: {  	s3 =	simm.s32 $0x0;
	s13 =	simm.s32 $0x60;
	s14 =	simm.s32 $0x20  }
0x6: {  	s15 =	simm.s32 $0x10;
	s16 =	simm.s32 $0x0;
	s6 =	sand.u32 $0x1, s1  }
0x7: {  	s7 =	sshll.u32 s0, $0x1;
	s1 =	rddreg [dreg:$0x4];
	s11 =	smul.u32 $0x280, s0  }
0x8: {  	[smem:$0x7FF] =	sst s3;
	s30 =	smul.u32 $0x500, s0;
	s31 =	sshll.u32 s0, $0x6  }
0x9: {  	s7 =	sor.u32 s6, s7;
	_ =	strace $0x80000047;
	s9 =	ssub.s32 $0x2, s6  }
0xa: {  	s6 =	sshll.u32 s6, $0x7;
	s7 =	smul.u32 $0xD20, s7;
	s10 =	sshrl.u32 s9, $0x1  }
0xb: {  	s12 =	sadd.s32 s11, s2;
	s11 =	sshrl.u32 s11, $0x3;
	s9 =	ssub.s32 s9, s10  }
0xc: {  	s5 =	sadd.s32 s5, s11;
	s10 =	sor.u32 s6, s30;
	s6 =	sor.u32 $0x1C01, s31  }
0xd: {  	s11 =	simm.s32 $0x1;
	s7 =	sadd.s32 s7, s4;
	s4 =	sadd.s32 $0x1CA00, s4  }
0xe: {  	s10 =	sshrl.u32 s10, $0x3;
	s9 =	smax.u32 s9, $0x1;
	s7 =	sadd.s32 $0x2600, s7  }
0xf: {  	s8 =	sadd.s32 s8, s10;
	s10 =	sshrl.u32 s12, $0x3;
	s12 =	simm.s32 $0x6900  }
.LBB2_1:
0x10: {  	[spmem:s10], [sflag:s6] =	dma.local [hbm:s5], $0x50  }
0x11: {  	_ =	swait.ge [sflag:s11], $0x50  }
0x12: {  	[sflag:s11] =	ssyncset.done $0x0  }
0x13: {  	[sflag:s11] =	ssyncadd.s32 $0xFFFFFFB0  }
0x14: {  	[tilespmem:s12], [sflag:$0x1] =	stream.linear.gather [hbm4b:s4+s3], $0x80, $0x38;
	[tilespmem:$0x6C00] =	vst v63  }
0x15: {  	_ =	swait.ge [sflag:s11], $0x80  }
0x16: {  	[sflag:s11] =	ssyncset.done $0x0  }
0x17: {  	[sflag:s11] =	ssyncadd.s32 $0xFFFFFF80  }
0x18: {  	[tilespmem:s3], [sflag:$0x1] =	stream.linear.gather [hbm4b:s7+s3], $0x6900, $0x38;
	[tilespmem:$0x6C00] =	vst v63  }
0x19: {  	_ =	swait.ge [sflag:s11], $0x6900  }
0x1a: {  	[sflag:s11] =	ssyncset.done $0x0  }
0x1b: {  	[sflag:s11] =	ssyncadd.s32 $0xFFFF9700  }
0x1c: {  	s17 =	simm.s32 $0x80;
	[bflag:$0x0] =	sbarrier.arrive $0xFFFF  }
0x1d: {  	[spmem:s2] =	stream.indirect.scatter.add.f32 [tilespmem:s12], [sflag:$0x1], $0x1, s17, s13, $0xb8;
	[tilespmem:$0x6C00] =	vst v63  }
0x1e: {  	_ =	swait.ge [sflag:s11], $0x60  }
0x1f: {  	s17 =	simm.s32 $0x600;
	[sflag:s11] =	ssyncset.done $0x0  }
.LBB2_2:
0x20: {  	s18 =	sshra.s32 s17, $0x2;
	[sflag:s11] =	ssyncadd.s32 $0xFFFFFFA0;
	p0 =	sne.s32 s17, $0x1A200  }
0x21: {  	[spmem:s2] =	stream.indirect.scatter.add.f32 [tilespmem:s12], [sflag:$0x1], $0x1, s18, s13, $0xb8;
	[tilespmem:$0x6C00] =	vst v63  }
.Ltmp0:
0x22: {  	_ = 	snop;
	(pc) =	sbr.rel @p0 .LBB2_2-.Ltmp0, $4  }
0x23: {  	_ = 	snop  }
0x24: {  	s17 =	sadd.s32 $0x400, s17  }
0x25: {  	_ =	swait.ge [sflag:s11], $0x60  }
0x26: {  	[sflag:s11] =	ssyncset.done $0x0  }
0x27: {  	s16 =	sadd.s32 $0x1, s16  }
0x28: {  	[sflag:s11] =	ssyncadd.s32 $0xFFFFFFA0;
	p0 =	sne.s32 s16, s9  }
.Ltmp1:
0x29: {  	[bflag:$0x0] =	sbarrier.arrive $0xFFFF;
	(pc) =	sbr.rel @p0 .LBB2_1-.Ltmp1, $4  }
0x2a: {  	[hbm:s8@s14], [sflag:s6] =	dma.strided [spmem:s10@s15], $0x50, s11, $0x10   }
0x2b: {  	_ =	swait.ge [sflag:s11], $0x50  }
0x2c: {  	[sflag:s11] =	ssyncset.done $0x0  }
0x2d: {  	[sflag:s11] =	ssyncadd.s32 $0xFFFFFFB0  }
0x2e: {  	_ =	sfence.sel $0x180000  }
0x2f: {  	[bflag:$0x0] =	sbarrier.arrive $0xFFFF  }
0x30: {  	p0 =	sne.s32 s0, $0x0;
	_ =	strace $0x90000047  }
0x31: {  	s0 =	sadd.s32 @!p0 $0x100000, s1;
	[bflag:$0x2] =	sbarrier.arrive $0xFFFF  }
0x32: {  	[sflag:s0] =	ssyncadd.tile.s32 @!p0 $0x1;
	_ =	shalt  }
.Lfunc_end2:
_tile_overlayer_lowered:
.L_overlay_start_2:
0x33: {  	(tag) =	ssettag $0x2  }
0x34: {  	s0 =	rddreg [dreg:$0x0];
	s2 =	stileid.u32  }
0x35: {  	s1 =	rddreg [dreg:$0x1];
	p0 =	sne.s32 s2, $0x0  }
0x36: {  	s3 =	rddreg [dreg:$0x2];
	[bflag:$0x3] =	sbarrier.arrive $0xFFFF;
	s2 =	simm.s32 @!p0 $0x1C01  }
0x37: {  	[timem:s3], [sflag:s2] =	dma.local @!p0 [hbm:s0], s1  }
0x38: {  	s0 =	simm.s32 @!p0 $0x1  }
0x39: {  	_ =	swait.ge @!p0 [sflag:s0], s1  }
0x3a: {  	s1 =	ssub.s32 @!p0 $0x0, s1;
	[sflag:s0] =	ssyncset.done @!p0 $0x0  }
0x3b: {  	[sflag:s0] =	ssyncadd.s32 @!p0 s1  }
0x3c: {  	[bflag:$0x3] =	sbarrier.arrive $0xFFFF  }
0x3d: {  	_ =	shalt  }

</sc_bundles>
